<compile_context>
chip_gen: v7x
topology: tpu7x:2x2x1
jax: 0.10.2.dev20260603
libtpu: 0.0.44.dev20260713+nightly
codegen_flags: <defaults>
</compile_context>

<pallas_src>
import functools

import jax
import jax.numpy as jnp
from jax import lax
from jax.experimental import pallas as pl
from jax.experimental.pallas import tpu as pltpu
from jax.experimental.pallas import tpu_sc as plsc

H = 768
E = 8
K = 2
INTER = 2048
IT = 512
ONE_BITS = 0x3F800000


def _cumsum_lanes(a):
    r, c = a.shape
    s = 1
    while s < c:
        shifted = jnp.concatenate(
            [jnp.zeros((r, s), a.dtype), a[:, : c - s]], axis=1)
        a = a + shifted
        s *= 2
    return a


def _routing_kernel(cap, cstride, x_ref, wg1x_ref, wg1s_ref, bg1_ref,
                    wg2_ref, wcol_ref, tid_ref):
    T = x_ref.shape[0]
    x = x_ref[...]
    n = jnp.float32(H)
    s1 = jnp.sum(x, axis=1, keepdims=True)
    mean = s1 / n
    xc = x - mean
    var = jnp.sum(xc * xc, axis=1, keepdims=True) / (n - 1.0)
    std = jnp.sqrt(var)
    mn = jnp.min(x, axis=1, keepdims=True)
    mx = jnp.max(x, axis=1, keepdims=True)
    l2 = jnp.sqrt(jnp.sum(x * x, axis=1, keepdims=True))
    sp = jnp.sum((jnp.abs(x) < 1e-6).astype(jnp.float32), axis=1,
                 keepdims=True) / n
    stats = jnp.concatenate(
        [mean, std, mn, mx, l2, sp, jnp.zeros((T, 2), jnp.float32)], axis=1)

    h = (lax.dot_general(wg1x_ref[...], x, (((1,), (1,)), ((), ())),
                         preferred_element_type=jnp.float32)
         + lax.dot_general(wg1s_ref[...], stats, (((1,), (1,)), ((), ())),
                           preferred_element_type=jnp.float32)
         + bg1_ref[...])
    h = 0.5 * h * (1.0 + lax.erf(h * 0.7071067811865476))
    logits = lax.dot_general(wg2_ref[...], h, (((1,), (0,)), ((), ())),
                             preferred_element_type=jnp.float32)

    m = jnp.max(logits, axis=0, keepdims=True)
    ex = jnp.exp(logits - m)
    p = ex / jnp.sum(ex, axis=0, keepdims=True)

    iota8 = lax.broadcasted_iota(jnp.int32, (E, T), 0)
    a1 = jnp.max(p, axis=0, keepdims=True)
    e1 = jnp.min(jnp.where(p == a1, iota8, E + 1), axis=0, keepdims=True)
    pmask = jnp.where(iota8 == e1, -jnp.inf, p)
    a2 = jnp.max(pmask, axis=0, keepdims=True)
    e2 = jnp.min(jnp.where(pmask == a2, iota8, E + 1), axis=0, keepdims=True)
    wsum = a1 + a2
    w1 = a1 / wsum
    w2 = a2 / wsum

    wfull = jnp.where(iota8 == e1, w1, jnp.where(iota8 == e2, w2, 0.0))
    valid = ((iota8 == e1) | (iota8 == e2)) & (wfull > 0.0)
    wbits = jnp.where(valid, lax.bitcast_convert_type(wfull, jnp.int32),
                      jnp.int32(-1))

    lo = jnp.zeros((E, 1), jnp.int32)
    hi = jnp.full((E, 1), ONE_BITS, jnp.int32)
    for _ in range(31):
        mid = (lo + hi) // 2
        cnt = jnp.sum((wbits > mid).astype(jnp.int32), axis=1, keepdims=True)
        small = cnt < cap
        upd = lo < hi
        hi = jnp.where(upd & small, mid, hi)
        lo = jnp.where(upd & (~small), mid + 1, lo)
    mstar = lo

    gt = wbits > mstar
    eq = wbits == mstar
    n_gt = jnp.sum(gt.astype(jnp.int32), axis=1, keepdims=True)
    quota = cap - n_gt
    eq_i = eq.astype(jnp.int32)
    eq_excl = _cumsum_lanes(eq_i) - eq_i
    keep = gt | (eq & (eq_excl < quota))
    keep_i = keep.astype(jnp.int32)
    slot = _cumsum_lanes(keep_i) - keep_i
    wkeep = jnp.where(keep, wfull, 0.0)

    iota_c = lax.broadcasted_iota(jnp.int32, (cstride, T), 0)
    iota_tf = lax.broadcasted_iota(jnp.int32, (1, T), 1).astype(jnp.float32)
    cols = []
    tids = []
    for e in range(E):
        oh = ((iota_c == slot[e:e + 1, :]) & keep[e:e + 1, :]) \
            .astype(jnp.float32)
        rhs = jnp.concatenate([wkeep[e:e + 1, :], iota_tf], axis=0)
        r = lax.dot_general(oh, rhs, (((1,), (1,)), ((), ())),
                            preferred_element_type=jnp.float32)
        cols.append(r[:, 0:1])
        tids.append(r[:, 1:2])
    wcol_ref[...] = jnp.concatenate(cols, axis=1)
    tid_ref[...] = jnp.concatenate(tids, axis=1).astype(jnp.int32)


NC = 2
NS = 16
NW = NC * NS


def _sc_dispatch(x2d, tok_pad, n_pad):
    _, h = x2d.shape
    spw = n_pad // NW
    ch = spw // 3
    mesh = plsc.VectorSubcoreMesh(core_axis_name="c", subcore_axis_name="s")

    @functools.partial(
        pl.kernel, mesh=mesh,
        out_type=jax.ShapeDtypeStruct((n_pad, h), jnp.float32),
        scratch_types=[
            pltpu.VMEM((spw,), jnp.int32),
            pltpu.VMEM((ch, h), jnp.float32),
            pltpu.VMEM((ch, h), jnp.float32),
            pltpu.VMEM((ch, h), jnp.float32),
            pltpu.SemaphoreType.DMA,
            pltpu.SemaphoreType.DMA,
            pltpu.SemaphoreType.DMA,
            pltpu.SemaphoreType.DMA,
        ],
    )
    def k(x_hbm, tok_hbm, xbuf_hbm, idx_v, b0, b1, b2, s0, s1, s2, sw):
        wid = lax.axis_index("s") * NC + lax.axis_index("c")
        base = wid * spw
        pltpu.sync_copy(tok_hbm.at[pl.ds(base, spw)], idx_v)
        bufs = (b0, b1, b2)
        sems = (s0, s1, s2)
        nq = 7
        sub = ch // nq
        gets = []
        for c in range(3):
            for q in range(nq):
                gets.append(pltpu.async_copy(
                    x_hbm.at[idx_v.at[pl.ds(c * ch + q * sub, sub)]],
                    bufs[c].at[pl.ds(q * sub, sub)], sems[c]))
        puts = []
        for c in range(3):
            for q in range(nq):
                gets[c * nq + q].wait()
            puts.append(pltpu.async_copy(
                bufs[c], xbuf_hbm.at[pl.ds(base + c * ch, ch)], sw))
        for p in puts:
            p.wait()

    return k(x2d, tok_pad)


def _combine_kernel(ybuf_ref, tid_ref, wcol_ref, out_ref):
    e = pl.program_id(0)
    cstride = ybuf_ref.shape[0]
    T = out_ref.shape[0]
    iota_cols = lax.broadcasted_iota(jnp.int32, (cstride, E), 1)
    tcol = jnp.sum(jnp.where(iota_cols == e, tid_ref[...], 0), axis=1,
                   keepdims=True)
    wcolv = jnp.sum(jnp.where(iota_cols == e, wcol_ref[...], 0.0), axis=1,
                    keepdims=True)
    iota_t = lax.broadcasted_iota(jnp.int32, (cstride, T), 1)
    m = ((tcol == iota_t) & (wcolv > 0.0)).astype(jnp.float32)
    contrib = lax.dot_general(m, ybuf_ref[...], (((0,), (0,)), ((), ())),
                              preferred_element_type=jnp.float32)

    @pl.when(e == 0)
    def _():
        out_ref[...] = contrib

    @pl.when(e > 0)
    def _():
        out_ref[...] = out_ref[...] + contrib


def _ffn_kernel(n_it, xbuf_ref, w1a_ref, w1b_ref, w2_ref, wcol_ref,
                ybuf_ref, acc_ref):
    e = pl.program_id(0)
    i = pl.program_id(1)
    xe = xbuf_ref[...]
    hg = lax.dot_general(xe, w1a_ref[0], (((1,), (1,)), ((), ())),
                         preferred_element_type=jnp.float32)
    hu = lax.dot_general(xe, w1b_ref[0], (((1,), (1,)), ((), ())),
                         preferred_element_type=jnp.float32)
    g = hg * jax.nn.sigmoid(hg) * hu
    contrib = lax.dot_general(g, w2_ref[0], (((1,), (1,)), ((), ())),
                              preferred_element_type=jnp.float32)

    @pl.when(i == 0)
    def _():
        acc_ref[...] = contrib

    @pl.when(i > 0)
    def _():
        acc_ref[...] = acc_ref[...] + contrib

    @pl.when(i == n_it - 1)
    def _():
        cstride = xbuf_ref.shape[0]
        iota_e = lax.broadcasted_iota(jnp.int32, (cstride, E), 1)
        wcolv = jnp.sum(jnp.where(iota_e == e, wcol_ref[...], 0.0),
                        axis=1, keepdims=True)
        ybuf_ref[...] = jnp.where(wcolv > 0.0, acc_ref[...] * wcolv, 0.0)


def _run_ffn(xbuf, w1, w2, wcol, cstride):
    n_it = INTER // IT
    return pl.pallas_call(
        functools.partial(_ffn_kernel, n_it),
        grid=(E, n_it),
        in_specs=[
            pl.BlockSpec((cstride, H), lambda e, i: (e, 0)),
            pl.BlockSpec((1, IT, H), lambda e, i: (e, i, 0)),
            pl.BlockSpec((1, IT, H), lambda e, i: (e, i + INTER // IT, 0)),
            pl.BlockSpec((1, H, IT), lambda e, i: (e, 0, i)),
            pl.BlockSpec((cstride, E), lambda e, i: (0, 0)),
        ],
        out_specs=pl.BlockSpec((cstride, H), lambda e, i: (e, 0)),
        out_shape=jax.ShapeDtypeStruct((E * cstride, H), jnp.float32),
        scratch_shapes=[pltpu.VMEM((cstride, H), jnp.float32)],
    )(xbuf, w1, w1, w2, wcol)


def kernel(x, t, Wg1, bg1, Wg2, Wh1, Wh2, Wl1, Wl2, snr_threshold=0.5):
    B, N, C = x.shape
    T = B * N
    cap = int(1.25 * T / E)
    cstride = ((cap + 8) + 7) // 8 * 8

    tokens = x.reshape(T, C)
    wg1x = Wg1[:, :H]
    wg1s = jnp.pad(Wg1[:, H:], ((0, 0), (0, 2)))
    bg1c = bg1.reshape(H // 2, 1)

    wcol, tid = pl.pallas_call(
        functools.partial(_routing_kernel, cap, cstride),
        out_shape=(
            jax.ShapeDtypeStruct((cstride, E), jnp.float32),
            jax.ShapeDtypeStruct((cstride, E), jnp.int32),
        ),
    )(tokens, wg1x, wg1s, bg1c, Wg2)
    n_pad = (E * cstride + NW * 8 - 1) // (NW * 8) * (NW * 8)
    tok_pad = jnp.pad(tid.T.reshape(-1), (0, n_pad - E * cstride))
    xbuf = _sc_dispatch(tokens, tok_pad, n_pad)

    use_low = t.mean() >= snr_threshold
    ybuf = lax.cond(
        use_low,
        lambda xb, wc: _run_ffn(xb, Wl1, Wl2, wc, cstride),
        lambda xb, wc: _run_ffn(xb, Wh1, Wh2, wc, cstride),
        xbuf, wcol)

    out = pl.pallas_call(
        _combine_kernel,
        grid=(E,),
        in_specs=[
            pl.BlockSpec((cstride, H), lambda e: (e, 0)),
            pl.BlockSpec((cstride, E), lambda e: (0, 0)),
            pl.BlockSpec((cstride, E), lambda e: (0, 0)),
        ],
        out_specs=pl.BlockSpec((T, H), lambda e: (0, 0)),
        out_shape=jax.ShapeDtypeStruct((T, H), jnp.float32),
    )(ybuf, tid, wcol)

    y = out.reshape(B, N, C)
    return (y, jnp.zeros((), dtype=jnp.float32))

# --- scband reference (transcript-rebuilt; emitter-appended) ---
"""Pipeline reference for scband-delta-net-enhanced-mo-e-10557029613743 (READ-ONLY COPY).

The authoritative reference and input builder live on the scoring server;
editing this copy changes nothing except your own understanding.
"""

import jax, jax.numpy as jnp
import numpy as np

H = 768
E = 8
K = 2
INTER = (H * 8) // 3  # 2048
CAP_FACTOR = 1.25


def setup_inputs(seed: int = 0) -> dict:
    key = jax.random.key(seed)
    ks = jax.random.split(key, 10)
    x = jax.random.normal(ks[0], (2, 2048, H), dtype=jnp.float32)
    t = jax.random.uniform(ks[1], (2,), dtype=jnp.float32)
    Wg1 = jax.random.normal(ks[2], (H // 2, H + 6), dtype=jnp.float32) * 0.02
    bg1 = jnp.zeros((H // 2,), dtype=jnp.float32)
    Wg2 = jax.random.normal(ks[3], (E, H // 2), dtype=jnp.float32) * 0.02
    Wh1 = jax.random.normal(ks[4], (E, 2 * INTER, H), dtype=jnp.float32) * 0.02 * 0.4
    Wh2 = jax.random.normal(ks[5], (E, H, INTER), dtype=jnp.float32) * 0.02 * 0.4
    Wl1 = jax.random.normal(ks[6], (E, 2 * INTER, H), dtype=jnp.float32) * 0.02 * 0.4
    Wl2 = jax.random.normal(ks[7], (E, H, INTER), dtype=jnp.float32) * 0.02 * 0.4
    snr_threshold = jnp.array(0.5, dtype=jnp.float32)
    return {"x": x, "t": t, "Wg1": Wg1, "bg1": bg1, "Wg2": Wg2,
            "Wh1": Wh1, "Wh2": Wh2, "Wl1": Wl1, "Wl2": Wl2,
            "snr_threshold": snr_threshold}


def _activation_stats(tokens):
    mean = tokens.mean(axis=-1, keepdims=True)
    std = jnp.std(tokens, axis=-1, ddof=1, keepdims=True)
    min_val = tokens.min(axis=-1, keepdims=True)
    max_val = tokens.max(axis=-1, keepdims=True)
    l2 = jnp.linalg.norm(tokens, axis=-1, keepdims=True)
    sparsity = (jnp.abs(tokens) < 1e-06).astype(jnp.float32).mean(axis=-1, keepdims=True)
    return jnp.concatenate([mean, std, min_val, max_val, l2, sparsity], axis=-1)


def reference(x, t, Wg1, bg1, Wg2, Wh1, Wh2, Wl1, Wl2, snr_threshold=0.5):
    B, N, C = x.shape
    tokens = x.reshape(-1, C)
    T = tokens.shape[0]
    stats = _activation_stats(tokens)
    gate_in = jnp.concatenate([tokens, stats], axis=-1)
    h = jax.nn.gelu(gate_in @ Wg1.T + bg1, approximate=False)
    gate_logits = h @ Wg2.T
    temperature = 1.0  # scheduler.get_value('moe_temperature') stand-in
    gate_logits = gate_logits / temperature
    gate_probs = jax.nn.softmax(gate_logits, axis=-1)
    top_k_probs, top_k_idx = jax.lax.top_k(gate_probs, K)
    top_k_probs = top_k_probs / top_k_probs.sum(axis=-1, keepdims=True)
    # eval mode: no jitter, load balance loss = 0
    load_balance_loss = jnp.zeros((), dtype=jnp.float32)
    use_low = (t.mean() >= snr_threshold)
    W1 = jnp.where(use_low, Wl1, Wh1)
    W2 = jnp.where(use_low, Wl2, Wh2)
    capacity = int(CAP_FACTOR * T / E)
    output = jnp.zeros_like(tokens)
    for e in range(E):
        mask = (top_k_idx == e)                      # [T, K]
        w = (top_k_probs * mask).sum(axis=-1)        # [T] (at most one k matches)
        assigned = mask.any(axis=-1)
        w_sel = jnp.where(assigned, w, -1.0)
        sel_w, sel_idx = jax.lax.top_k(w_sel, capacity)
        keep = sel_w > 0.0
        xin = tokens[sel_idx]                        # gather
        hh = xin @ W1[e].T
        g = jax.nn.silu(hh[:, :INTER]) * hh[:, INTER:]
        out_e = g @ W2[e].T
        weights = jnp.where(keep, sel_w, 0.0)
        output = output.at[sel_idx].add(out_e * weights[:, None])  # scatter-add
    y = output.reshape(B, N, C)
    return (y, load_balance_loss)

if __name__ == "__main__":
    import jax
    _d = setup_inputs()
    print(jax.jit(kernel)(*tuple(_d.values())))

</pallas_src>

<mosaic_0001>
#map = affine_map<(d0, d1) -> (0, 0)>
#map1 = affine_map<(d0, d1) -> (0)>
module attributes {stable_mosaic.version = 14 : i64} {
  func.func @k(%arg0: i32, %arg1: i32, %arg2: memref<4096x768xf32, #tpu.memory_space<hbm>>, %arg3: memref<5376xi32, #tpu.memory_space<hbm>>, %arg4: memref<5376x768xf32, #tpu.memory_space<hbm>>, %arg5: memref<168xi32, #tpu.memory_space<vmem>>, %arg6: memref<56x768xf32, #tpu.memory_space<vmem>>, %arg7: memref<56x768xf32, #tpu.memory_space<vmem>>, %arg8: memref<56x768xf32, #tpu.memory_space<vmem>>, %arg9: memref<!tpu.dma_semaphore, #tpu.memory_space<semaphore_mem>>, %arg10: memref<!tpu.dma_semaphore, #tpu.memory_space<semaphore_mem>>, %arg11: memref<!tpu.dma_semaphore, #tpu.memory_space<semaphore_mem>>, %arg12: memref<!tpu.dma_semaphore, #tpu.memory_space<semaphore_mem>>) attributes {dimension_semantics = [#tpu.dimension_semantics<core_parallel>, #tpu.dimension_semantics<subcore_parallel>], iteration_bounds = array<i64: 2, 16>, scalar_prefetch = 0 : i64, scratch_operands = 8 : i64, tpu.core_type = #tpu.core_type<sc_vector_subcore>, window_params = [{transform_indices = #map}, {transform_indices = #map1}, {transform_indices = #map}]} {
    %mul3A = arith.constant 2 : i32
    %mul3A_0 = arith.muli %arg1, %mul3A : i32
    %add3A = arith.addi %mul3A_0, %arg0 : i32
    %mul3A_1 = arith.constant 168 : i32
    %mul3A_2 = arith.muli %add3A, %mul3A_1 : i32
    "tpu.region"() ({
      %run_scoped3A = tpu.sem_alloc : memref<!tpu.dma_semaphore, #tpu.memory_space<semaphore_mem>>
      %dma_start3A_367 = tpu.memref_slice %arg3[%mul3A_2] : memref<5376xi32, #tpu.memory_space<hbm>> -> memref<168xi32, #tpu.memory_space<hbm>>
      %dma_start3A_368 = tpu.memref_slice %arg3[%mul3A_2] : memref<5376xi32, #tpu.memory_space<hbm>> -> memref<168xi32, #tpu.memory_space<hbm>>
      tpu.enqueue_dma source(%dma_start3A_368 : memref<168xi32, #tpu.memory_space<hbm>>) target(%arg5 : memref<168xi32, #tpu.memory_space<vmem>>) target_semaphore(%run_scoped3A : memref<!tpu.dma_semaphore, #tpu.memory_space<semaphore_mem>>)
      %dma_wait3A_369 = tpu.memref_slice %arg3[%mul3A_2] : memref<5376xi32, #tpu.memory_space<hbm>> -> memref<168xi32, #tpu.memory_space<hbm>>
      %dma_wait3A_370 = tpu.memref_slice %arg3[%mul3A_2] : memref<5376xi32, #tpu.memory_space<hbm>> -> memref<168xi32, #tpu.memory_space<hbm>>
      tpu.wait_dma2 semaphore(%run_scoped3A : memref<!tpu.dma_semaphore, #tpu.memory_space<semaphore_mem>>) src(%dma_wait3A_370 : memref<168xi32, #tpu.memory_space<hbm>>) dst(%arg5 : memref<168xi32, #tpu.memory_space<vmem>>)
      tpu.yield
    }) : () -> ()
    %dma_start3A = arith.constant 0 : i32
    %dma_start3A_3 = arith.constant 0 : i32
    %dma_start3A_4 = tpu.memref_slice %arg6[%dma_start3A, %dma_start3A_3] : memref<56x768xf32, #tpu.memory_space<vmem>> -> memref<8x768xf32, #tpu.memory_space<vmem>>
    %dma_start3A_5 = arith.constant 0 : i32
    %dma_start3A_6 = tpu.memref_slice %arg5[%dma_start3A_5] : memref<168xi32, #tpu.memory_space<vmem>> -> memref<8xi32, #tpu.memory_space<vmem>>
    %dma_start3A_7 = arith.constant 0 : i32
    %dma_start3A_8 = arith.constant 0 : i32
    %dma_start3A_9 = tpu.memref_slice %arg2[%dma_start3A_7, %dma_start3A_8] : memref<4096x768xf32, #tpu.memory_space<hbm>> -> memref<4096x768xf32, #tpu.memory_space<hbm>>
    tpu.enqueue_indirect_dma source(%dma_start3A_9 : memref<4096x768xf32, #tpu.memory_space<hbm>>) target(%dma_start3A_4 : memref<8x768xf32, #tpu.memory_space<vmem>>) offsets(%dma_start3A_6 : memref<8xi32, #tpu.memory_space<vmem>>) semaphore(%arg9 : memref<!tpu.dma_semaphore, #tpu.memory_space<semaphore_mem>>)
    %dma_start3A_10 = arith.constant 8 : i32
    %dma_start3A_11 = arith.constant 0 : i32
    %dma_start3A_12 = tpu.memref_slice %arg6[%dma_start3A_10, %dma_start3A_11] : memref<56x768xf32, #tpu.memory_space<vmem>> -> memref<8x768xf32, #tpu.memory_space<vmem>>
    %dma_start3A_13 = arith.constant 8 : i32
    %dma_start3A_14 = tpu.memref_slice %arg5[%dma_start3A_13] : memref<168xi32, #tpu.memory_space<vmem>> -> memref<8xi32, #tpu.memory_space<vmem>>
    %dma_start3A_15 = arith.constant 0 : i32
    %dma_start3A_16 = arith.constant 0 : i32
    %dma_start3A_17 = tpu.memref_slice %arg2[%dma_start3A_15, %dma_start3A_16] : memref<4096x768xf32, #tpu.memory_space<hbm>> -> memref<4096x768xf32, #tpu.memory_space<hbm>>
    tpu.enqueue_indirect_dma source(%dma_start3A_17 : memref<4096x768xf32, #tpu.memory_space<hbm>>) target(%dma_start3A_12 : memref<8x768xf32, #tpu.memory_space<vmem>>) offsets(%dma_start3A_14 : memref<8xi32, #tpu.memory_space<vmem>>) semaphore(%arg9 : memref<!tpu.dma_semaphore, #tpu.memory_space<semaphore_mem>>)
    %dma_start3A_18 = arith.constant 16 : i32
    %dma_start3A_19 = arith.constant 0 : i32
    %dma_start3A_20 = tpu.memref_slice %arg6[%dma_start3A_18, %dma_start3A_19] : memref<56x768xf32, #tpu.memory_space<vmem>> -> memref<8x768xf32, #tpu.memory_space<vmem>>
    %dma_start3A_21 = arith.constant 16 : i32
    %dma_start3A_22 = tpu.memref_slice %arg5[%dma_start3A_21] : memref<168xi32, #tpu.memory_space<vmem>> -> memref<8xi32, #tpu.memory_space<vmem>>
    %dma_start3A_23 = arith.constant 0 : i32
    %dma_start3A_24 = arith.constant 0 : i32
    %dma_start3A_25 = tpu.memref_slice %arg2[%dma_start3A_23, %dma_start3A_24] : memref<4096x768xf32, #tpu.memory_space<hbm>> -> memref<4096x768xf32, #tpu.memory_space<hbm>>
    tpu.enqueue_indirect_dma source(%dma_start3A_25 : memref<4096x768xf32, #tpu.memory_space<hbm>>) target(%dma_start3A_20 : memref<8x768xf32, #tpu.memory_space<vmem>>) offsets(%dma_start3A_22 : memref<8xi32, #tpu.memory_space<vmem>>) semaphore(%arg9 : memref<!tpu.dma_semaphore, #tpu.memory_space<semaphore_mem>>)
    %dma_start3A_26 = arith.constant 24 : i32
    %dma_start3A_27 = arith.constant 0 : i32
    %dma_start3A_28 = tpu.memref_slice %arg6[%dma_start3A_26, %dma_start3A_27] : memref<56x768xf32, #tpu.memory_space<vmem>> -> memref<8x768xf32, #tpu.memory_space<vmem>>
    %dma_start3A_29 = arith.constant 24 : i32
    %dma_start3A_30 = tpu.memref_slice %arg5[%dma_start3A_29] : memref<168xi32, #tpu.memory_space<vmem>> -> memref<8xi32, #tpu.memory_space<vmem>>
    %dma_start3A_31 = arith.constant 0 : i32
    %dma_start3A_32 = arith.constant 0 : i32
    %dma_start3A_33 = tpu.memref_slice %arg2[%dma_start3A_31, %dma_start3A_32] : memref<4096x768xf32, #tpu.memory_space<hbm>> -> memref<4096x768xf32, #tpu.memory_space<hbm>>
    tpu.enqueue_indirect_dma source(%dma_start3A_33 : memref<4096x768xf32, #tpu.memory_space<hbm>>) target(%dma_start3A_28 : memref<8x768xf32, #tpu.memory_space<vmem>>) offsets(%dma_start3A_30 : memref<8xi32, #tpu.memory_space<vmem>>) semaphore(%arg9 : memref<!tpu.dma_semaphore, #tpu.memory_space<semaphore_mem>>)
    %dma_start3A_34 = arith.constant 32 : i32
    %dma_start3A_35 = arith.constant 0 : i32
    %dma_start3A_36 = tpu.memref_slice %arg6[%dma_start3A_34, %dma_start3A_35] : memref<56x768xf32, #tpu.memory_space<vmem>> -> memref<8x768xf32, #tpu.memory_space<vmem>>
    %dma_start3A_37 = arith.constant 32 : i32
    %dma_start3A_38 = tpu.memref_slice %arg5[%dma_start3A_37] : memref<168xi32, #tpu.memory_space<vmem>> -> memref<8xi32, #tpu.memory_space<vmem>>
    %dma_start3A_39 = arith.constant 0 : i32
    %dma_start3A_40 = arith.constant 0 : i32
    %dma_start3A_41 = tpu.memref_slice %arg2[%dma_start3A_39, %dma_start3A_40] : memref<4096x768xf32, #tpu.memory_space<hbm>> -> memref<4096x768xf32, #tpu.memory_space<hbm>>
    tpu.enqueue_indirect_dma source(%dma_start3A_41 : memref<4096x768xf32, #tpu.memory_space<hbm>>) target(%dma_start3A_36 : memref<8x768xf32, #tpu.memory_space<vmem>>) offsets(%dma_start3A_38 : memref<8xi32, #tpu.memory_space<vmem>>) semaphore(%arg9 : memref<!tpu.dma_semaphore, #tpu.memory_space<semaphore_mem>>)
    %dma_start3A_42 = arith.constant 40 : i32
    %dma_start3A_43 = arith.constant 0 : i32
    %dma_start3A_44 = tpu.memref_slice %arg6[%dma_start3A_42, %dma_start3A_43] : memref<56x768xf32, #tpu.memory_space<vmem>> -> memref<8x768xf32, #tpu.memory_space<vmem>>
    %dma_start3A_45 = arith.constant 40 : i32
    %dma_start3A_46 = tpu.memref_slice %arg5[%dma_start3A_45] : memref<168xi32, #tpu.memory_space<vmem>> -> memref<8xi32, #tpu.memory_space<vmem>>
    %dma_start3A_47 = arith.constant 0 : i32
    %dma_start3A_48 = arith.constant 0 : i32
    %dma_start3A_49 = tpu.memref_slice %arg2[%dma_start3A_47, %dma_start3A_48] : memref<4096x768xf32, #tpu.memory_space<hbm>> -> memref<4096x768xf32, #tpu.memory_space<hbm>>
    tpu.enqueue_indirect_dma source(%dma_start3A_49 : memref<4096x768xf32, #tpu.memory_space<hbm>>) target(%dma_start3A_44 : memref<8x768xf32, #tpu.memory_space<vmem>>) offsets(%dma_start3A_46 : memref<8xi32, #tpu.memory_space<vmem>>) semaphore(%arg9 : memref<!tpu.dma_semaphore, #tpu.memory_space<semaphore_mem>>)
    %dma_start3A_50 = arith.constant 48 : i32
    %dma_start3A_51 = arith.constant 0 : i32
    %dma_start3A_52 = tpu.memref_slice %arg6[%dma_start3A_50, %dma_start3A_51] : memref<56x768xf32, #tpu.memory_space<vmem>> -> memref<8x768xf32, #tpu.memory_space<vmem>>
    %dma_start3A_53 = arith.constant 48 : i32
    %dma_start3A_54 = tpu.memref_slice %arg5[%dma_start3A_53] : memref<168xi32, #tpu.memory_space<vmem>> -> memref<8xi32, #tpu.memory_space<vmem>>
    %dma_start3A_55 = arith.constant 0 : i32
    %dma_start3A_56 = arith.constant 0 : i32
    %dma_start3A_57 = tpu.memref_slice %arg2[%dma_start3A_55, %dma_start3A_56] : memref<4096x768xf32, #tpu.memory_space<hbm>> -> memref<4096x768xf32, #tpu.memory_space<hbm>>
    tpu.enqueue_indirect_dma source(%dma_start3A_57 : memref<4096x768xf32, #tpu.memory_space<hbm>>) target(%dma_start3A_52 : memref<8x768xf32, #tpu.memory_space<vmem>>) offsets(%dma_start3A_54 : memref<8xi32, #tpu.memory_space<vmem>>) semaphore(%arg9 : memref<!tpu.dma_semaphore, #tpu.memory_space<semaphore_mem>>)
    %dma_start3A_58 = arith.constant 0 : i32
    %dma_start3A_59 = arith.constant 0 : i32
    %dma_start3A_60 = tpu.memref_slice %arg7[%dma_start3A_58, %dma_start3A_59] : memref<56x768xf32, #tpu.memory_space<vmem>> -> memref<8x768xf32, #tpu.memory_space<vmem>>
    %dma_start3A_61 = arith.constant 56 : i32
    %dma_start3A_62 = tpu.memref_slice %arg5[%dma_start3A_61] : memref<168xi32, #tpu.memory_space<vmem>> -> memref<8xi32, #tpu.memory_space<vmem>>
    %dma_start3A_63 = arith.constant 0 : i32
    %dma_start3A_64 = arith.constant 0 : i32
    %dma_start3A_65 = tpu.memref_slice %arg2[%dma_start3A_63, %dma_start3A_64] : memref<4096x768xf32, #tpu.memory_space<hbm>> -> memref<4096x768xf32, #tpu.memory_space<hbm>>
    tpu.enqueue_indirect_dma source(%dma_start3A_65 : memref<4096x768xf32, #tpu.memory_space<hbm>>) target(%dma_start3A_60 : memref<8x768xf32, #tpu.memory_space<vmem>>) offsets(%dma_start3A_62 : memref<8xi32, #tpu.memory_space<vmem>>) semaphore(%arg10 : memref<!tpu.dma_semaphore, #tpu.memory_space<semaphore_mem>>)
    %dma_start3A_66 = arith.constant 8 : i32
    %dma_start3A_67 = arith.constant 0 : i32
    %dma_start3A_68 = tpu.memref_slice %arg7[%dma_start3A_66, %dma_start3A_67] : memref<56x768xf32, #tpu.memory_space<vmem>> -> memref<8x768xf32, #tpu.memory_space<vmem>>
    %dma_start3A_69 = arith.constant 64 : i32
    %dma_start3A_70 = tpu.memref_slice %arg5[%dma_start3A_69] : memref<168xi32, #tpu.memory_space<vmem>> -> memref<8xi32, #tpu.memory_space<vmem>>
    %dma_start3A_71 = arith.constant 0 : i32
    %dma_start3A_72 = arith.constant 0 : i32
    %dma_start3A_73 = tpu.memref_slice %arg2[%dma_start3A_71, %dma_start3A_72] : memref<4096x768xf32, #tpu.memory_space<hbm>> -> memref<4096x768xf32, #tpu.memory_space<hbm>>
    tpu.enqueue_indirect_dma source(%dma_start3A_73 : memref<4096x768xf32, #tpu.memory_space<hbm>>) target(%dma_start3A_68 : memref<8x768xf32, #tpu.memory_space<vmem>>) offsets(%dma_start3A_70 : memref<8xi32, #tpu.memory_space<vmem>>) semaphore(%arg10 : memref<!tpu.dma_semaphore, #tpu.memory_space<semaphore_mem>>)
    %dma_start3A_74 = arith.constant 16 : i32
    %dma_start3A_75 = arith.constant 0 : i32
    %dma_start3A_76 = tpu.memref_slice %arg7[%dma_start3A_74, %dma_start3A_75] : memref<56x768xf32, #tpu.memory_space<vmem>> -> memref<8x768xf32, #tpu.memory_space<vmem>>
    %dma_start3A_77 = arith.constant 72 : i32
    %dma_start3A_78 = tpu.memref_slice %arg5[%dma_start3A_77] : memref<168xi32, #tpu.memory_space<vmem>> -> memref<8xi32, #tpu.memory_space<vmem>>
    %dma_start3A_79 = arith.constant 0 : i32
    %dma_start3A_80 = arith.constant 0 : i32
    %dma_start3A_81 = tpu.memref_slice %arg2[%dma_start3A_79, %dma_start3A_80] : memref<4096x768xf32, #tpu.memory_space<hbm>> -> memref<4096x768xf32, #tpu.memory_space<hbm>>
    tpu.enqueue_indirect_dma source(%dma_start3A_81 : memref<4096x768xf32, #tpu.memory_space<hbm>>) target(%dma_start3A_76 : memref<8x768xf32, #tpu.memory_space<vmem>>) offsets(%dma_start3A_78 : memref<8xi32, #tpu.memory_space<vmem>>) semaphore(%arg10 : memref<!tpu.dma_semaphore, #tpu.memory_space<semaphore_mem>>)
    %dma_start3A_82 = arith.constant 24 : i32
    %dma_start3A_83 = arith.constant 0 : i32
    %dma_start3A_84 = tpu.memref_slice %arg7[%dma_start3A_82, %dma_start3A_83] : memref<56x768xf32, #tpu.memory_space<vmem>> -> memref<8x768xf32, #tpu.memory_space<vmem>>
    %dma_start3A_85 = arith.constant 80 : i32
    %dma_start3A_86 = tpu.memref_slice %arg5[%dma_start3A_85] : memref<168xi32, #tpu.memory_space<vmem>> -> memref<8xi32, #tpu.memory_space<vmem>>
    %dma_start3A_87 = arith.constant 0 : i32
    %dma_start3A_88 = arith.constant 0 : i32
    %dma_start3A_89 = tpu.memref_slice %arg2[%dma_start3A_87, %dma_start3A_88] : memref<4096x768xf32, #tpu.memory_space<hbm>> -> memref<4096x768xf32, #tpu.memory_space<hbm>>
    tpu.enqueue_indirect_dma source(%dma_start3A_89 : memref<4096x768xf32, #tpu.memory_space<hbm>>) target(%dma_start3A_84 : memref<8x768xf32, #tpu.memory_space<vmem>>) offsets(%dma_start3A_86 : memref<8xi32, #tpu.memory_space<vmem>>) semaphore(%arg10 : memref<!tpu.dma_semaphore, #tpu.memory_space<semaphore_mem>>)
    %dma_start3A_90 = arith.constant 32 : i32
    %dma_start3A_91 = arith.constant 0 : i32
    %dma_start3A_92 = tpu.memref_slice %arg7[%dma_start3A_90, %dma_start3A_91] : memref<56x768xf32, #tpu.memory_space<vmem>> -> memref<8x768xf32, #tpu.memory_space<vmem>>
    %dma_start3A_93 = arith.constant 88 : i32
    %dma_start3A_94 = tpu.memref_slice %arg5[%dma_start3A_93] : memref<168xi32, #tpu.memory_space<vmem>> -> memref<8xi32, #tpu.memory_space<vmem>>
    %dma_start3A_95 = arith.constant 0 : i32
    %dma_start3A_96 = arith.constant 0 : i32
    %dma_start3A_97 = tpu.memref_slice %arg2[%dma_start3A_95, %dma_start3A_96] : memref<4096x768xf32, #tpu.memory_space<hbm>> -> memref<4096x768xf32, #tpu.memory_space<hbm>>
    tpu.enqueue_indirect_dma source(%dma_start3A_97 : memref<4096x768xf32, #tpu.memory_space<hbm>>) target(%dma_start3A_92 : memref<8x768xf32, #tpu.memory_space<vmem>>) offsets(%dma_start3A_94 : memref<8xi32, #tpu.memory_space<vmem>>) semaphore(%arg10 : memref<!tpu.dma_semaphore, #tpu.memory_space<semaphore_mem>>)
    %dma_start3A_98 = arith.constant 40 : i32
    %dma_start3A_99 = arith.constant 0 : i32
    %dma_start3A_100 = tpu.memref_slice %arg7[%dma_start3A_98, %dma_start3A_99] : memref<56x768xf32, #tpu.memory_space<vmem>> -> memref<8x768xf32, #tpu.memory_space<vmem>>
    %dma_start3A_101 = arith.constant 96 : i32
    %dma_start3A_102 = tpu.memref_slice %arg5[%dma_start3A_101] : memref<168xi32, #tpu.memory_space<vmem>> -> memref<8xi32, #tpu.memory_space<vmem>>
    %dma_start3A_103 = arith.constant 0 : i32
    %dma_start3A_104 = arith.constant 0 : i32
    %dma_start3A_105 = tpu.memref_slice %arg2[%dma_start3A_103, %dma_start3A_104] : memref<4096x768xf32, #tpu.memory_space<hbm>> -> memref<4096x768xf32, #tpu.memory_space<hbm>>
    tpu.enqueue_indirect_dma source(%dma_start3A_105 : memref<4096x768xf32, #tpu.memory_space<hbm>>) target(%dma_start3A_100 : memref<8x768xf32, #tpu.memory_space<vmem>>) offsets(%dma_start3A_102 : memref<8xi32, #tpu.memory_space<vmem>>) semaphore(%arg10 : memref<!tpu.dma_semaphore, #tpu.memory_space<semaphore_mem>>)
    %dma_start3A_106 = arith.constant 48 : i32
    %dma_start3A_107 = arith.constant 0 : i32
    %dma_start3A_108 = tpu.memref_slice %arg7[%dma_start3A_106, %dma_start3A_107] : memref<56x768xf32, #tpu.memory_space<vmem>> -> memref<8x768xf32, #tpu.memory_space<vmem>>
    %dma_start3A_109 = arith.constant 104 : i32
    %dma_start3A_110 = tpu.memref_slice %arg5[%dma_start3A_109] : memref<168xi32, #tpu.memory_space<vmem>> -> memref<8xi32, #tpu.memory_space<vmem>>
    %dma_start3A_111 = arith.constant 0 : i32
    %dma_start3A_112 = arith.constant 0 : i32
    %dma_start3A_113 = tpu.memref_slice %arg2[%dma_start3A_111, %dma_start3A_112] : memref<4096x768xf32, #tpu.memory_space<hbm>> -> memref<4096x768xf32, #tpu.memory_space<hbm>>
    tpu.enqueue_indirect_dma source(%dma_start3A_113 : memref<4096x768xf32, #tpu.memory_space<hbm>>) target(%dma_start3A_108 : memref<8x768xf32, #tpu.memory_space<vmem>>) offsets(%dma_start3A_110 : memref<8xi32, #tpu.memory_space<vmem>>) semaphore(%arg10 : memref<!tpu.dma_semaphore, #tpu.memory_space<semaphore_mem>>)
    %dma_start3A_114 = arith.constant 0 : i32
    %dma_start3A_115 = arith.constant 0 : i32
    %dma_start3A_116 = tpu.memref_slice %arg8[%dma_start3A_114, %dma_start3A_115] : memref<56x768xf32, #tpu.memory_space<vmem>> -> memref<8x768xf32, #tpu.memory_space<vmem>>
    %dma_start3A_117 = arith.constant 112 : i32
    %dma_start3A_118 = tpu.memref_slice %arg5[%dma_start3A_117] : memref<168xi32, #tpu.memory_space<vmem>> -> memref<8xi32, #tpu.memory_space<vmem>>
    %dma_start3A_119 = arith.constant 0 : i32
    %dma_start3A_120 = arith.constant 0 : i32
    %dma_start3A_121 = tpu.memref_slice %arg2[%dma_start3A_119, %dma_start3A_120] : memref<4096x768xf32, #tpu.memory_space<hbm>> -> memref<4096x768xf32, #tpu.memory_space<hbm>>
    tpu.enqueue_indirect_dma source(%dma_start3A_121 : memref<4096x768xf32, #tpu.memory_space<hbm>>) target(%dma_start3A_116 : memref<8x768xf32, #tpu.memory_space<vmem>>) offsets(%dma_start3A_118 : memref<8xi32, #tpu.memory_space<vmem>>) semaphore(%arg11 : memref<!tpu.dma_semaphore, #tpu.memory_space<semaphore_mem>>)
    %dma_start3A_122 = arith.constant 8 : i32
    %dma_start3A_123 = arith.constant 0 : i32
    %dma_start3A_124 = tpu.memref_slice %arg8[%dma_start3A_122, %dma_start3A_123] : memref<56x768xf32, #tpu.memory_space<vmem>> -> memref<8x768xf32, #tpu.memory_space<vmem>>
    %dma_start3A_125 = arith.constant 120 : i32
    %dma_start3A_126 = tpu.memref_slice %arg5[%dma_start3A_125] : memref<168xi32, #tpu.memory_space<vmem>> -> memref<8xi32, #tpu.memory_space<vmem>>
    %dma_start3A_127 = arith.constant 0 : i32
    %dma_start3A_128 = arith.constant 0 : i32
    %dma_start3A_129 = tpu.memref_slice %arg2[%dma_start3A_127, %dma_start3A_128] : memref<4096x768xf32, #tpu.memory_space<hbm>> -> memref<4096x768xf32, #tpu.memory_space<hbm>>
    tpu.enqueue_indirect_dma source(%dma_start3A_129 : memref<4096x768xf32, #tpu.memory_space<hbm>>) target(%dma_start3A_124 : memref<8x768xf32, #tpu.memory_space<vmem>>) offsets(%dma_start3A_126 : memref<8xi32, #tpu.memory_space<vmem>>) semaphore(%arg11 : memref<!tpu.dma_semaphore, #tpu.memory_space<semaphore_mem>>)
    %dma_start3A_130 = arith.constant 16 : i32
    %dma_start3A_131 = arith.constant 0 : i32
    %dma_start3A_132 = tpu.memref_slice %arg8[%dma_start3A_130, %dma_start3A_131] : memref<56x768xf32, #tpu.memory_space<vmem>> -> memref<8x768xf32, #tpu.memory_space<vmem>>
    %dma_start3A_133 = arith.constant 128 : i32
    %dma_start3A_134 = tpu.memref_slice %arg5[%dma_start3A_133] : memref<168xi32, #tpu.memory_space<vmem>> -> memref<8xi32, #tpu.memory_space<vmem>>
    %dma_start3A_135 = arith.constant 0 : i32
    %dma_start3A_136 = arith.constant 0 : i32
    %dma_start3A_137 = tpu.memref_slice %arg2[%dma_start3A_135, %dma_start3A_136] : memref<4096x768xf32, #tpu.memory_space<hbm>> -> memref<4096x768xf32, #tpu.memory_space<hbm>>
    tpu.enqueue_indirect_dma source(%dma_start3A_137 : memref<4096x768xf32, #tpu.memory_space<hbm>>) target(%dma_start3A_132 : memref<8x768xf32, #tpu.memory_space<vmem>>) offsets(%dma_start3A_134 : memref<8xi32, #tpu.memory_space<vmem>>) semaphore(%arg11 : memref<!tpu.dma_semaphore, #tpu.memory_space<semaphore_mem>>)
    %dma_start3A_138 = arith.constant 24 : i32
    %dma_start3A_139 = arith.constant 0 : i32
    %dma_start3A_140 = tpu.memref_slice %arg8[%dma_start3A_138, %dma_start3A_139] : memref<56x768xf32, #tpu.memory_space<vmem>> -> memref<8x768xf32, #tpu.memory_space<vmem>>
    %dma_start3A_141 = arith.constant 136 : i32
    %dma_start3A_142 = tpu.memref_slice %arg5[%dma_start3A_141] : memref<168xi32, #tpu.memory_space<vmem>> -> memref<8xi32, #tpu.memory_space<vmem>>
    %dma_start3A_143 = arith.constant 0 : i32
    %dma_start3A_144 = arith.constant 0 : i32
    %dma_start3A_145 = tpu.memref_slice %arg2[%dma_start3A_143, %dma_start3A_144] : memref<4096x768xf32, #tpu.memory_space<hbm>> -> memref<4096x768xf32, #tpu.memory_space<hbm>>
    tpu.enqueue_indirect_dma source(%dma_start3A_145 : memref<4096x768xf32, #tpu.memory_space<hbm>>) target(%dma_start3A_140 : memref<8x768xf32, #tpu.memory_space<vmem>>) offsets(%dma_start3A_142 : memref<8xi32, #tpu.memory_space<vmem>>) semaphore(%arg11 : memref<!tpu.dma_semaphore, #tpu.memory_space<semaphore_mem>>)
    %dma_start3A_146 = arith.constant 32 : i32
    %dma_start3A_147 = arith.constant 0 : i32
    %dma_start3A_148 = tpu.memref_slice %arg8[%dma_start3A_146, %dma_start3A_147] : memref<56x768xf32, #tpu.memory_space<vmem>> -> memref<8x768xf32, #tpu.memory_space<vmem>>
    %dma_start3A_149 = arith.constant 144 : i32
    %dma_start3A_150 = tpu.memref_slice %arg5[%dma_start3A_149] : memref<168xi32, #tpu.memory_space<vmem>> -> memref<8xi32, #tpu.memory_space<vmem>>
    %dma_start3A_151 = arith.constant 0 : i32
    %dma_start3A_152 = arith.constant 0 : i32
    %dma_start3A_153 = tpu.memref_slice %arg2[%dma_start3A_151, %dma_start3A_152] : memref<4096x768xf32, #tpu.memory_space<hbm>> -> memref<4096x768xf32, #tpu.memory_space<hbm>>
    tpu.enqueue_indirect_dma source(%dma_start3A_153 : memref<4096x768xf32, #tpu.memory_space<hbm>>) target(%dma_start3A_148 : memref<8x768xf32, #tpu.memory_space<vmem>>) offsets(%dma_start3A_150 : memref<8xi32, #tpu.memory_space<vmem>>) semaphore(%arg11 : memref<!tpu.dma_semaphore, #tpu.memory_space<semaphore_mem>>)
    %dma_start3A_154 = arith.constant 40 : i32
    %dma_start3A_155 = arith.constant 0 : i32
    %dma_start3A_156 = tpu.memref_slice %arg8[%dma_start3A_154, %dma_start3A_155] : memref<56x768xf32, #tpu.memory_space<vmem>> -> memref<8x768xf32, #tpu.memory_space<vmem>>
    %dma_start3A_157 = arith.constant 152 : i32
    %dma_start3A_158 = tpu.memref_slice %arg5[%dma_start3A_157] : memref<168xi32, #tpu.memory_space<vmem>> -> memref<8xi32, #tpu.memory_space<vmem>>
    %dma_start3A_159 = arith.constant 0 : i32
    %dma_start3A_160 = arith.constant 0 : i32
    %dma_start3A_161 = tpu.memref_slice %arg2[%dma_start3A_159, %dma_start3A_160] : memref<4096x768xf32, #tpu.memory_space<hbm>> -> memref<4096x768xf32, #tpu.memory_space<hbm>>
    tpu.enqueue_indirect_dma source(%dma_start3A_161 : memref<4096x768xf32, #tpu.memory_space<hbm>>) target(%dma_start3A_156 : memref<8x768xf32, #tpu.memory_space<vmem>>) offsets(%dma_start3A_158 : memref<8xi32, #tpu.memory_space<vmem>>) semaphore(%arg11 : memref<!tpu.dma_semaphore, #tpu.memory_space<semaphore_mem>>)
    %dma_start3A_162 = arith.constant 48 : i32
    %dma_start3A_163 = arith.constant 0 : i32
    %dma_start3A_164 = tpu.memref_slice %arg8[%dma_start3A_162, %dma_start3A_163] : memref<56x768xf32, #tpu.memory_space<vmem>> -> memref<8x768xf32, #tpu.memory_space<vmem>>
    %dma_start3A_165 = arith.constant 160 : i32
    %dma_start3A_166 = tpu.memref_slice %arg5[%dma_start3A_165] : memref<168xi32, #tpu.memory_space<vmem>> -> memref<8xi32, #tpu.memory_space<vmem>>
    %dma_start3A_167 = arith.constant 0 : i32
    %dma_start3A_168 = arith.constant 0 : i32
    %dma_start3A_169 = tpu.memref_slice %arg2[%dma_start3A_167, %dma_start3A_168] : memref<4096x768xf32, #tpu.memory_space<hbm>> -> memref<4096x768xf32, #tpu.memory_space<hbm>>
    tpu.enqueue_indirect_dma source(%dma_start3A_169 : memref<4096x768xf32, #tpu.memory_space<hbm>>) target(%dma_start3A_164 : memref<8x768xf32, #tpu.memory_space<vmem>>) offsets(%dma_start3A_166 : memref<8xi32, #tpu.memory_space<vmem>>) semaphore(%arg11 : memref<!tpu.dma_semaphore, #tpu.memory_space<semaphore_mem>>)
    %dma_wait3A = arith.constant 0 : i32
    %dma_wait3A_170 = arith.constant 0 : i32
    %dma_wait3A_171 = tpu.memref_slice %arg6[%dma_wait3A, %dma_wait3A_170] : memref<56x768xf32, #tpu.memory_space<vmem>> -> memref<8x768xf32, #tpu.memory_space<vmem>>
    %dma_wait3A_172 = arith.constant 0 : i32
    %dma_wait3A_173 = tpu.memref_slice %arg5[%dma_wait3A_172] : memref<168xi32, #tpu.memory_space<vmem>> -> memref<8xi32, #tpu.memory_space<vmem>>
    %dma_wait3A_174 = arith.constant 0 : i32
    %dma_wait3A_175 = arith.constant 0 : i32
    %dma_wait3A_176 = tpu.memref_slice %arg2[%dma_wait3A_174, %dma_wait3A_175] : memref<4096x768xf32, #tpu.memory_space<hbm>> -> memref<4096x768xf32, #tpu.memory_space<hbm>>
    tpu.wait_indirect_dma semaphore(%arg9 : memref<!tpu.dma_semaphore, #tpu.memory_space<semaphore_mem>>) src(%dma_wait3A_176 : memref<4096x768xf32, #tpu.memory_space<hbm>>) dst(%dma_wait3A_171 : memref<8x768xf32, #tpu.memory_space<vmem>>)
    %dma_wait3A_177 = arith.constant 8 : i32
    %dma_wait3A_178 = arith.constant 0 : i32
    %dma_wait3A_179 = tpu.memref_slice %arg6[%dma_wait3A_177, %dma_wait3A_178] : memref<56x768xf32, #tpu.memory_space<vmem>> -> memref<8x768xf32, #tpu.memory_space<vmem>>
    %dma_wait3A_180 = arith.constant 8 : i32
    %dma_wait3A_181 = tpu.memref_slice %arg5[%dma_wait3A_180] : memref<168xi32, #tpu.memory_space<vmem>> -> memref<8xi32, #tpu.memory_space<vmem>>
    %dma_wait3A_182 = arith.constant 0 : i32
    %dma_wait3A_183 = arith.constant 0 : i32
    %dma_wait3A_184 = tpu.memref_slice %arg2[%dma_wait3A_182, %dma_wait3A_183] : memref<4096x768xf32, #tpu.memory_space<hbm>> -> memref<4096x768xf32, #tpu.memory_space<hbm>>
    tpu.wait_indirect_dma semaphore(%arg9 : memref<!tpu.dma_semaphore, #tpu.memory_space<semaphore_mem>>) src(%dma_wait3A_184 : memref<4096x768xf32, #tpu.memory_space<hbm>>) dst(%dma_wait3A_179 : memref<8x768xf32, #tpu.memory_space<vmem>>)
    %dma_wait3A_185 = arith.constant 16 : i32
    %dma_wait3A_186 = arith.constant 0 : i32
    %dma_wait3A_187 = tpu.memref_slice %arg6[%dma_wait3A_185, %dma_wait3A_186] : memref<56x768xf32, #tpu.memory_space<vmem>> -> memref<8x768xf32, #tpu.memory_space<vmem>>
    %dma_wait3A_188 = arith.constant 16 : i32
    %dma_wait3A_189 = tpu.memref_slice %arg5[%dma_wait3A_188] : memref<168xi32, #tpu.memory_space<vmem>> -> memref<8xi32, #tpu.memory_space<vmem>>
    %dma_wait3A_190 = arith.constant 0 : i32
    %dma_wait3A_191 = arith.constant 0 : i32
    %dma_wait3A_192 = tpu.memref_slice %arg2[%dma_wait3A_190, %dma_wait3A_191] : memref<4096x768xf32, #tpu.memory_space<hbm>> -> memref<4096x768xf32, #tpu.memory_space<hbm>>
    tpu.wait_indirect_dma semaphore(%arg9 : memref<!tpu.dma_semaphore, #tpu.memory_space<semaphore_mem>>) src(%dma_wait3A_192 : memref<4096x768xf32, #tpu.memory_space<hbm>>) dst(%dma_wait3A_187 : memref<8x768xf32, #tpu.memory_space<vmem>>)
    %dma_wait3A_193 = arith.constant 24 : i32
    %dma_wait3A_194 = arith.constant 0 : i32
    %dma_wait3A_195 = tpu.memref_slice %arg6[%dma_wait3A_193, %dma_wait3A_194] : memref<56x768xf32, #tpu.memory_space<vmem>> -> memref<8x768xf32, #tpu.memory_space<vmem>>
    %dma_wait3A_196 = arith.constant 24 : i32
    %dma_wait3A_197 = tpu.memref_slice %arg5[%dma_wait3A_196] : memref<168xi32, #tpu.memory_space<vmem>> -> memref<8xi32, #tpu.memory_space<vmem>>
    %dma_wait3A_198 = arith.constant 0 : i32
    %dma_wait3A_199 = arith.constant 0 : i32
    %dma_wait3A_200 = tpu.memref_slice %arg2[%dma_wait3A_198, %dma_wait3A_199] : memref<4096x768xf32, #tpu.memory_space<hbm>> -> memref<4096x768xf32, #tpu.memory_space<hbm>>
    tpu.wait_indirect_dma semaphore(%arg9 : memref<!tpu.dma_semaphore, #tpu.memory_space<semaphore_mem>>) src(%dma_wait3A_200 : memref<4096x768xf32, #tpu.memory_space<hbm>>) dst(%dma_wait3A_195 : memref<8x768xf32, #tpu.memory_space<vmem>>)
    %dma_wait3A_201 = arith.constant 32 : i32
    %dma_wait3A_202 = arith.constant 0 : i32
    %dma_wait3A_203 = tpu.memref_slice %arg6[%dma_wait3A_201, %dma_wait3A_202] : memref<56x768xf32, #tpu.memory_space<vmem>> -> memref<8x768xf32, #tpu.memory_space<vmem>>
    %dma_wait3A_204 = arith.constant 32 : i32
    %dma_wait3A_205 = tpu.memref_slice %arg5[%dma_wait3A_204] : memref<168xi32, #tpu.memory_space<vmem>> -> memref<8xi32, #tpu.memory_space<vmem>>
    %dma_wait3A_206 = arith.constant 0 : i32
    %dma_wait3A_207 = arith.constant 0 : i32
    %dma_wait3A_208 = tpu.memref_slice %arg2[%dma_wait3A_206, %dma_wait3A_207] : memref<4096x768xf32, #tpu.memory_space<hbm>> -> memref<4096x768xf32, #tpu.memory_space<hbm>>
    tpu.wait_indirect_dma semaphore(%arg9 : memref<!tpu.dma_semaphore, #tpu.memory_space<semaphore_mem>>) src(%dma_wait3A_208 : memref<4096x768xf32, #tpu.memory_space<hbm>>) dst(%dma_wait3A_203 : memref<8x768xf32, #tpu.memory_space<vmem>>)
    %dma_wait3A_209 = arith.constant 40 : i32
    %dma_wait3A_210 = arith.constant 0 : i32
    %dma_wait3A_211 = tpu.memref_slice %arg6[%dma_wait3A_209, %dma_wait3A_210] : memref<56x768xf32, #tpu.memory_space<vmem>> -> memref<8x768xf32, #tpu.memory_space<vmem>>
    %dma_wait3A_212 = arith.constant 40 : i32
    %dma_wait3A_213 = tpu.memref_slice %arg5[%dma_wait3A_212] : memref<168xi32, #tpu.memory_space<vmem>> -> memref<8xi32, #tpu.memory_space<vmem>>
    %dma_wait3A_214 = arith.constant 0 : i32
    %dma_wait3A_215 = arith.constant 0 : i32
    %dma_wait3A_216 = tpu.memref_slice %arg2[%dma_wait3A_214, %dma_wait3A_215] : memref<4096x768xf32, #tpu.memory_space<hbm>> -> memref<4096x768xf32, #tpu.memory_space<hbm>>
    tpu.wait_indirect_dma semaphore(%arg9 : memref<!tpu.dma_semaphore, #tpu.memory_space<semaphore_mem>>) src(%dma_wait3A_216 : memref<4096x768xf32, #tpu.memory_space<hbm>>) dst(%dma_wait3A_211 : memref<8x768xf32, #tpu.memory_space<vmem>>)
    %dma_wait3A_217 = arith.constant 48 : i32
    %dma_wait3A_218 = arith.constant 0 : i32
    %dma_wait3A_219 = tpu.memref_slice %arg6[%dma_wait3A_217, %dma_wait3A_218] : memref<56x768xf32, #tpu.memory_space<vmem>> -> memref<8x768xf32, #tpu.memory_space<vmem>>
    %dma_wait3A_220 = arith.constant 48 : i32
    %dma_wait3A_221 = tpu.memref_slice %arg5[%dma_wait3A_220] : memref<168xi32, #tpu.memory_space<vmem>> -> memref<8xi32, #tpu.memory_space<vmem>>
    %dma_wait3A_222 = arith.constant 0 : i32
    %dma_wait3A_223 = arith.constant 0 : i32
    %dma_wait3A_224 = tpu.memref_slice %arg2[%dma_wait3A_222, %dma_wait3A_223] : memref<4096x768xf32, #tpu.memory_space<hbm>> -> memref<4096x768xf32, #tpu.memory_space<hbm>>
    tpu.wait_indirect_dma semaphore(%arg9 : memref<!tpu.dma_semaphore, #tpu.memory_space<semaphore_mem>>) src(%dma_wait3A_224 : memref<4096x768xf32, #tpu.memory_space<hbm>>) dst(%dma_wait3A_219 : memref<8x768xf32, #tpu.memory_space<vmem>>)
    %add3A_225 = arith.constant 0 : i32
    %add3A_226 = arith.addi %mul3A_2, %add3A_225 : i32
    %dma_start3A_227 = arith.constant 0 : i32
    %dma_start3A_228 = tpu.memref_slice %arg4[%add3A_226, %dma_start3A_227] : memref<5376x768xf32, #tpu.memory_space<hbm>> -> memref<56x768xf32, #tpu.memory_space<hbm>>
    %dma_start3A_229 = arith.constant 0 : i32
    %dma_start3A_230 = tpu.memref_slice %arg4[%add3A_226, %dma_start3A_229] : memref<5376x768xf32, #tpu.memory_space<hbm>> -> memref<56x768xf32, #tpu.memory_space<hbm>>
    tpu.enqueue_dma source(%arg6 : memref<56x768xf32, #tpu.memory_space<vmem>>) target(%dma_start3A_230 : memref<56x768xf32, #tpu.memory_space<hbm>>) target_semaphore(%arg12 : memref<!tpu.dma_semaphore, #tpu.memory_space<semaphore_mem>>)
    %dma_wait3A_231 = arith.constant 0 : i32
    %dma_wait3A_232 = arith.constant 0 : i32
    %dma_wait3A_233 = tpu.memref_slice %arg7[%dma_wait3A_231, %dma_wait3A_232] : memref<56x768xf32, #tpu.memory_space<vmem>> -> memref<8x768xf32, #tpu.memory_space<vmem>>
    %dma_wait3A_234 = arith.constant 56 : i32
    %dma_wait3A_235 = tpu.memref_slice %arg5[%dma_wait3A_234] : memref<168xi32, #tpu.memory_space<vmem>> -> memref<8xi32, #tpu.memory_space<vmem>>
    %dma_wait3A_236 = arith.constant 0 : i32
    %dma_wait3A_237 = arith.constant 0 : i32
    %dma_wait3A_238 = tpu.memref_slice %arg2[%dma_wait3A_236, %dma_wait3A_237] : memref<4096x768xf32, #tpu.memory_space<hbm>> -> memref<4096x768xf32, #tpu.memory_space<hbm>>
    tpu.wait_indirect_dma semaphore(%arg10 : memref<!tpu.dma_semaphore, #tpu.memory_space<semaphore_mem>>) src(%dma_wait3A_238 : memref<4096x768xf32, #tpu.memory_space<hbm>>) dst(%dma_wait3A_233 : memref<8x768xf32, #tpu.memory_space<vmem>>)
    %dma_wait3A_239 = arith.constant 8 : i32
    %dma_wait3A_240 = arith.constant 0 : i32
    %dma_wait3A_241 = tpu.memref_slice %arg7[%dma_wait3A_239, %dma_wait3A_240] : memref<56x768xf32, #tpu.memory_space<vmem>> -> memref<8x768xf32, #tpu.memory_space<vmem>>
    %dma_wait3A_242 = arith.constant 64 : i32
    %dma_wait3A_243 = tpu.memref_slice %arg5[%dma_wait3A_242] : memref<168xi32, #tpu.memory_space<vmem>> -> memref<8xi32, #tpu.memory_space<vmem>>
    %dma_wait3A_244 = arith.constant 0 : i32
    %dma_wait3A_245 = arith.constant 0 : i32
    %dma_wait3A_246 = tpu.memref_slice %arg2[%dma_wait3A_244, %dma_wait3A_245] : memref<4096x768xf32, #tpu.memory_space<hbm>> -> memref<4096x768xf32, #tpu.memory_space<hbm>>
    tpu.wait_indirect_dma semaphore(%arg10 : memref<!tpu.dma_semaphore, #tpu.memory_space<semaphore_mem>>) src(%dma_wait3A_246 : memref<4096x768xf32, #tpu.memory_space<hbm>>) dst(%dma_wait3A_241 : memref<8x768xf32, #tpu.memory_space<vmem>>)
    %dma_wait3A_247 = arith.constant 16 : i32
    %dma_wait3A_248 = arith.constant 0 : i32
    %dma_wait3A_249 = tpu.memref_slice %arg7[%dma_wait3A_247, %dma_wait3A_248] : memref<56x768xf32, #tpu.memory_space<vmem>> -> memref<8x768xf32, #tpu.memory_space<vmem>>
    %dma_wait3A_250 = arith.constant 72 : i32
    %dma_wait3A_251 = tpu.memref_slice %arg5[%dma_wait3A_250] : memref<168xi32, #tpu.memory_space<vmem>> -> memref<8xi32, #tpu.memory_space<vmem>>
    %dma_wait3A_252 = arith.constant 0 : i32
    %dma_wait3A_253 = arith.constant 0 : i32
    %dma_wait3A_254 = tpu.memref_slice %arg2[%dma_wait3A_252, %dma_wait3A_253] : memref<4096x768xf32, #tpu.memory_space<hbm>> -> memref<4096x768xf32, #tpu.memory_space<hbm>>
    tpu.wait_indirect_dma semaphore(%arg10 : memref<!tpu.dma_semaphore, #tpu.memory_space<semaphore_mem>>) src(%dma_wait3A_254 : memref<4096x768xf32, #tpu.memory_space<hbm>>) dst(%dma_wait3A_249 : memref<8x768xf32, #tpu.memory_space<vmem>>)
    %dma_wait3A_255 = arith.constant 24 : i32
    %dma_wait3A_256 = arith.constant 0 : i32
    %dma_wait3A_257 = tpu.memref_slice %arg7[%dma_wait3A_255, %dma_wait3A_256] : memref<56x768xf32, #tpu.memory_space<vmem>> -> memref<8x768xf32, #tpu.memory_space<vmem>>
    %dma_wait3A_258 = arith.constant 80 : i32
    %dma_wait3A_259 = tpu.memref_slice %arg5[%dma_wait3A_258] : memref<168xi32, #tpu.memory_space<vmem>> -> memref<8xi32, #tpu.memory_space<vmem>>
    %dma_wait3A_260 = arith.constant 0 : i32
    %dma_wait3A_261 = arith.constant 0 : i32
    %dma_wait3A_262 = tpu.memref_slice %arg2[%dma_wait3A_260, %dma_wait3A_261] : memref<4096x768xf32, #tpu.memory_space<hbm>> -> memref<4096x768xf32, #tpu.memory_space<hbm>>
    tpu.wait_indirect_dma semaphore(%arg10 : memref<!tpu.dma_semaphore, #tpu.memory_space<semaphore_mem>>) src(%dma_wait3A_262 : memref<4096x768xf32, #tpu.memory_space<hbm>>) dst(%dma_wait3A_257 : memref<8x768xf32, #tpu.memory_space<vmem>>)
    %dma_wait3A_263 = arith.constant 32 : i32
    %dma_wait3A_264 = arith.constant 0 : i32
    %dma_wait3A_265 = tpu.memref_slice %arg7[%dma_wait3A_263, %dma_wait3A_264] : memref<56x768xf32, #tpu.memory_space<vmem>> -> memref<8x768xf32, #tpu.memory_space<vmem>>
    %dma_wait3A_266 = arith.constant 88 : i32
    %dma_wait3A_267 = tpu.memref_slice %arg5[%dma_wait3A_266] : memref<168xi32, #tpu.memory_space<vmem>> -> memref<8xi32, #tpu.memory_space<vmem>>
    %dma_wait3A_268 = arith.constant 0 : i32
    %dma_wait3A_269 = arith.constant 0 : i32
    %dma_wait3A_270 = tpu.memref_slice %arg2[%dma_wait3A_268, %dma_wait3A_269] : memref<4096x768xf32, #tpu.memory_space<hbm>> -> memref<4096x768xf32, #tpu.memory_space<hbm>>
    tpu.wait_indirect_dma semaphore(%arg10 : memref<!tpu.dma_semaphore, #tpu.memory_space<semaphore_mem>>) src(%dma_wait3A_270 : memref<4096x768xf32, #tpu.memory_space<hbm>>) dst(%dma_wait3A_265 : memref<8x768xf32, #tpu.memory_space<vmem>>)
    %dma_wait3A_271 = arith.constant 40 : i32
    %dma_wait3A_272 = arith.constant 0 : i32
    %dma_wait3A_273 = tpu.memref_slice %arg7[%dma_wait3A_271, %dma_wait3A_272] : memref<56x768xf32, #tpu.memory_space<vmem>> -> memref<8x768xf32, #tpu.memory_space<vmem>>
    %dma_wait3A_274 = arith.constant 96 : i32
    %dma_wait3A_275 = tpu.memref_slice %arg5[%dma_wait3A_274] : memref<168xi32, #tpu.memory_space<vmem>> -> memref<8xi32, #tpu.memory_space<vmem>>
    %dma_wait3A_276 = arith.constant 0 : i32
    %dma_wait3A_277 = arith.constant 0 : i32
    %dma_wait3A_278 = tpu.memref_slice %arg2[%dma_wait3A_276, %dma_wait3A_277] : memref<4096x768xf32, #tpu.memory_space<hbm>> -> memref<4096x768xf32, #tpu.memory_space<hbm>>
    tpu.wait_indirect_dma semaphore(%arg10 : memref<!tpu.dma_semaphore, #tpu.memory_space<semaphore_mem>>) src(%dma_wait3A_278 : memref<4096x768xf32, #tpu.memory_space<hbm>>) dst(%dma_wait3A_273 : memref<8x768xf32, #tpu.memory_space<vmem>>)
    %dma_wait3A_279 = arith.constant 48 : i32
    %dma_wait3A_280 = arith.constant 0 : i32
    %dma_wait3A_281 = tpu.memref_slice %arg7[%dma_wait3A_279, %dma_wait3A_280] : memref<56x768xf32, #tpu.memory_space<vmem>> -> memref<8x768xf32, #tpu.memory_space<vmem>>
    %dma_wait3A_282 = arith.constant 104 : i32
    %dma_wait3A_283 = tpu.memref_slice %arg5[%dma_wait3A_282] : memref<168xi32, #tpu.memory_space<vmem>> -> memref<8xi32, #tpu.memory_space<vmem>>
    %dma_wait3A_284 = arith.constant 0 : i32
    %dma_wait3A_285 = arith.constant 0 : i32
    %dma_wait3A_286 = tpu.memref_slice %arg2[%dma_wait3A_284, %dma_wait3A_285] : memref<4096x768xf32, #tpu.memory_space<hbm>> -> memref<4096x768xf32, #tpu.memory_space<hbm>>
    tpu.wait_indirect_dma semaphore(%arg10 : memref<!tpu.dma_semaphore, #tpu.memory_space<semaphore_mem>>) src(%dma_wait3A_286 : memref<4096x768xf32, #tpu.memory_space<hbm>>) dst(%dma_wait3A_281 : memref<8x768xf32, #tpu.memory_space<vmem>>)
    %add3A_287 = arith.constant 56 : i32
    %add3A_288 = arith.addi %mul3A_2, %add3A_287 : i32
    %dma_start3A_289 = arith.constant 0 : i32
    %dma_start3A_290 = tpu.memref_slice %arg4[%add3A_288, %dma_start3A_289] : memref<5376x768xf32, #tpu.memory_space<hbm>> -> memref<56x768xf32, #tpu.memory_space<hbm>>
    %dma_start3A_291 = arith.constant 0 : i32
    %dma_start3A_292 = tpu.memref_slice %arg4[%add3A_288, %dma_start3A_291] : memref<5376x768xf32, #tpu.memory_space<hbm>> -> memref<56x768xf32, #tpu.memory_space<hbm>>
    tpu.enqueue_dma source(%arg7 : memref<56x768xf32, #tpu.memory_space<vmem>>) target(%dma_start3A_292 : memref<56x768xf32, #tpu.memory_space<hbm>>) target_semaphore(%arg12 : memref<!tpu.dma_semaphore, #tpu.memory_space<semaphore_mem>>)
    %dma_wait3A_293 = arith.constant 0 : i32
    %dma_wait3A_294 = arith.constant 0 : i32
    %dma_wait3A_295 = tpu.memref_slice %arg8[%dma_wait3A_293, %dma_wait3A_294] : memref<56x768xf32, #tpu.memory_space<vmem>> -> memref<8x768xf32, #tpu.memory_space<vmem>>
    %dma_wait3A_296 = arith.constant 112 : i32
    %dma_wait3A_297 = tpu.memref_slice %arg5[%dma_wait3A_296] : memref<168xi32, #tpu.memory_space<vmem>> -> memref<8xi32, #tpu.memory_space<vmem>>
    %dma_wait3A_298 = arith.constant 0 : i32
    %dma_wait3A_299 = arith.constant 0 : i32
    %dma_wait3A_300 = tpu.memref_slice %arg2[%dma_wait3A_298, %dma_wait3A_299] : memref<4096x768xf32, #tpu.memory_space<hbm>> -> memref<4096x768xf32, #tpu.memory_space<hbm>>
    tpu.wait_indirect_dma semaphore(%arg11 : memref<!tpu.dma_semaphore, #tpu.memory_space<semaphore_mem>>) src(%dma_wait3A_300 : memref<4096x768xf32, #tpu.memory_space<hbm>>) dst(%dma_wait3A_295 : memref<8x768xf32, #tpu.memory_space<vmem>>)
    %dma_wait3A_301 = arith.constant 8 : i32
    %dma_wait3A_302 = arith.constant 0 : i32
    %dma_wait3A_303 = tpu.memref_slice %arg8[%dma_wait3A_301, %dma_wait3A_302] : memref<56x768xf32, #tpu.memory_space<vmem>> -> memref<8x768xf32, #tpu.memory_space<vmem>>
    %dma_wait3A_304 = arith.constant 120 : i32
    %dma_wait3A_305 = tpu.memref_slice %arg5[%dma_wait3A_304] : memref<168xi32, #tpu.memory_space<vmem>> -> memref<8xi32, #tpu.memory_space<vmem>>
    %dma_wait3A_306 = arith.constant 0 : i32
    %dma_wait3A_307 = arith.constant 0 : i32
    %dma_wait3A_308 = tpu.memref_slice %arg2[%dma_wait3A_306, %dma_wait3A_307] : memref<4096x768xf32, #tpu.memory_space<hbm>> -> memref<4096x768xf32, #tpu.memory_space<hbm>>
    tpu.wait_indirect_dma semaphore(%arg11 : memref<!tpu.dma_semaphore, #tpu.memory_space<semaphore_mem>>) src(%dma_wait3A_308 : memref<4096x768xf32, #tpu.memory_space<hbm>>) dst(%dma_wait3A_303 : memref<8x768xf32, #tpu.memory_space<vmem>>)
    %dma_wait3A_309 = arith.constant 16 : i32
    %dma_wait3A_310 = arith.constant 0 : i32
    %dma_wait3A_311 = tpu.memref_slice %arg8[%dma_wait3A_309, %dma_wait3A_310] : memref<56x768xf32, #tpu.memory_space<vmem>> -> memref<8x768xf32, #tpu.memory_space<vmem>>
    %dma_wait3A_312 = arith.constant 128 : i32
    %dma_wait3A_313 = tpu.memref_slice %arg5[%dma_wait3A_312] : memref<168xi32, #tpu.memory_space<vmem>> -> memref<8xi32, #tpu.memory_space<vmem>>
    %dma_wait3A_314 = arith.constant 0 : i32
    %dma_wait3A_315 = arith.constant 0 : i32
    %dma_wait3A_316 = tpu.memref_slice %arg2[%dma_wait3A_314, %dma_wait3A_315] : memref<4096x768xf32, #tpu.memory_space<hbm>> -> memref<4096x768xf32, #tpu.memory_space<hbm>>
    tpu.wait_indirect_dma semaphore(%arg11 : memref<!tpu.dma_semaphore, #tpu.memory_space<semaphore_mem>>) src(%dma_wait3A_316 : memref<4096x768xf32, #tpu.memory_space<hbm>>) dst(%dma_wait3A_311 : memref<8x768xf32, #tpu.memory_space<vmem>>)
    %dma_wait3A_317 = arith.constant 24 : i32
    %dma_wait3A_318 = arith.constant 0 : i32
    %dma_wait3A_319 = tpu.memref_slice %arg8[%dma_wait3A_317, %dma_wait3A_318] : memref<56x768xf32, #tpu.memory_space<vmem>> -> memref<8x768xf32, #tpu.memory_space<vmem>>
    %dma_wait3A_320 = arith.constant 136 : i32
    %dma_wait3A_321 = tpu.memref_slice %arg5[%dma_wait3A_320] : memref<168xi32, #tpu.memory_space<vmem>> -> memref<8xi32, #tpu.memory_space<vmem>>
    %dma_wait3A_322 = arith.constant 0 : i32
    %dma_wait3A_323 = arith.constant 0 : i32
    %dma_wait3A_324 = tpu.memref_slice %arg2[%dma_wait3A_322, %dma_wait3A_323] : memref<4096x768xf32, #tpu.memory_space<hbm>> -> memref<4096x768xf32, #tpu.memory_space<hbm>>
    tpu.wait_indirect_dma semaphore(%arg11 : memref<!tpu.dma_semaphore, #tpu.memory_space<semaphore_mem>>) src(%dma_wait3A_324 : memref<4096x768xf32, #tpu.memory_space<hbm>>) dst(%dma_wait3A_319 : memref<8x768xf32, #tpu.memory_space<vmem>>)
    %dma_wait3A_325 = arith.constant 32 : i32
    %dma_wait3A_326 = arith.constant 0 : i32
    %dma_wait3A_327 = tpu.memref_slice %arg8[%dma_wait3A_325, %dma_wait3A_326] : memref<56x768xf32, #tpu.memory_space<vmem>> -> memref<8x768xf32, #tpu.memory_space<vmem>>
    %dma_wait3A_328 = arith.constant 144 : i32
    %dma_wait3A_329 = tpu.memref_slice %arg5[%dma_wait3A_328] : memref<168xi32, #tpu.memory_space<vmem>> -> memref<8xi32, #tpu.memory_space<vmem>>
    %dma_wait3A_330 = arith.constant 0 : i32
    %dma_wait3A_331 = arith.constant 0 : i32
    %dma_wait3A_332 = tpu.memref_slice %arg2[%dma_wait3A_330, %dma_wait3A_331] : memref<4096x768xf32, #tpu.memory_space<hbm>> -> memref<4096x768xf32, #tpu.memory_space<hbm>>
    tpu.wait_indirect_dma semaphore(%arg11 : memref<!tpu.dma_semaphore, #tpu.memory_space<semaphore_mem>>) src(%dma_wait3A_332 : memref<4096x768xf32, #tpu.memory_space<hbm>>) dst(%dma_wait3A_327 : memref<8x768xf32, #tpu.memory_space<vmem>>)
    %dma_wait3A_333 = arith.constant 40 : i32
    %dma_wait3A_334 = arith.constant 0 : i32
    %dma_wait3A_335 = tpu.memref_slice %arg8[%dma_wait3A_333, %dma_wait3A_334] : memref<56x768xf32, #tpu.memory_space<vmem>> -> memref<8x768xf32, #tpu.memory_space<vmem>>
    %dma_wait3A_336 = arith.constant 152 : i32
    %dma_wait3A_337 = tpu.memref_slice %arg5[%dma_wait3A_336] : memref<168xi32, #tpu.memory_space<vmem>> -> memref<8xi32, #tpu.memory_space<vmem>>
    %dma_wait3A_338 = arith.constant 0 : i32
    %dma_wait3A_339 = arith.constant 0 : i32
    %dma_wait3A_340 = tpu.memref_slice %arg2[%dma_wait3A_338, %dma_wait3A_339] : memref<4096x768xf32, #tpu.memory_space<hbm>> -> memref<4096x768xf32, #tpu.memory_space<hbm>>
    tpu.wait_indirect_dma semaphore(%arg11 : memref<!tpu.dma_semaphore, #tpu.memory_space<semaphore_mem>>) src(%dma_wait3A_340 : memref<4096x768xf32, #tpu.memory_space<hbm>>) dst(%dma_wait3A_335 : memref<8x768xf32, #tpu.memory_space<vmem>>)
    %dma_wait3A_341 = arith.constant 48 : i32
    %dma_wait3A_342 = arith.constant 0 : i32
    %dma_wait3A_343 = tpu.memref_slice %arg8[%dma_wait3A_341, %dma_wait3A_342] : memref<56x768xf32, #tpu.memory_space<vmem>> -> memref<8x768xf32, #tpu.memory_space<vmem>>
    %dma_wait3A_344 = arith.constant 160 : i32
    %dma_wait3A_345 = tpu.memref_slice %arg5[%dma_wait3A_344] : memref<168xi32, #tpu.memory_space<vmem>> -> memref<8xi32, #tpu.memory_space<vmem>>
    %dma_wait3A_346 = arith.constant 0 : i32
    %dma_wait3A_347 = arith.constant 0 : i32
    %dma_wait3A_348 = tpu.memref_slice %arg2[%dma_wait3A_346, %dma_wait3A_347] : memref<4096x768xf32, #tpu.memory_space<hbm>> -> memref<4096x768xf32, #tpu.memory_space<hbm>>
    tpu.wait_indirect_dma semaphore(%arg11 : memref<!tpu.dma_semaphore, #tpu.memory_space<semaphore_mem>>) src(%dma_wait3A_348 : memref<4096x768xf32, #tpu.memory_space<hbm>>) dst(%dma_wait3A_343 : memref<8x768xf32, #tpu.memory_space<vmem>>)
    %add3A_349 = arith.constant 112 : i32
    %add3A_350 = arith.addi %mul3A_2, %add3A_349 : i32
    %dma_start3A_351 = arith.constant 0 : i32
    %dma_start3A_352 = tpu.memref_slice %arg4[%add3A_350, %dma_start3A_351] : memref<5376x768xf32, #tpu.memory_space<hbm>> -> memref<56x768xf32, #tpu.memory_space<hbm>>
    %dma_start3A_353 = arith.constant 0 : i32
    %dma_start3A_354 = tpu.memref_slice %arg4[%add3A_350, %dma_start3A_353] : memref<5376x768xf32, #tpu.memory_space<hbm>> -> memref<56x768xf32, #tpu.memory_space<hbm>>
    tpu.enqueue_dma source(%arg8 : memref<56x768xf32, #tpu.memory_space<vmem>>) target(%dma_start3A_354 : memref<56x768xf32, #tpu.memory_space<hbm>>) target_semaphore(%arg12 : memref<!tpu.dma_semaphore, #tpu.memory_space<semaphore_mem>>)
    %dma_wait3A_355 = arith.constant 0 : i32
    %dma_wait3A_356 = tpu.memref_slice %arg4[%add3A_226, %dma_wait3A_355] : memref<5376x768xf32, #tpu.memory_space<hbm>> -> memref<56x768xf32, #tpu.memory_space<hbm>>
    %dma_wait3A_357 = arith.constant 0 : i32
    %dma_wait3A_358 = tpu.memref_slice %arg4[%add3A_226, %dma_wait3A_357] : memref<5376x768xf32, #tpu.memory_space<hbm>> -> memref<56x768xf32, #tpu.memory_space<hbm>>
    tpu.wait_dma2 semaphore(%arg12 : memref<!tpu.dma_semaphore, #tpu.memory_space<semaphore_mem>>) src(%arg6 : memref<56x768xf32, #tpu.memory_space<vmem>>) dst(%dma_wait3A_358 : memref<56x768xf32, #tpu.memory_space<hbm>>)
    %dma_wait3A_359 = arith.constant 0 : i32
    %dma_wait3A_360 = tpu.memref_slice %arg4[%add3A_288, %dma_wait3A_359] : memref<5376x768xf32, #tpu.memory_space<hbm>> -> memref<56x768xf32, #tpu.memory_space<hbm>>
    %dma_wait3A_361 = arith.constant 0 : i32
    %dma_wait3A_362 = tpu.memref_slice %arg4[%add3A_288, %dma_wait3A_361] : memref<5376x768xf32, #tpu.memory_space<hbm>> -> memref<56x768xf32, #tpu.memory_space<hbm>>
    tpu.wait_dma2 semaphore(%arg12 : memref<!tpu.dma_semaphore, #tpu.memory_space<semaphore_mem>>) src(%arg7 : memref<56x768xf32, #tpu.memory_space<vmem>>) dst(%dma_wait3A_362 : memref<56x768xf32, #tpu.memory_space<hbm>>)
    %dma_wait3A_363 = arith.constant 0 : i32
    %dma_wait3A_364 = tpu.memref_slice %arg4[%add3A_350, %dma_wait3A_363] : memref<5376x768xf32, #tpu.memory_space<hbm>> -> memref<56x768xf32, #tpu.memory_space<hbm>>
    %dma_wait3A_365 = arith.constant 0 : i32
    %dma_wait3A_366 = tpu.memref_slice %arg4[%add3A_350, %dma_wait3A_365] : memref<5376x768xf32, #tpu.memory_space<hbm>> -> memref<56x768xf32, #tpu.memory_space<hbm>>
    tpu.wait_dma2 semaphore(%arg12 : memref<!tpu.dma_semaphore, #tpu.memory_space<semaphore_mem>>) src(%arg8 : memref<56x768xf32, #tpu.memory_space<vmem>>) dst(%dma_wait3A_366 : memref<56x768xf32, #tpu.memory_space<hbm>>)
    return
  }
}

module attributes {stable_mosaic.version = 14 : i64} {
  func.func @_routing_kernel(%arg0: memref<4096x768xf32, #tpu.memory_space<vmem>>, %arg1: memref<384x768xf32, #tpu.memory_space<vmem>>, %arg2: memref<384x8xf32, #tpu.memory_space<vmem>>, %arg3: memref<384x1xf32, #tpu.memory_space<vmem>>, %arg4: memref<8x384xf32, #tpu.memory_space<vmem>>, %arg5: memref<648x8xf32, #tpu.memory_space<vmem>>, %arg6: memref<648x8xi32, #tpu.memory_space<vmem>>) attributes {dimension_semantics = [], scalar_prefetch = 0 : i64, scratch_operands = 0 : i64, tpu.core_type = #tpu.core_type<tc>} {
    %get3A = arith.constant 0 : index
    %get3A_0 = arith.constant 0 : index
    %get3A_1 = vector.load %arg0[%get3A, %get3A_0] : memref<4096x768xf32, #tpu.memory_space<vmem>>, vector<4096x768xf32>
    %reduce_sum3A = arith.constant dense<0.000000e+00> : vector<4096xf32>
    %reduce_sum3A_2 = vector.multi_reduction <add>, %get3A_1, %reduce_sum3A [1] : vector<4096x768xf32> to vector<4096xf32>
    %broadcast_in_dim3A = vector.shape_cast %reduce_sum3A_2 : vector<4096xf32> to vector<4096x1xf32>
    %div3A = arith.constant 7.680000e+02 : f32
    %div3A_3 = vector.broadcast %div3A : f32 to vector<4096x1xf32>
    %div3A_4 = arith.divf %broadcast_in_dim3A, %div3A_3 : vector<4096x1xf32>
    %sub3A = vector.broadcast %div3A_4 : vector<4096x1xf32> to vector<4096x768xf32>
    %sub3A_5 = arith.subf %get3A_1, %sub3A : vector<4096x768xf32>
    %mul3A = arith.mulf %sub3A_5, %sub3A_5 : vector<4096x768xf32>
    %reduce_sum3A_6 = arith.constant dense<0.000000e+00> : vector<4096xf32>
    %reduce_sum3A_7 = vector.multi_reduction <add>, %mul3A, %reduce_sum3A_6 [1] : vector<4096x768xf32> to vector<4096xf32>
    %broadcast_in_dim3A_8 = vector.shape_cast %reduce_sum3A_7 : vector<4096xf32> to vector<4096x1xf32>
    %sub3A_9 = arith.constant 7.680000e+02 : f32
    %sub3A_10 = arith.constant 1.000000e+00 : f32
    %sub3A_11 = arith.subf %sub3A_9, %sub3A_10 : f32
    %div3A_12 = vector.broadcast %sub3A_11 : f32 to vector<4096x1xf32>
    %div3A_13 = arith.divf %broadcast_in_dim3A_8, %div3A_12 : vector<4096x1xf32>
    %sqrt3A = math.sqrt %div3A_13 : vector<4096x1xf32>
    %reduce_min3A = arith.constant dense<0x7F800000> : vector<4096xf32>
    %reduce_min3A_14 = vector.multi_reduction <minimumf>, %get3A_1, %reduce_min3A [1] : vector<4096x768xf32> to vector<4096xf32>
    %broadcast_in_dim3A_15 = vector.shape_cast %reduce_min3A_14 : vector<4096xf32> to vector<4096x1xf32>
    %reduce_max3A = arith.constant dense<0xFF800000> : vector<4096xf32>
    %reduce_max3A_16 = vector.multi_reduction <maximumf>, %get3A_1, %reduce_max3A [1] : vector<4096x768xf32> to vector<4096xf32>
    %broadcast_in_dim3A_17 = vector.shape_cast %reduce_max3A_16 : vector<4096xf32> to vector<4096x1xf32>
    %mul3A_18 = arith.mulf %get3A_1, %get3A_1 : vector<4096x768xf32>
    %reduce_sum3A_19 = arith.constant dense<0.000000e+00> : vector<4096xf32>
    %reduce_sum3A_20 = vector.multi_reduction <add>, %mul3A_18, %reduce_sum3A_19 [1] : vector<4096x768xf32> to vector<4096xf32>
    %broadcast_in_dim3A_21 = vector.shape_cast %reduce_sum3A_20 : vector<4096xf32> to vector<4096x1xf32>
    %sqrt3A_22 = math.sqrt %broadcast_in_dim3A_21 : vector<4096x1xf32>
    %abs3A = math.absf %get3A_1 : vector<4096x768xf32>
    %lt3A = arith.constant 9.99999997E-7 : f32
    %lt3A_23 = vector.broadcast %lt3A : f32 to vector<4096x768xf32>
    %lt3A_24 = arith.cmpf olt, %abs3A, %lt3A_23 : vector<4096x768xf32>
    %convert_element_type3A = arith.extui %lt3A_24 : vector<4096x768xi1> to vector<4096x768xi32>
    %convert_element_type3A_25 = arith.sitofp %convert_element_type3A : vector<4096x768xi32> to vector<4096x768xf32>
    %reduce_sum3A_26 = arith.constant dense<0.000000e+00> : vector<4096xf32>
    %reduce_sum3A_27 = vector.multi_reduction <add>, %convert_element_type3A_25, %reduce_sum3A_26 [1] : vector<4096x768xf32> to vector<4096xf32>
    %broadcast_in_dim3A_28 = vector.shape_cast %reduce_sum3A_27 : vector<4096xf32> to vector<4096x1xf32>
    %div3A_29 = arith.constant 7.680000e+02 : f32
    %div3A_30 = vector.broadcast %div3A_29 : f32 to vector<4096x1xf32>
    %div3A_31 = arith.divf %broadcast_in_dim3A_28, %div3A_30 : vector<4096x1xf32>
    %broadcast_in_dim3A_32 = arith.constant 0.000000e+00 : f32
    %broadcast_in_dim3A_33 = vector.broadcast %broadcast_in_dim3A_32 : f32 to vector<4096x2xf32>
    %concatenate3A = tpu.concatenate %div3A_4, %sqrt3A, %broadcast_in_dim3A_15, %broadcast_in_dim3A_17, %sqrt3A_22, %div3A_31, %broadcast_in_dim3A_33 in 1 : vector<4096x1xf32>, vector<4096x1xf32>, vector<4096x1xf32>, vector<4096x1xf32>, vector<4096x1xf32>, vector<4096x1xf32>, vector<4096x2xf32> -> vector<4096x8xf32>
    %get3A_34 = arith.constant 0 : index
    %get3A_35 = arith.constant 0 : index
    %get3A_36 = vector.load %arg1[%get3A_34, %get3A_35] : memref<384x768xf32, #tpu.memory_space<vmem>>, vector<384x768xf32>
    %dot_general3A = arith.constant dense<0.000000e+00> : vector<384x4096xf32>
    %dot_general3A_37 = tpu.matmul %get3A_36, %get3A_1, %dot_general3A {dimension_numbers = #tpu.dot_dimension_numbers<[1], [1], [0], [0], [0, 0, 1, 0], [], []>, transpose_lhs_hint = false} : vector<384x768xf32>, vector<4096x768xf32>, vector<384x4096xf32> -> vector<384x4096xf32>
    %get3A_38 = arith.constant 0 : index
    %get3A_39 = arith.constant 0 : index
    %get3A_40 = vector.load %arg2[%get3A_38, %get3A_39] : memref<384x8xf32, #tpu.memory_space<vmem>>, vector<384x8xf32>
    %dot_general3A_41 = arith.constant dense<0.000000e+00> : vector<384x4096xf32>
    %dot_general3A_42 = tpu.matmul %get3A_40, %concatenate3A, %dot_general3A_41 {dimension_numbers = #tpu.dot_dimension_numbers<[1], [1], [0], [0], [0, 0, 1, 0], [], []>, transpose_lhs_hint = false} : vector<384x8xf32>, vector<4096x8xf32>, vector<384x4096xf32> -> vector<384x4096xf32>
    %add3A = arith.addf %dot_general3A_37, %dot_general3A_42 : vector<384x4096xf32>
    %get3A_43 = arith.constant 0 : index
    %get3A_44 = arith.constant 0 : index
    %get3A_45 = vector.load %arg3[%get3A_43, %get3A_44] : memref<384x1xf32, #tpu.memory_space<vmem>>, vector<384x1xf32>
    %add3A_46 = vector.broadcast %get3A_45 : vector<384x1xf32> to vector<384x4096xf32>
    %add3A_47 = arith.addf %add3A, %add3A_46 : vector<384x4096xf32>
    %mul3A_48 = arith.constant 5.000000e-01 : f32
    %mul3A_49 = vector.broadcast %mul3A_48 : f32 to vector<384x4096xf32>
    %mul3A_50 = arith.mulf %mul3A_49, %add3A_47 : vector<384x4096xf32>
    %mul3A_51 = arith.constant 0.707106769 : f32
    %mul3A_52 = vector.broadcast %mul3A_51 : f32 to vector<384x4096xf32>
    %mul3A_53 = arith.mulf %add3A_47, %mul3A_52 : vector<384x4096xf32>
    %erf3A = math.erf %mul3A_53 : vector<384x4096xf32>
    %add3A_54 = arith.constant 1.000000e+00 : f32
    %add3A_55 = vector.broadcast %add3A_54 : f32 to vector<384x4096xf32>
    %add3A_56 = arith.addf %add3A_55, %erf3A : vector<384x4096xf32>
    %mul3A_57 = arith.mulf %mul3A_50, %add3A_56 : vector<384x4096xf32>
    %get3A_58 = arith.constant 0 : index
    %get3A_59 = arith.constant 0 : index
    %get3A_60 = vector.load %arg4[%get3A_58, %get3A_59] : memref<8x384xf32, #tpu.memory_space<vmem>>, vector<8x384xf32>
    %dot_general3A_61 = arith.constant dense<0.000000e+00> : vector<8x4096xf32>
    %dot_general3A_62 = tpu.matmul %get3A_60, %mul3A_57, %dot_general3A_61 {dimension_numbers = #tpu.dot_dimension_numbers<[1], [0], [0], [1], [0, 0, 1, 1], [], []>, transpose_lhs_hint = false} : vector<8x384xf32>, vector<384x4096xf32>, vector<8x4096xf32> -> vector<8x4096xf32>
    %reduce_max3A_63 = arith.constant dense<0xFF800000> : vector<4096xf32>
    %reduce_max3A_64 = vector.multi_reduction <maximumf>, %dot_general3A_62, %reduce_max3A_63 [0] : vector<8x4096xf32> to vector<4096xf32>
    %broadcast_in_dim3A_65 = vector.shape_cast %reduce_max3A_64 : vector<4096xf32> to vector<1x4096xf32>
    %sub3A_66 = vector.broadcast %broadcast_in_dim3A_65 : vector<1x4096xf32> to vector<8x4096xf32>
    %sub3A_67 = arith.subf %dot_general3A_62, %sub3A_66 : vector<8x4096xf32>
    %exp3A = math.exp %sub3A_67 : vector<8x4096xf32>
    %reduce_sum3A_68 = arith.constant dense<0.000000e+00> : vector<4096xf32>
    %reduce_sum3A_69 = vector.multi_reduction <add>, %exp3A, %reduce_sum3A_68 [0] : vector<8x4096xf32> to vector<4096xf32>
    %broadcast_in_dim3A_70 = vector.shape_cast %reduce_sum3A_69 : vector<4096xf32> to vector<1x4096xf32>
    %div3A_71 = vector.broadcast %broadcast_in_dim3A_70 : vector<1x4096xf32> to vector<8x4096xf32>
    %div3A_72 = arith.divf %exp3A, %div3A_71 : vector<8x4096xf32>
    %iota3A = tpu.iota {dimensions = array<i32: 0>} : vector<8x4096xi32>
    %reduce_max3A_73 = arith.constant dense<0xFF800000> : vector<4096xf32>
    %reduce_max3A_74 = vector.multi_reduction <maximumf>, %div3A_72, %reduce_max3A_73 [0] : vector<8x4096xf32> to vector<4096xf32>
    %broadcast_in_dim3A_75 = vector.shape_cast %reduce_max3A_74 : vector<4096xf32> to vector<1x4096xf32>
    %eq3A = vector.broadcast %broadcast_in_dim3A_75 : vector<1x4096xf32> to vector<8x4096xf32>
    %eq3A_76 = arith.cmpf oeq, %div3A_72, %eq3A : vector<8x4096xf32>
    %jit3A = arith.constant 9 : i32
    %broadcast_in_dim3A_77 = vector.broadcast %jit3A : i32 to vector<8x4096xi32>
    %select_n3A = arith.select %eq3A_76, %iota3A, %broadcast_in_dim3A_77 : vector<8x4096xi1>, vector<8x4096xi32>
    %reduce_min3A_78 = arith.constant dense<2147483647> : vector<4096xi32>
    %reduce_min3A_79 = vector.multi_reduction <minsi>, %select_n3A, %reduce_min3A_78 [0] : vector<8x4096xi32> to vector<4096xi32>
    %broadcast_in_dim3A_80 = vector.shape_cast %reduce_min3A_79 : vector<4096xi32> to vector<1x4096xi32>
    %eq3A_81 = vector.broadcast %broadcast_in_dim3A_80 : vector<1x4096xi32> to vector<8x4096xi32>
    %eq3A_82 = arith.cmpi eq, %iota3A, %eq3A_81 : vector<8x4096xi32>
    %jit3A_83 = arith.constant 0xFF800000 : f32
    %broadcast_in_dim3A_84 = vector.broadcast %jit3A_83 : f32 to vector<8x4096xf32>
    %select_n3A_85 = arith.select %eq3A_82, %broadcast_in_dim3A_84, %div3A_72 : vector<8x4096xi1>, vector<8x4096xf32>
    %reduce_max3A_86 = arith.constant dense<0xFF800000> : vector<4096xf32>
    %reduce_max3A_87 = vector.multi_reduction <maximumf>, %select_n3A_85, %reduce_max3A_86 [0] : vector<8x4096xf32> to vector<4096xf32>
    %broadcast_in_dim3A_88 = vector.shape_cast %reduce_max3A_87 : vector<4096xf32> to vector<1x4096xf32>
    %eq3A_89 = vector.broadcast %broadcast_in_dim3A_88 : vector<1x4096xf32> to vector<8x4096xf32>
    %eq3A_90 = arith.cmpf oeq, %select_n3A_85, %eq3A_89 : vector<8x4096xf32>
    %jit3A_91 = arith.constant 9 : i32
    %broadcast_in_dim3A_92 = vector.broadcast %jit3A_91 : i32 to vector<8x4096xi32>
    %select_n3A_93 = arith.select %eq3A_90, %iota3A, %broadcast_in_dim3A_92 : vector<8x4096xi1>, vector<8x4096xi32>
    %reduce_min3A_94 = arith.constant dense<2147483647> : vector<4096xi32>
    %reduce_min3A_95 = vector.multi_reduction <minsi>, %select_n3A_93, %reduce_min3A_94 [0] : vector<8x4096xi32> to vector<4096xi32>
    %broadcast_in_dim3A_96 = vector.shape_cast %reduce_min3A_95 : vector<4096xi32> to vector<1x4096xi32>
    %add3A_97 = arith.addf %broadcast_in_dim3A_75, %broadcast_in_dim3A_88 : vector<1x4096xf32>
    %div3A_98 = arith.divf %broadcast_in_dim3A_75, %add3A_97 : vector<1x4096xf32>
    %div3A_99 = arith.divf %broadcast_in_dim3A_88, %add3A_97 : vector<1x4096xf32>
    %eq3A_100 = vector.broadcast %broadcast_in_dim3A_80 : vector<1x4096xi32> to vector<8x4096xi32>
    %eq3A_101 = arith.cmpi eq, %iota3A, %eq3A_100 : vector<8x4096xi32>
    %eq3A_102 = vector.broadcast %broadcast_in_dim3A_96 : vector<1x4096xi32> to vector<8x4096xi32>
    %eq3A_103 = arith.cmpi eq, %iota3A, %eq3A_102 : vector<8x4096xi32>
    %jit3A_104 = arith.constant 0.000000e+00 : f32
    %broadcast_in_dim3A_105 = vector.shape_cast %div3A_99 : vector<1x4096xf32> to vector<1x4096xf32>
    %broadcast_in_dim3A_106 = vector.broadcast %broadcast_in_dim3A_105 : vector<1x4096xf32> to vector<8x4096xf32>
    %broadcast_in_dim3A_107 = vector.broadcast %jit3A_104 : f32 to vector<8x4096xf32>
    %select_n3A_108 = arith.select %eq3A_103, %broadcast_in_dim3A_106, %broadcast_in_dim3A_107 : vector<8x4096xi1>, vector<8x4096xf32>
    %broadcast_in_dim3A_109 = vector.shape_cast %div3A_98 : vector<1x4096xf32> to vector<1x4096xf32>
    %broadcast_in_dim3A_110 = vector.broadcast %broadcast_in_dim3A_109 : vector<1x4096xf32> to vector<8x4096xf32>
    %select_n3A_111 = arith.select %eq3A_101, %broadcast_in_dim3A_110, %select_n3A_108 : vector<8x4096xi1>, vector<8x4096xf32>
    %eq3A_112 = vector.broadcast %broadcast_in_dim3A_80 : vector<1x4096xi32> to vector<8x4096xi32>
    %eq3A_113 = arith.cmpi eq, %iota3A, %eq3A_112 : vector<8x4096xi32>
    %eq3A_114 = vector.broadcast %broadcast_in_dim3A_96 : vector<1x4096xi32> to vector<8x4096xi32>
    %eq3A_115 = arith.cmpi eq, %iota3A, %eq3A_114 : vector<8x4096xi32>
    %or3A = arith.ori %eq3A_113, %eq3A_115 : vector<8x4096xi1>
    %gt3A = arith.constant 0.000000e+00 : f32
    %gt3A_116 = vector.broadcast %gt3A : f32 to vector<8x4096xf32>
    %gt3A_117 = arith.cmpf ogt, %select_n3A_111, %gt3A_116 : vector<8x4096xf32>
    %and3A = arith.andi %or3A, %gt3A_117 : vector<8x4096xi1>
    %bitcast_convert_type3A = tpu.bitcast %select_n3A_111 : vector<8x4096xf32> -> vector<8x4096xi32>
    %jit3A_118 = arith.constant -1 : i32
    %broadcast_in_dim3A_119 = vector.broadcast %jit3A_118 : i32 to vector<8x4096xi32>
    %select_n3A_120 = arith.select %and3A, %bitcast_convert_type3A, %broadcast_in_dim3A_119 : vector<8x4096xi1>, vector<8x4096xi32>
    %broadcast_in_dim3A_121 = arith.constant 0 : i32
    %broadcast_in_dim3A_122 = vector.broadcast %broadcast_in_dim3A_121 : i32 to vector<8x1xi32>
    %broadcast_in_dim3A_123 = arith.constant 1065353216 : i32
    %broadcast_in_dim3A_124 = vector.broadcast %broadcast_in_dim3A_123 : i32 to vector<8x1xi32>
    %add3A_125 = arith.addi %broadcast_in_dim3A_122, %broadcast_in_dim3A_124 : vector<8x1xi32>
    %jit3A_126 = arith.constant 2 : i32
    %div3A_127 = vector.broadcast %jit3A_126 : i32 to vector<8x1xi32>
    %div3A_128 = arith.divsi %add3A_125, %div3A_127 : vector<8x1xi32>
    %sign3A = arith.constant 0 : i32
    %sign3A_129 = vector.broadcast %sign3A : i32 to vector<8x1xi32>
    %sign3A_130 = arith.cmpi sgt, %add3A_125, %sign3A_129 : vector<8x1xi32>
    %sign3A_131 = arith.extui %sign3A_130 : vector<8x1xi1> to vector<8x1xi32>
    %sign3A_132 = arith.constant 0 : i32
    %sign3A_133 = vector.broadcast %sign3A_132 : i32 to vector<8x1xi32>
    %sign3A_134 = arith.cmpi slt, %add3A_125, %sign3A_133 : vector<8x1xi32>
    %sign3A_135 = arith.extui %sign3A_134 : vector<8x1xi1> to vector<8x1xi32>
    %sign3A_136 = arith.subi %sign3A_131, %sign3A_135 : vector<8x1xi32>
    %sign3A_137 = arith.constant 0 : i32
    %sign3A_138 = arith.cmpi sgt, %jit3A_126, %sign3A_137 : i32
    %sign3A_139 = arith.extui %sign3A_138 : i1 to i32
    %sign3A_140 = arith.constant 0 : i32
    %sign3A_141 = arith.cmpi slt, %jit3A_126, %sign3A_140 : i32
    %sign3A_142 = arith.extui %sign3A_141 : i1 to i32
    %sign3A_143 = arith.subi %sign3A_139, %sign3A_142 : i32
    %ne3A = vector.broadcast %sign3A_143 : i32 to vector<8x1xi32>
    %ne3A_144 = arith.cmpi ne, %sign3A_136, %ne3A : vector<8x1xi32>
    %rem3A = vector.broadcast %jit3A_126 : i32 to vector<8x1xi32>
    %rem3A_145 = arith.remsi %add3A_125, %rem3A : vector<8x1xi32>
    %ne3A_146 = arith.constant 0 : i32
    %ne3A_147 = vector.broadcast %ne3A_146 : i32 to vector<8x1xi32>
    %ne3A_148 = arith.cmpi ne, %rem3A_145, %ne3A_147 : vector<8x1xi32>
    %and3A_149 = arith.andi %ne3A_144, %ne3A_148 : vector<8x1xi1>
    %sub3A_150 = arith.constant 1 : i32
    %sub3A_151 = vector.broadcast %sub3A_150 : i32 to vector<8x1xi32>
    %sub3A_152 = arith.subi %div3A_128, %sub3A_151 : vector<8x1xi32>
    %select_n3A_153 = arith.select %and3A_149, %sub3A_152, %div3A_128 : vector<8x1xi1>, vector<8x1xi32>
    %gt3A_154 = vector.broadcast %select_n3A_153 : vector<8x1xi32> to vector<8x4096xi32>
    %gt3A_155 = arith.cmpi sgt, %select_n3A_120, %gt3A_154 : vector<8x4096xi32>
    %convert_element_type3A_156 = arith.extui %gt3A_155 : vector<8x4096xi1> to vector<8x4096xi32>
    %reduce_sum3A_157 = arith.constant dense<0> : vector<8xi32>
    %reduce_sum3A_158 = vector.multi_reduction <add>, %convert_element_type3A_156, %reduce_sum3A_157 [1] : vector<8x4096xi32> to vector<8xi32>
    %broadcast_in_dim3A_159 = vector.shape_cast %reduce_sum3A_158 : vector<8xi32> to vector<8x1xi32>
    %lt3A_160 = arith.constant 640 : i32
    %lt3A_161 = vector.broadcast %lt3A_160 : i32 to vector<8x1xi32>
    %lt3A_162 = arith.cmpi slt, %broadcast_in_dim3A_159, %lt3A_161 : vector<8x1xi32>
    %lt3A_163 = arith.cmpi slt, %broadcast_in_dim3A_122, %broadcast_in_dim3A_124 : vector<8x1xi32>
    %and3A_164 = arith.andi %lt3A_163, %lt3A_162 : vector<8x1xi1>
    %select_n3A_165 = arith.select %and3A_164, %select_n3A_153, %broadcast_in_dim3A_124 : vector<8x1xi1>, vector<8x1xi32>
    %not3A = arith.constant dense<true> : vector<8x1xi1>
    %not3A_166 = arith.xori %lt3A_162, %not3A : vector<8x1xi1>
    %and3A_167 = arith.andi %lt3A_163, %not3A_166 : vector<8x1xi1>
    %add3A_168 = arith.constant 1 : i32
    %add3A_169 = vector.broadcast %add3A_168 : i32 to vector<8x1xi32>
    %add3A_170 = arith.addi %select_n3A_153, %add3A_169 : vector<8x1xi32>
    %select_n3A_171 = arith.select %and3A_167, %add3A_170, %broadcast_in_dim3A_122 : vector<8x1xi1>, vector<8x1xi32>
    %add3A_172 = arith.addi %select_n3A_171, %select_n3A_165 : vector<8x1xi32>
    %jit3A_173 = arith.constant 2 : i32
    %div3A_174 = vector.broadcast %jit3A_173 : i32 to vector<8x1xi32>
    %div3A_175 = arith.divsi %add3A_172, %div3A_174 : vector<8x1xi32>
    %sign3A_176 = arith.constant 0 : i32
    %sign3A_177 = vector.broadcast %sign3A_176 : i32 to vector<8x1xi32>
    %sign3A_178 = arith.cmpi sgt, %add3A_172, %sign3A_177 : vector<8x1xi32>
    %sign3A_179 = arith.extui %sign3A_178 : vector<8x1xi1> to vector<8x1xi32>
    %sign3A_180 = arith.constant 0 : i32
    %sign3A_181 = vector.broadcast %sign3A_180 : i32 to vector<8x1xi32>
    %sign3A_182 = arith.cmpi slt, %add3A_172, %sign3A_181 : vector<8x1xi32>
    %sign3A_183 = arith.extui %sign3A_182 : vector<8x1xi1> to vector<8x1xi32>
    %sign3A_184 = arith.subi %sign3A_179, %sign3A_183 : vector<8x1xi32>
    %sign3A_185 = arith.constant 0 : i32
    %sign3A_186 = arith.cmpi sgt, %jit3A_173, %sign3A_185 : i32
    %sign3A_187 = arith.extui %sign3A_186 : i1 to i32
    %sign3A_188 = arith.constant 0 : i32
    %sign3A_189 = arith.cmpi slt, %jit3A_173, %sign3A_188 : i32
    %sign3A_190 = arith.extui %sign3A_189 : i1 to i32
    %sign3A_191 = arith.subi %sign3A_187, %sign3A_190 : i32
    %ne3A_192 = vector.broadcast %sign3A_191 : i32 to vector<8x1xi32>
    %ne3A_193 = arith.cmpi ne, %sign3A_184, %ne3A_192 : vector<8x1xi32>
    %rem3A_194 = vector.broadcast %jit3A_173 : i32 to vector<8x1xi32>
    %rem3A_195 = arith.remsi %add3A_172, %rem3A_194 : vector<8x1xi32>
    %ne3A_196 = arith.constant 0 : i32
    %ne3A_197 = vector.broadcast %ne3A_196 : i32 to vector<8x1xi32>
    %ne3A_198 = arith.cmpi ne, %rem3A_195, %ne3A_197 : vector<8x1xi32>
    %and3A_199 = arith.andi %ne3A_193, %ne3A_198 : vector<8x1xi1>
    %sub3A_200 = arith.constant 1 : i32
    %sub3A_201 = vector.broadcast %sub3A_200 : i32 to vector<8x1xi32>
    %sub3A_202 = arith.subi %div3A_175, %sub3A_201 : vector<8x1xi32>
    %select_n3A_203 = arith.select %and3A_199, %sub3A_202, %div3A_175 : vector<8x1xi1>, vector<8x1xi32>
    %gt3A_204 = vector.broadcast %select_n3A_203 : vector<8x1xi32> to vector<8x4096xi32>
    %gt3A_205 = arith.cmpi sgt, %select_n3A_120, %gt3A_204 : vector<8x4096xi32>
    %convert_element_type3A_206 = arith.extui %gt3A_205 : vector<8x4096xi1> to vector<8x4096xi32>
    %reduce_sum3A_207 = arith.constant dense<0> : vector<8xi32>
    %reduce_sum3A_208 = vector.multi_reduction <add>, %convert_element_type3A_206, %reduce_sum3A_207 [1] : vector<8x4096xi32> to vector<8xi32>
    %broadcast_in_dim3A_209 = vector.shape_cast %reduce_sum3A_208 : vector<8xi32> to vector<8x1xi32>
    %lt3A_210 = arith.constant 640 : i32
    %lt3A_211 = vector.broadcast %lt3A_210 : i32 to vector<8x1xi32>
    %lt3A_212 = arith.cmpi slt, %broadcast_in_dim3A_209, %lt3A_211 : vector<8x1xi32>
    %lt3A_213 = arith.cmpi slt, %select_n3A_171, %select_n3A_165 : vector<8x1xi32>
    %and3A_214 = arith.andi %lt3A_213, %lt3A_212 : vector<8x1xi1>
    %select_n3A_215 = arith.select %and3A_214, %select_n3A_203, %select_n3A_165 : vector<8x1xi1>, vector<8x1xi32>
    %not3A_216 = arith.constant dense<true> : vector<8x1xi1>
    %not3A_217 = arith.xori %lt3A_212, %not3A_216 : vector<8x1xi1>
    %and3A_218 = arith.andi %lt3A_213, %not3A_217 : vector<8x1xi1>
    %add3A_219 = arith.constant 1 : i32
    %add3A_220 = vector.broadcast %add3A_219 : i32 to vector<8x1xi32>
    %add3A_221 = arith.addi %select_n3A_203, %add3A_220 : vector<8x1xi32>
    %select_n3A_222 = arith.select %and3A_218, %add3A_221, %select_n3A_171 : vector<8x1xi1>, vector<8x1xi32>
    %add3A_223 = arith.addi %select_n3A_222, %select_n3A_215 : vector<8x1xi32>
    %jit3A_224 = arith.constant 2 : i32
    %div3A_225 = vector.broadcast %jit3A_224 : i32 to vector<8x1xi32>
    %div3A_226 = arith.divsi %add3A_223, %div3A_225 : vector<8x1xi32>
    %sign3A_227 = arith.constant 0 : i32
    %sign3A_228 = vector.broadcast %sign3A_227 : i32 to vector<8x1xi32>
    %sign3A_229 = arith.cmpi sgt, %add3A_223, %sign3A_228 : vector<8x1xi32>
    %sign3A_230 = arith.extui %sign3A_229 : vector<8x1xi1> to vector<8x1xi32>
    %sign3A_231 = arith.constant 0 : i32
    %sign3A_232 = vector.broadcast %sign3A_231 : i32 to vector<8x1xi32>
    %sign3A_233 = arith.cmpi slt, %add3A_223, %sign3A_232 : vector<8x1xi32>
    %sign3A_234 = arith.extui %sign3A_233 : vector<8x1xi1> to vector<8x1xi32>
    %sign3A_235 = arith.subi %sign3A_230, %sign3A_234 : vector<8x1xi32>
    %sign3A_236 = arith.constant 0 : i32
    %sign3A_237 = arith.cmpi sgt, %jit3A_224, %sign3A_236 : i32
    %sign3A_238 = arith.extui %sign3A_237 : i1 to i32
    %sign3A_239 = arith.constant 0 : i32
    %sign3A_240 = arith.cmpi slt, %jit3A_224, %sign3A_239 : i32
    %sign3A_241 = arith.extui %sign3A_240 : i1 to i32
    %sign3A_242 = arith.subi %sign3A_238, %sign3A_241 : i32
    %ne3A_243 = vector.broadcast %sign3A_242 : i32 to vector<8x1xi32>
    %ne3A_244 = arith.cmpi ne, %sign3A_235, %ne3A_243 : vector<8x1xi32>
    %rem3A_245 = vector.broadcast %jit3A_224 : i32 to vector<8x1xi32>
    %rem3A_246 = arith.remsi %add3A_223, %rem3A_245 : vector<8x1xi32>
    %ne3A_247 = arith.constant 0 : i32
    %ne3A_248 = vector.broadcast %ne3A_247 : i32 to vector<8x1xi32>
    %ne3A_249 = arith.cmpi ne, %rem3A_246, %ne3A_248 : vector<8x1xi32>
    %and3A_250 = arith.andi %ne3A_244, %ne3A_249 : vector<8x1xi1>
    %sub3A_251 = arith.constant 1 : i32
    %sub3A_252 = vector.broadcast %sub3A_251 : i32 to vector<8x1xi32>
    %sub3A_253 = arith.subi %div3A_226, %sub3A_252 : vector<8x1xi32>
    %select_n3A_254 = arith.select %and3A_250, %sub3A_253, %div3A_226 : vector<8x1xi1>, vector<8x1xi32>
    %gt3A_255 = vector.broadcast %select_n3A_254 : vector<8x1xi32> to vector<8x4096xi32>
    %gt3A_256 = arith.cmpi sgt, %select_n3A_120, %gt3A_255 : vector<8x4096xi32>
    %convert_element_type3A_257 = arith.extui %gt3A_256 : vector<8x4096xi1> to vector<8x4096xi32>
    %reduce_sum3A_258 = arith.constant dense<0> : vector<8xi32>
    %reduce_sum3A_259 = vector.multi_reduction <add>, %convert_element_type3A_257, %reduce_sum3A_258 [1] : vector<8x4096xi32> to vector<8xi32>
    %broadcast_in_dim3A_260 = vector.shape_cast %reduce_sum3A_259 : vector<8xi32> to vector<8x1xi32>
    %lt3A_261 = arith.constant 640 : i32
    %lt3A_262 = vector.broadcast %lt3A_261 : i32 to vector<8x1xi32>
    %lt3A_263 = arith.cmpi slt, %broadcast_in_dim3A_260, %lt3A_262 : vector<8x1xi32>
    %lt3A_264 = arith.cmpi slt, %select_n3A_222, %select_n3A_215 : vector<8x1xi32>
    %and3A_265 = arith.andi %lt3A_264, %lt3A_263 : vector<8x1xi1>
    %select_n3A_266 = arith.select %and3A_265, %select_n3A_254, %select_n3A_215 : vector<8x1xi1>, vector<8x1xi32>
    %not3A_267 = arith.constant dense<true> : vector<8x1xi1>
    %not3A_268 = arith.xori %lt3A_263, %not3A_267 : vector<8x1xi1>
    %and3A_269 = arith.andi %lt3A_264, %not3A_268 : vector<8x1xi1>
    %add3A_270 = arith.constant 1 : i32
    %add3A_271 = vector.broadcast %add3A_270 : i32 to vector<8x1xi32>
    %add3A_272 = arith.addi %select_n3A_254, %add3A_271 : vector<8x1xi32>
    %select_n3A_273 = arith.select %and3A_269, %add3A_272, %select_n3A_222 : vector<8x1xi1>, vector<8x1xi32>
    %add3A_274 = arith.addi %select_n3A_273, %select_n3A_266 : vector<8x1xi32>
    %jit3A_275 = arith.constant 2 : i32
    %div3A_276 = vector.broadcast %jit3A_275 : i32 to vector<8x1xi32>
    %div3A_277 = arith.divsi %add3A_274, %div3A_276 : vector<8x1xi32>
    %sign3A_278 = arith.constant 0 : i32
    %sign3A_279 = vector.broadcast %sign3A_278 : i32 to vector<8x1xi32>
    %sign3A_280 = arith.cmpi sgt, %add3A_274, %sign3A_279 : vector<8x1xi32>
    %sign3A_281 = arith.extui %sign3A_280 : vector<8x1xi1> to vector<8x1xi32>
    %sign3A_282 = arith.constant 0 : i32
    %sign3A_283 = vector.broadcast %sign3A_282 : i32 to vector<8x1xi32>
    %sign3A_284 = arith.cmpi slt, %add3A_274, %sign3A_283 : vector<8x1xi32>
    %sign3A_285 = arith.extui %sign3A_284 : vector<8x1xi1> to vector<8x1xi32>
    %sign3A_286 = arith.subi %sign3A_281, %sign3A_285 : vector<8x1xi32>
    %sign3A_287 = arith.constant 0 : i32
    %sign3A_288 = arith.cmpi sgt, %jit3A_275, %sign3A_287 : i32
    %sign3A_289 = arith.extui %sign3A_288 : i1 to i32
    %sign3A_290 = arith.constant 0 : i32
    %sign3A_291 = arith.cmpi slt, %jit3A_275, %sign3A_290 : i32
    %sign3A_292 = arith.extui %sign3A_291 : i1 to i32
    %sign3A_293 = arith.subi %sign3A_289, %sign3A_292 : i32
    %ne3A_294 = vector.broadcast %sign3A_293 : i32 to vector<8x1xi32>
    %ne3A_295 = arith.cmpi ne, %sign3A_286, %ne3A_294 : vector<8x1xi32>
    %rem3A_296 = vector.broadcast %jit3A_275 : i32 to vector<8x1xi32>
    %rem3A_297 = arith.remsi %add3A_274, %rem3A_296 : vector<8x1xi32>
    %ne3A_298 = arith.constant 0 : i32
    %ne3A_299 = vector.broadcast %ne3A_298 : i32 to vector<8x1xi32>
    %ne3A_300 = arith.cmpi ne, %rem3A_297, %ne3A_299 : vector<8x1xi32>
    %and3A_301 = arith.andi %ne3A_295, %ne3A_300 : vector<8x1xi1>
    %sub3A_302 = arith.constant 1 : i32
    %sub3A_303 = vector.broadcast %sub3A_302 : i32 to vector<8x1xi32>
    %sub3A_304 = arith.subi %div3A_277, %sub3A_303 : vector<8x1xi32>
    %select_n3A_305 = arith.select %and3A_301, %sub3A_304, %div3A_277 : vector<8x1xi1>, vector<8x1xi32>
    %gt3A_306 = vector.broadcast %select_n3A_305 : vector<8x1xi32> to vector<8x4096xi32>
    %gt3A_307 = arith.cmpi sgt, %select_n3A_120, %gt3A_306 : vector<8x4096xi32>
    %convert_element_type3A_308 = arith.extui %gt3A_307 : vector<8x4096xi1> to vector<8x4096xi32>
    %reduce_sum3A_309 = arith.constant dense<0> : vector<8xi32>
    %reduce_sum3A_310 = vector.multi_reduction <add>, %convert_element_type3A_308, %reduce_sum3A_309 [1] : vector<8x4096xi32> to vector<8xi32>
    %broadcast_in_dim3A_311 = vector.shape_cast %reduce_sum3A_310 : vector<8xi32> to vector<8x1xi32>
    %lt3A_312 = arith.constant 640 : i32
    %lt3A_313 = vector.broadcast %lt3A_312 : i32 to vector<8x1xi32>
    %lt3A_314 = arith.cmpi slt, %broadcast_in_dim3A_311, %lt3A_313 : vector<8x1xi32>
    %lt3A_315 = arith.cmpi slt, %select_n3A_273, %select_n3A_266 : vector<8x1xi32>
    %and3A_316 = arith.andi %lt3A_315, %lt3A_314 : vector<8x1xi1>
    %select_n3A_317 = arith.select %and3A_316, %select_n3A_305, %select_n3A_266 : vector<8x1xi1>, vector<8x1xi32>
    %not3A_318 = arith.constant dense<true> : vector<8x1xi1>
    %not3A_319 = arith.xori %lt3A_314, %not3A_318 : vector<8x1xi1>
    %and3A_320 = arith.andi %lt3A_315, %not3A_319 : vector<8x1xi1>
    %add3A_321 = arith.constant 1 : i32
    %add3A_322 = vector.broadcast %add3A_321 : i32 to vector<8x1xi32>
    %add3A_323 = arith.addi %select_n3A_305, %add3A_322 : vector<8x1xi32>
    %select_n3A_324 = arith.select %and3A_320, %add3A_323, %select_n3A_273 : vector<8x1xi1>, vector<8x1xi32>
    %add3A_325 = arith.addi %select_n3A_324, %select_n3A_317 : vector<8x1xi32>
    %jit3A_326 = arith.constant 2 : i32
    %div3A_327 = vector.broadcast %jit3A_326 : i32 to vector<8x1xi32>
    %div3A_328 = arith.divsi %add3A_325, %div3A_327 : vector<8x1xi32>
    %sign3A_329 = arith.constant 0 : i32
    %sign3A_330 = vector.broadcast %sign3A_329 : i32 to vector<8x1xi32>
    %sign3A_331 = arith.cmpi sgt, %add3A_325, %sign3A_330 : vector<8x1xi32>
    %sign3A_332 = arith.extui %sign3A_331 : vector<8x1xi1> to vector<8x1xi32>
    %sign3A_333 = arith.constant 0 : i32
    %sign3A_334 = vector.broadcast %sign3A_333 : i32 to vector<8x1xi32>
    %sign3A_335 = arith.cmpi slt, %add3A_325, %sign3A_334 : vector<8x1xi32>
    %sign3A_336 = arith.extui %sign3A_335 : vector<8x1xi1> to vector<8x1xi32>
    %sign3A_337 = arith.subi %sign3A_332, %sign3A_336 : vector<8x1xi32>
    %sign3A_338 = arith.constant 0 : i32
    %sign3A_339 = arith.cmpi sgt, %jit3A_326, %sign3A_338 : i32
    %sign3A_340 = arith.extui %sign3A_339 : i1 to i32
    %sign3A_341 = arith.constant 0 : i32
    %sign3A_342 = arith.cmpi slt, %jit3A_326, %sign3A_341 : i32
    %sign3A_343 = arith.extui %sign3A_342 : i1 to i32
    %sign3A_344 = arith.subi %sign3A_340, %sign3A_343 : i32
    %ne3A_345 = vector.broadcast %sign3A_344 : i32 to vector<8x1xi32>
    %ne3A_346 = arith.cmpi ne, %sign3A_337, %ne3A_345 : vector<8x1xi32>
    %rem3A_347 = vector.broadcast %jit3A_326 : i32 to vector<8x1xi32>
    %rem3A_348 = arith.remsi %add3A_325, %rem3A_347 : vector<8x1xi32>
    %ne3A_349 = arith.constant 0 : i32
    %ne3A_350 = vector.broadcast %ne3A_349 : i32 to vector<8x1xi32>
    %ne3A_351 = arith.cmpi ne, %rem3A_348, %ne3A_350 : vector<8x1xi32>
    %and3A_352 = arith.andi %ne3A_346, %ne3A_351 : vector<8x1xi1>
    %sub3A_353 = arith.constant 1 : i32
    %sub3A_354 = vector.broadcast %sub3A_353 : i32 to vector<8x1xi32>
    %sub3A_355 = arith.subi %div3A_328, %sub3A_354 : vector<8x1xi32>
    %select_n3A_356 = arith.select %and3A_352, %sub3A_355, %div3A_328 : vector<8x1xi1>, vector<8x1xi32>
    %gt3A_357 = vector.broadcast %select_n3A_356 : vector<8x1xi32> to vector<8x4096xi32>
    %gt3A_358 = arith.cmpi sgt, %select_n3A_120, %gt3A_357 : vector<8x4096xi32>
    %convert_element_type3A_359 = arith.extui %gt3A_358 : vector<8x4096xi1> to vector<8x4096xi32>
    %reduce_sum3A_360 = arith.constant dense<0> : vector<8xi32>
    %reduce_sum3A_361 = vector.multi_reduction <add>, %convert_element_type3A_359, %reduce_sum3A_360 [1] : vector<8x4096xi32> to vector<8xi32>
    %broadcast_in_dim3A_362 = vector.shape_cast %reduce_sum3A_361 : vector<8xi32> to vector<8x1xi32>
    %lt3A_363 = arith.constant 640 : i32
    %lt3A_364 = vector.broadcast %lt3A_363 : i32 to vector<8x1xi32>
    %lt3A_365 = arith.cmpi slt, %broadcast_in_dim3A_362, %lt3A_364 : vector<8x1xi32>
    %lt3A_366 = arith.cmpi slt, %select_n3A_324, %select_n3A_317 : vector<8x1xi32>
    %and3A_367 = arith.andi %lt3A_366, %lt3A_365 : vector<8x1xi1>
    %select_n3A_368 = arith.select %and3A_367, %select_n3A_356, %select_n3A_317 : vector<8x1xi1>, vector<8x1xi32>
    %not3A_369 = arith.constant dense<true> : vector<8x1xi1>
    %not3A_370 = arith.xori %lt3A_365, %not3A_369 : vector<8x1xi1>
    %and3A_371 = arith.andi %lt3A_366, %not3A_370 : vector<8x1xi1>
    %add3A_372 = arith.constant 1 : i32
    %add3A_373 = vector.broadcast %add3A_372 : i32 to vector<8x1xi32>
    %add3A_374 = arith.addi %select_n3A_356, %add3A_373 : vector<8x1xi32>
    %select_n3A_375 = arith.select %and3A_371, %add3A_374, %select_n3A_324 : vector<8x1xi1>, vector<8x1xi32>
    %add3A_376 = arith.addi %select_n3A_375, %select_n3A_368 : vector<8x1xi32>
    %jit3A_377 = arith.constant 2 : i32
    %div3A_378 = vector.broadcast %jit3A_377 : i32 to vector<8x1xi32>
    %div3A_379 = arith.divsi %add3A_376, %div3A_378 : vector<8x1xi32>
    %sign3A_380 = arith.constant 0 : i32
    %sign3A_381 = vector.broadcast %sign3A_380 : i32 to vector<8x1xi32>
    %sign3A_382 = arith.cmpi sgt, %add3A_376, %sign3A_381 : vector<8x1xi32>
    %sign3A_383 = arith.extui %sign3A_382 : vector<8x1xi1> to vector<8x1xi32>
    %sign3A_384 = arith.constant 0 : i32
    %sign3A_385 = vector.broadcast %sign3A_384 : i32 to vector<8x1xi32>
    %sign3A_386 = arith.cmpi slt, %add3A_376, %sign3A_385 : vector<8x1xi32>
    %sign3A_387 = arith.extui %sign3A_386 : vector<8x1xi1> to vector<8x1xi32>
    %sign3A_388 = arith.subi %sign3A_383, %sign3A_387 : vector<8x1xi32>
    %sign3A_389 = arith.constant 0 : i32
    %sign3A_390 = arith.cmpi sgt, %jit3A_377, %sign3A_389 : i32
    %sign3A_391 = arith.extui %sign3A_390 : i1 to i32
    %sign3A_392 = arith.constant 0 : i32
    %sign3A_393 = arith.cmpi slt, %jit3A_377, %sign3A_392 : i32
    %sign3A_394 = arith.extui %sign3A_393 : i1 to i32
    %sign3A_395 = arith.subi %sign3A_391, %sign3A_394 : i32
    %ne3A_396 = vector.broadcast %sign3A_395 : i32 to vector<8x1xi32>
    %ne3A_397 = arith.cmpi ne, %sign3A_388, %ne3A_396 : vector<8x1xi32>
    %rem3A_398 = vector.broadcast %jit3A_377 : i32 to vector<8x1xi32>
    %rem3A_399 = arith.remsi %add3A_376, %rem3A_398 : vector<8x1xi32>
    %ne3A_400 = arith.constant 0 : i32
    %ne3A_401 = vector.broadcast %ne3A_400 : i32 to vector<8x1xi32>
    %ne3A_402 = arith.cmpi ne, %rem3A_399, %ne3A_401 : vector<8x1xi32>
    %and3A_403 = arith.andi %ne3A_397, %ne3A_402 : vector<8x1xi1>
    %sub3A_404 = arith.constant 1 : i32
    %sub3A_405 = vector.broadcast %sub3A_404 : i32 to vector<8x1xi32>
    %sub3A_406 = arith.subi %div3A_379, %sub3A_405 : vector<8x1xi32>
    %select_n3A_407 = arith.select %and3A_403, %sub3A_406, %div3A_379 : vector<8x1xi1>, vector<8x1xi32>
    %gt3A_408 = vector.broadcast %select_n3A_407 : vector<8x1xi32> to vector<8x4096xi32>
    %gt3A_409 = arith.cmpi sgt, %select_n3A_120, %gt3A_408 : vector<8x4096xi32>
    %convert_element_type3A_410 = arith.extui %gt3A_409 : vector<8x4096xi1> to vector<8x4096xi32>
    %reduce_sum3A_411 = arith.constant dense<0> : vector<8xi32>
    %reduce_sum3A_412 = vector.multi_reduction <add>, %convert_element_type3A_410, %reduce_sum3A_411 [1] : vector<8x4096xi32> to vector<8xi32>
    %broadcast_in_dim3A_413 = vector.shape_cast %reduce_sum3A_412 : vector<8xi32> to vector<8x1xi32>
    %lt3A_414 = arith.constant 640 : i32
    %lt3A_415 = vector.broadcast %lt3A_414 : i32 to vector<8x1xi32>
    %lt3A_416 = arith.cmpi slt, %broadcast_in_dim3A_413, %lt3A_415 : vector<8x1xi32>
    %lt3A_417 = arith.cmpi slt, %select_n3A_375, %select_n3A_368 : vector<8x1xi32>
    %and3A_418 = arith.andi %lt3A_417, %lt3A_416 : vector<8x1xi1>
    %select_n3A_419 = arith.select %and3A_418, %select_n3A_407, %select_n3A_368 : vector<8x1xi1>, vector<8x1xi32>
    %not3A_420 = arith.constant dense<true> : vector<8x1xi1>
    %not3A_421 = arith.xori %lt3A_416, %not3A_420 : vector<8x1xi1>
    %and3A_422 = arith.andi %lt3A_417, %not3A_421 : vector<8x1xi1>
    %add3A_423 = arith.constant 1 : i32
    %add3A_424 = vector.broadcast %add3A_423 : i32 to vector<8x1xi32>
    %add3A_425 = arith.addi %select_n3A_407, %add3A_424 : vector<8x1xi32>
    %select_n3A_426 = arith.select %and3A_422, %add3A_425, %select_n3A_375 : vector<8x1xi1>, vector<8x1xi32>
    %add3A_427 = arith.addi %select_n3A_426, %select_n3A_419 : vector<8x1xi32>
    %jit3A_428 = arith.constant 2 : i32
    %div3A_429 = vector.broadcast %jit3A_428 : i32 to vector<8x1xi32>
    %div3A_430 = arith.divsi %add3A_427, %div3A_429 : vector<8x1xi32>
    %sign3A_431 = arith.constant 0 : i32
    %sign3A_432 = vector.broadcast %sign3A_431 : i32 to vector<8x1xi32>
    %sign3A_433 = arith.cmpi sgt, %add3A_427, %sign3A_432 : vector<8x1xi32>
    %sign3A_434 = arith.extui %sign3A_433 : vector<8x1xi1> to vector<8x1xi32>
    %sign3A_435 = arith.constant 0 : i32
    %sign3A_436 = vector.broadcast %sign3A_435 : i32 to vector<8x1xi32>
    %sign3A_437 = arith.cmpi slt, %add3A_427, %sign3A_436 : vector<8x1xi32>
    %sign3A_438 = arith.extui %sign3A_437 : vector<8x1xi1> to vector<8x1xi32>
    %sign3A_439 = arith.subi %sign3A_434, %sign3A_438 : vector<8x1xi32>
    %sign3A_440 = arith.constant 0 : i32
    %sign3A_441 = arith.cmpi sgt, %jit3A_428, %sign3A_440 : i32
    %sign3A_442 = arith.extui %sign3A_441 : i1 to i32
    %sign3A_443 = arith.constant 0 : i32
    %sign3A_444 = arith.cmpi slt, %jit3A_428, %sign3A_443 : i32
    %sign3A_445 = arith.extui %sign3A_444 : i1 to i32
    %sign3A_446 = arith.subi %sign3A_442, %sign3A_445 : i32
    %ne3A_447 = vector.broadcast %sign3A_446 : i32 to vector<8x1xi32>
    %ne3A_448 = arith.cmpi ne, %sign3A_439, %ne3A_447 : vector<8x1xi32>
    %rem3A_449 = vector.broadcast %jit3A_428 : i32 to vector<8x1xi32>
    %rem3A_450 = arith.remsi %add3A_427, %rem3A_449 : vector<8x1xi32>
    %ne3A_451 = arith.constant 0 : i32
    %ne3A_452 = vector.broadcast %ne3A_451 : i32 to vector<8x1xi32>
    %ne3A_453 = arith.cmpi ne, %rem3A_450, %ne3A_452 : vector<8x1xi32>
    %and3A_454 = arith.andi %ne3A_448, %ne3A_453 : vector<8x1xi1>
    %sub3A_455 = arith.constant 1 : i32
    %sub3A_456 = vector.broadcast %sub3A_455 : i32 to vector<8x1xi32>
    %sub3A_457 = arith.subi %div3A_430, %sub3A_456 : vector<8x1xi32>
    %select_n3A_458 = arith.select %and3A_454, %sub3A_457, %div3A_430 : vector<8x1xi1>, vector<8x1xi32>
    %gt3A_459 = vector.broadcast %select_n3A_458 : vector<8x1xi32> to vector<8x4096xi32>
    %gt3A_460 = arith.cmpi sgt, %select_n3A_120, %gt3A_459 : vector<8x4096xi32>
    %convert_element_type3A_461 = arith.extui %gt3A_460 : vector<8x4096xi1> to vector<8x4096xi32>
    %reduce_sum3A_462 = arith.constant dense<0> : vector<8xi32>
    %reduce_sum3A_463 = vector.multi_reduction <add>, %convert_element_type3A_461, %reduce_sum3A_462 [1] : vector<8x4096xi32> to vector<8xi32>
    %broadcast_in_dim3A_464 = vector.shape_cast %reduce_sum3A_463 : vector<8xi32> to vector<8x1xi32>
    %lt3A_465 = arith.constant 640 : i32
    %lt3A_466 = vector.broadcast %lt3A_465 : i32 to vector<8x1xi32>
    %lt3A_467 = arith.cmpi slt, %broadcast_in_dim3A_464, %lt3A_466 : vector<8x1xi32>
    %lt3A_468 = arith.cmpi slt, %select_n3A_426, %select_n3A_419 : vector<8x1xi32>
    %and3A_469 = arith.andi %lt3A_468, %lt3A_467 : vector<8x1xi1>
    %select_n3A_470 = arith.select %and3A_469, %select_n3A_458, %select_n3A_419 : vector<8x1xi1>, vector<8x1xi32>
    %not3A_471 = arith.constant dense<true> : vector<8x1xi1>
    %not3A_472 = arith.xori %lt3A_467, %not3A_471 : vector<8x1xi1>
    %and3A_473 = arith.andi %lt3A_468, %not3A_472 : vector<8x1xi1>
    %add3A_474 = arith.constant 1 : i32
    %add3A_475 = vector.broadcast %add3A_474 : i32 to vector<8x1xi32>
    %add3A_476 = arith.addi %select_n3A_458, %add3A_475 : vector<8x1xi32>
    %select_n3A_477 = arith.select %and3A_473, %add3A_476, %select_n3A_426 : vector<8x1xi1>, vector<8x1xi32>
    %add3A_478 = arith.addi %select_n3A_477, %select_n3A_470 : vector<8x1xi32>
    %jit3A_479 = arith.constant 2 : i32
    %div3A_480 = vector.broadcast %jit3A_479 : i32 to vector<8x1xi32>
    %div3A_481 = arith.divsi %add3A_478, %div3A_480 : vector<8x1xi32>
    %sign3A_482 = arith.constant 0 : i32
    %sign3A_483 = vector.broadcast %sign3A_482 : i32 to vector<8x1xi32>
    %sign3A_484 = arith.cmpi sgt, %add3A_478, %sign3A_483 : vector<8x1xi32>
    %sign3A_485 = arith.extui %sign3A_484 : vector<8x1xi1> to vector<8x1xi32>
    %sign3A_486 = arith.constant 0 : i32
    %sign3A_487 = vector.broadcast %sign3A_486 : i32 to vector<8x1xi32>
    %sign3A_488 = arith.cmpi slt, %add3A_478, %sign3A_487 : vector<8x1xi32>
    %sign3A_489 = arith.extui %sign3A_488 : vector<8x1xi1> to vector<8x1xi32>
    %sign3A_490 = arith.subi %sign3A_485, %sign3A_489 : vector<8x1xi32>
    %sign3A_491 = arith.constant 0 : i32
    %sign3A_492 = arith.cmpi sgt, %jit3A_479, %sign3A_491 : i32
    %sign3A_493 = arith.extui %sign3A_492 : i1 to i32
    %sign3A_494 = arith.constant 0 : i32
    %sign3A_495 = arith.cmpi slt, %jit3A_479, %sign3A_494 : i32
    %sign3A_496 = arith.extui %sign3A_495 : i1 to i32
    %sign3A_497 = arith.subi %sign3A_493, %sign3A_496 : i32
    %ne3A_498 = vector.broadcast %sign3A_497 : i32 to vector<8x1xi32>
    %ne3A_499 = arith.cmpi ne, %sign3A_490, %ne3A_498 : vector<8x1xi32>
    %rem3A_500 = vector.broadcast %jit3A_479 : i32 to vector<8x1xi32>
    %rem3A_501 = arith.remsi %add3A_478, %rem3A_500 : vector<8x1xi32>
    %ne3A_502 = arith.constant 0 : i32
    %ne3A_503 = vector.broadcast %ne3A_502 : i32 to vector<8x1xi32>
    %ne3A_504 = arith.cmpi ne, %rem3A_501, %ne3A_503 : vector<8x1xi32>
    %and3A_505 = arith.andi %ne3A_499, %ne3A_504 : vector<8x1xi1>
    %sub3A_506 = arith.constant 1 : i32
    %sub3A_507 = vector.broadcast %sub3A_506 : i32 to vector<8x1xi32>
    %sub3A_508 = arith.subi %div3A_481, %sub3A_507 : vector<8x1xi32>
    %select_n3A_509 = arith.select %and3A_505, %sub3A_508, %div3A_481 : vector<8x1xi1>, vector<8x1xi32>
    %gt3A_510 = vector.broadcast %select_n3A_509 : vector<8x1xi32> to vector<8x4096xi32>
    %gt3A_511 = arith.cmpi sgt, %select_n3A_120, %gt3A_510 : vector<8x4096xi32>
    %convert_element_type3A_512 = arith.extui %gt3A_511 : vector<8x4096xi1> to vector<8x4096xi32>
    %reduce_sum3A_513 = arith.constant dense<0> : vector<8xi32>
    %reduce_sum3A_514 = vector.multi_reduction <add>, %convert_element_type3A_512, %reduce_sum3A_513 [1] : vector<8x4096xi32> to vector<8xi32>
    %broadcast_in_dim3A_515 = vector.shape_cast %reduce_sum3A_514 : vector<8xi32> to vector<8x1xi32>
    %lt3A_516 = arith.constant 640 : i32
    %lt3A_517 = vector.broadcast %lt3A_516 : i32 to vector<8x1xi32>
    %lt3A_518 = arith.cmpi slt, %broadcast_in_dim3A_515, %lt3A_517 : vector<8x1xi32>
    %lt3A_519 = arith.cmpi slt, %select_n3A_477, %select_n3A_470 : vector<8x1xi32>
    %and3A_520 = arith.andi %lt3A_519, %lt3A_518 : vector<8x1xi1>
    %select_n3A_521 = arith.select %and3A_520, %select_n3A_509, %select_n3A_470 : vector<8x1xi1>, vector<8x1xi32>
    %not3A_522 = arith.constant dense<true> : vector<8x1xi1>
    %not3A_523 = arith.xori %lt3A_518, %not3A_522 : vector<8x1xi1>
    %and3A_524 = arith.andi %lt3A_519, %not3A_523 : vector<8x1xi1>
    %add3A_525 = arith.constant 1 : i32
    %add3A_526 = vector.broadcast %add3A_525 : i32 to vector<8x1xi32>
    %add3A_527 = arith.addi %select_n3A_509, %add3A_526 : vector<8x1xi32>
    %select_n3A_528 = arith.select %and3A_524, %add3A_527, %select_n3A_477 : vector<8x1xi1>, vector<8x1xi32>
    %add3A_529 = arith.addi %select_n3A_528, %select_n3A_521 : vector<8x1xi32>
    %jit3A_530 = arith.constant 2 : i32
    %div3A_531 = vector.broadcast %jit3A_530 : i32 to vector<8x1xi32>
    %div3A_532 = arith.divsi %add3A_529, %div3A_531 : vector<8x1xi32>
    %sign3A_533 = arith.constant 0 : i32
    %sign3A_534 = vector.broadcast %sign3A_533 : i32 to vector<8x1xi32>
    %sign3A_535 = arith.cmpi sgt, %add3A_529, %sign3A_534 : vector<8x1xi32>
    %sign3A_536 = arith.extui %sign3A_535 : vector<8x1xi1> to vector<8x1xi32>
    %sign3A_537 = arith.constant 0 : i32
    %sign3A_538 = vector.broadcast %sign3A_537 : i32 to vector<8x1xi32>
    %sign3A_539 = arith.cmpi slt, %add3A_529, %sign3A_538 : vector<8x1xi32>
    %sign3A_540 = arith.extui %sign3A_539 : vector<8x1xi1> to vector<8x1xi32>
    %sign3A_541 = arith.subi %sign3A_536, %sign3A_540 : vector<8x1xi32>
    %sign3A_542 = arith.constant 0 : i32
    %sign3A_543 = arith.cmpi sgt, %jit3A_530, %sign3A_542 : i32
    %sign3A_544 = arith.extui %sign3A_543 : i1 to i32
    %sign3A_545 = arith.constant 0 : i32
    %sign3A_546 = arith.cmpi slt, %jit3A_530, %sign3A_545 : i32
    %sign3A_547 = arith.extui %sign3A_546 : i1 to i32
    %sign3A_548 = arith.subi %sign3A_544, %sign3A_547 : i32
    %ne3A_549 = vector.broadcast %sign3A_548 : i32 to vector<8x1xi32>
    %ne3A_550 = arith.cmpi ne, %sign3A_541, %ne3A_549 : vector<8x1xi32>
    %rem3A_551 = vector.broadcast %jit3A_530 : i32 to vector<8x1xi32>
    %rem3A_552 = arith.remsi %add3A_529, %rem3A_551 : vector<8x1xi32>
    %ne3A_553 = arith.constant 0 : i32
    %ne3A_554 = vector.broadcast %ne3A_553 : i32 to vector<8x1xi32>
    %ne3A_555 = arith.cmpi ne, %rem3A_552, %ne3A_554 : vector<8x1xi32>
    %and3A_556 = arith.andi %ne3A_550, %ne3A_555 : vector<8x1xi1>
    %sub3A_557 = arith.constant 1 : i32
    %sub3A_558 = vector.broadcast %sub3A_557 : i32 to vector<8x1xi32>
    %sub3A_559 = arith.subi %div3A_532, %sub3A_558 : vector<8x1xi32>
    %select_n3A_560 = arith.select %and3A_556, %sub3A_559, %div3A_532 : vector<8x1xi1>, vector<8x1xi32>
    %gt3A_561 = vector.broadcast %select_n3A_560 : vector<8x1xi32> to vector<8x4096xi32>
    %gt3A_562 = arith.cmpi sgt, %select_n3A_120, %gt3A_561 : vector<8x4096xi32>
    %convert_element_type3A_563 = arith.extui %gt3A_562 : vector<8x4096xi1> to vector<8x4096xi32>
    %reduce_sum3A_564 = arith.constant dense<0> : vector<8xi32>
    %reduce_sum3A_565 = vector.multi_reduction <add>, %convert_element_type3A_563, %reduce_sum3A_564 [1] : vector<8x4096xi32> to vector<8xi32>
    %broadcast_in_dim3A_566 = vector.shape_cast %reduce_sum3A_565 : vector<8xi32> to vector<8x1xi32>
    %lt3A_567 = arith.constant 640 : i32
    %lt3A_568 = vector.broadcast %lt3A_567 : i32 to vector<8x1xi32>
    %lt3A_569 = arith.cmpi slt, %broadcast_in_dim3A_566, %lt3A_568 : vector<8x1xi32>
    %lt3A_570 = arith.cmpi slt, %select_n3A_528, %select_n3A_521 : vector<8x1xi32>
    %and3A_571 = arith.andi %lt3A_570, %lt3A_569 : vector<8x1xi1>
    %select_n3A_572 = arith.select %and3A_571, %select_n3A_560, %select_n3A_521 : vector<8x1xi1>, vector<8x1xi32>
    %not3A_573 = arith.constant dense<true> : vector<8x1xi1>
    %not3A_574 = arith.xori %lt3A_569, %not3A_573 : vector<8x1xi1>
    %and3A_575 = arith.andi %lt3A_570, %not3A_574 : vector<8x1xi1>
    %add3A_576 = arith.constant 1 : i32
    %add3A_577 = vector.broadcast %add3A_576 : i32 to vector<8x1xi32>
    %add3A_578 = arith.addi %select_n3A_560, %add3A_577 : vector<8x1xi32>
    %select_n3A_579 = arith.select %and3A_575, %add3A_578, %select_n3A_528 : vector<8x1xi1>, vector<8x1xi32>
    %add3A_580 = arith.addi %select_n3A_579, %select_n3A_572 : vector<8x1xi32>
    %jit3A_581 = arith.constant 2 : i32
    %div3A_582 = vector.broadcast %jit3A_581 : i32 to vector<8x1xi32>
    %div3A_583 = arith.divsi %add3A_580, %div3A_582 : vector<8x1xi32>
    %sign3A_584 = arith.constant 0 : i32
    %sign3A_585 = vector.broadcast %sign3A_584 : i32 to vector<8x1xi32>
    %sign3A_586 = arith.cmpi sgt, %add3A_580, %sign3A_585 : vector<8x1xi32>
    %sign3A_587 = arith.extui %sign3A_586 : vector<8x1xi1> to vector<8x1xi32>
    %sign3A_588 = arith.constant 0 : i32
    %sign3A_589 = vector.broadcast %sign3A_588 : i32 to vector<8x1xi32>
    %sign3A_590 = arith.cmpi slt, %add3A_580, %sign3A_589 : vector<8x1xi32>
    %sign3A_591 = arith.extui %sign3A_590 : vector<8x1xi1> to vector<8x1xi32>
    %sign3A_592 = arith.subi %sign3A_587, %sign3A_591 : vector<8x1xi32>
    %sign3A_593 = arith.constant 0 : i32
    %sign3A_594 = arith.cmpi sgt, %jit3A_581, %sign3A_593 : i32
    %sign3A_595 = arith.extui %sign3A_594 : i1 to i32
    %sign3A_596 = arith.constant 0 : i32
    %sign3A_597 = arith.cmpi slt, %jit3A_581, %sign3A_596 : i32
    %sign3A_598 = arith.extui %sign3A_597 : i1 to i32
    %sign3A_599 = arith.subi %sign3A_595, %sign3A_598 : i32
    %ne3A_600 = vector.broadcast %sign3A_599 : i32 to vector<8x1xi32>
    %ne3A_601 = arith.cmpi ne, %sign3A_592, %ne3A_600 : vector<8x1xi32>
    %rem3A_602 = vector.broadcast %jit3A_581 : i32 to vector<8x1xi32>
    %rem3A_603 = arith.remsi %add3A_580, %rem3A_602 : vector<8x1xi32>
    %ne3A_604 = arith.constant 0 : i32
    %ne3A_605 = vector.broadcast %ne3A_604 : i32 to vector<8x1xi32>
    %ne3A_606 = arith.cmpi ne, %rem3A_603, %ne3A_605 : vector<8x1xi32>
    %and3A_607 = arith.andi %ne3A_601, %ne3A_606 : vector<8x1xi1>
    %sub3A_608 = arith.constant 1 : i32
    %sub3A_609 = vector.broadcast %sub3A_608 : i32 to vector<8x1xi32>
    %sub3A_610 = arith.subi %div3A_583, %sub3A_609 : vector<8x1xi32>
    %select_n3A_611 = arith.select %and3A_607, %sub3A_610, %div3A_583 : vector<8x1xi1>, vector<8x1xi32>
    %gt3A_612 = vector.broadcast %select_n3A_611 : vector<8x1xi32> to vector<8x4096xi32>
    %gt3A_613 = arith.cmpi sgt, %select_n3A_120, %gt3A_612 : vector<8x4096xi32>
    %convert_element_type3A_614 = arith.extui %gt3A_613 : vector<8x4096xi1> to vector<8x4096xi32>
    %reduce_sum3A_615 = arith.constant dense<0> : vector<8xi32>
    %reduce_sum3A_616 = vector.multi_reduction <add>, %convert_element_type3A_614, %reduce_sum3A_615 [1] : vector<8x4096xi32> to vector<8xi32>
    %broadcast_in_dim3A_617 = vector.shape_cast %reduce_sum3A_616 : vector<8xi32> to vector<8x1xi32>
    %lt3A_618 = arith.constant 640 : i32
    %lt3A_619 = vector.broadcast %lt3A_618 : i32 to vector<8x1xi32>
    %lt3A_620 = arith.cmpi slt, %broadcast_in_dim3A_617, %lt3A_619 : vector<8x1xi32>
    %lt3A_621 = arith.cmpi slt, %select_n3A_579, %select_n3A_572 : vector<8x1xi32>
    %and3A_622 = arith.andi %lt3A_621, %lt3A_620 : vector<8x1xi1>
    %select_n3A_623 = arith.select %and3A_622, %select_n3A_611, %select_n3A_572 : vector<8x1xi1>, vector<8x1xi32>
    %not3A_624 = arith.constant dense<true> : vector<8x1xi1>
    %not3A_625 = arith.xori %lt3A_620, %not3A_624 : vector<8x1xi1>
    %and3A_626 = arith.andi %lt3A_621, %not3A_625 : vector<8x1xi1>
    %add3A_627 = arith.constant 1 : i32
    %add3A_628 = vector.broadcast %add3A_627 : i32 to vector<8x1xi32>
    %add3A_629 = arith.addi %select_n3A_611, %add3A_628 : vector<8x1xi32>
    %select_n3A_630 = arith.select %and3A_626, %add3A_629, %select_n3A_579 : vector<8x1xi1>, vector<8x1xi32>
    %add3A_631 = arith.addi %select_n3A_630, %select_n3A_623 : vector<8x1xi32>
    %jit3A_632 = arith.constant 2 : i32
    %div3A_633 = vector.broadcast %jit3A_632 : i32 to vector<8x1xi32>
    %div3A_634 = arith.divsi %add3A_631, %div3A_633 : vector<8x1xi32>
    %sign3A_635 = arith.constant 0 : i32
    %sign3A_636 = vector.broadcast %sign3A_635 : i32 to vector<8x1xi32>
    %sign3A_637 = arith.cmpi sgt, %add3A_631, %sign3A_636 : vector<8x1xi32>
    %sign3A_638 = arith.extui %sign3A_637 : vector<8x1xi1> to vector<8x1xi32>
    %sign3A_639 = arith.constant 0 : i32
    %sign3A_640 = vector.broadcast %sign3A_639 : i32 to vector<8x1xi32>
    %sign3A_641 = arith.cmpi slt, %add3A_631, %sign3A_640 : vector<8x1xi32>
    %sign3A_642 = arith.extui %sign3A_641 : vector<8x1xi1> to vector<8x1xi32>
    %sign3A_643 = arith.subi %sign3A_638, %sign3A_642 : vector<8x1xi32>
    %sign3A_644 = arith.constant 0 : i32
    %sign3A_645 = arith.cmpi sgt, %jit3A_632, %sign3A_644 : i32
    %sign3A_646 = arith.extui %sign3A_645 : i1 to i32
    %sign3A_647 = arith.constant 0 : i32
    %sign3A_648 = arith.cmpi slt, %jit3A_632, %sign3A_647 : i32
    %sign3A_649 = arith.extui %sign3A_648 : i1 to i32
    %sign3A_650 = arith.subi %sign3A_646, %sign3A_649 : i32
    %ne3A_651 = vector.broadcast %sign3A_650 : i32 to vector<8x1xi32>
    %ne3A_652 = arith.cmpi ne, %sign3A_643, %ne3A_651 : vector<8x1xi32>
    %rem3A_653 = vector.broadcast %jit3A_632 : i32 to vector<8x1xi32>
    %rem3A_654 = arith.remsi %add3A_631, %rem3A_653 : vector<8x1xi32>
    %ne3A_655 = arith.constant 0 : i32
    %ne3A_656 = vector.broadcast %ne3A_655 : i32 to vector<8x1xi32>
    %ne3A_657 = arith.cmpi ne, %rem3A_654, %ne3A_656 : vector<8x1xi32>
    %and3A_658 = arith.andi %ne3A_652, %ne3A_657 : vector<8x1xi1>
    %sub3A_659 = arith.constant 1 : i32
    %sub3A_660 = vector.broadcast %sub3A_659 : i32 to vector<8x1xi32>
    %sub3A_661 = arith.subi %div3A_634, %sub3A_660 : vector<8x1xi32>
    %select_n3A_662 = arith.select %and3A_658, %sub3A_661, %div3A_634 : vector<8x1xi1>, vector<8x1xi32>
    %gt3A_663 = vector.broadcast %select_n3A_662 : vector<8x1xi32> to vector<8x4096xi32>
    %gt3A_664 = arith.cmpi sgt, %select_n3A_120, %gt3A_663 : vector<8x4096xi32>
    %convert_element_type3A_665 = arith.extui %gt3A_664 : vector<8x4096xi1> to vector<8x4096xi32>
    %reduce_sum3A_666 = arith.constant dense<0> : vector<8xi32>
    %reduce_sum3A_667 = vector.multi_reduction <add>, %convert_element_type3A_665, %reduce_sum3A_666 [1] : vector<8x4096xi32> to vector<8xi32>
    %broadcast_in_dim3A_668 = vector.shape_cast %reduce_sum3A_667 : vector<8xi32> to vector<8x1xi32>
    %lt3A_669 = arith.constant 640 : i32
    %lt3A_670 = vector.broadcast %lt3A_669 : i32 to vector<8x1xi32>
    %lt3A_671 = arith.cmpi slt, %broadcast_in_dim3A_668, %lt3A_670 : vector<8x1xi32>
    %lt3A_672 = arith.cmpi slt, %select_n3A_630, %select_n3A_623 : vector<8x1xi32>
    %and3A_673 = arith.andi %lt3A_672, %lt3A_671 : vector<8x1xi1>
    %select_n3A_674 = arith.select %and3A_673, %select_n3A_662, %select_n3A_623 : vector<8x1xi1>, vector<8x1xi32>
    %not3A_675 = arith.constant dense<true> : vector<8x1xi1>
    %not3A_676 = arith.xori %lt3A_671, %not3A_675 : vector<8x1xi1>
    %and3A_677 = arith.andi %lt3A_672, %not3A_676 : vector<8x1xi1>
    %add3A_678 = arith.constant 1 : i32
    %add3A_679 = vector.broadcast %add3A_678 : i32 to vector<8x1xi32>
    %add3A_680 = arith.addi %select_n3A_662, %add3A_679 : vector<8x1xi32>
    %select_n3A_681 = arith.select %and3A_677, %add3A_680, %select_n3A_630 : vector<8x1xi1>, vector<8x1xi32>
    %add3A_682 = arith.addi %select_n3A_681, %select_n3A_674 : vector<8x1xi32>
    %jit3A_683 = arith.constant 2 : i32
    %div3A_684 = vector.broadcast %jit3A_683 : i32 to vector<8x1xi32>
    %div3A_685 = arith.divsi %add3A_682, %div3A_684 : vector<8x1xi32>
    %sign3A_686 = arith.constant 0 : i32
    %sign3A_687 = vector.broadcast %sign3A_686 : i32 to vector<8x1xi32>
    %sign3A_688 = arith.cmpi sgt, %add3A_682, %sign3A_687 : vector<8x1xi32>
    %sign3A_689 = arith.extui %sign3A_688 : vector<8x1xi1> to vector<8x1xi32>
    %sign3A_690 = arith.constant 0 : i32
    %sign3A_691 = vector.broadcast %sign3A_690 : i32 to vector<8x1xi32>
    %sign3A_692 = arith.cmpi slt, %add3A_682, %sign3A_691 : vector<8x1xi32>
    %sign3A_693 = arith.extui %sign3A_692 : vector<8x1xi1> to vector<8x1xi32>
    %sign3A_694 = arith.subi %sign3A_689, %sign3A_693 : vector<8x1xi32>
    %sign3A_695 = arith.constant 0 : i32
    %sign3A_696 = arith.cmpi sgt, %jit3A_683, %sign3A_695 : i32
    %sign3A_697 = arith.extui %sign3A_696 : i1 to i32
    %sign3A_698 = arith.constant 0 : i32
    %sign3A_699 = arith.cmpi slt, %jit3A_683, %sign3A_698 : i32
    %sign3A_700 = arith.extui %sign3A_699 : i1 to i32
    %sign3A_701 = arith.subi %sign3A_697, %sign3A_700 : i32
    %ne3A_702 = vector.broadcast %sign3A_701 : i32 to vector<8x1xi32>
    %ne3A_703 = arith.cmpi ne, %sign3A_694, %ne3A_702 : vector<8x1xi32>
    %rem3A_704 = vector.broadcast %jit3A_683 : i32 to vector<8x1xi32>
    %rem3A_705 = arith.remsi %add3A_682, %rem3A_704 : vector<8x1xi32>
    %ne3A_706 = arith.constant 0 : i32
    %ne3A_707 = vector.broadcast %ne3A_706 : i32 to vector<8x1xi32>
    %ne3A_708 = arith.cmpi ne, %rem3A_705, %ne3A_707 : vector<8x1xi32>
    %and3A_709 = arith.andi %ne3A_703, %ne3A_708 : vector<8x1xi1>
    %sub3A_710 = arith.constant 1 : i32
    %sub3A_711 = vector.broadcast %sub3A_710 : i32 to vector<8x1xi32>
    %sub3A_712 = arith.subi %div3A_685, %sub3A_711 : vector<8x1xi32>
    %select_n3A_713 = arith.select %and3A_709, %sub3A_712, %div3A_685 : vector<8x1xi1>, vector<8x1xi32>
    %gt3A_714 = vector.broadcast %select_n3A_713 : vector<8x1xi32> to vector<8x4096xi32>
    %gt3A_715 = arith.cmpi sgt, %select_n3A_120, %gt3A_714 : vector<8x4096xi32>
    %convert_element_type3A_716 = arith.extui %gt3A_715 : vector<8x4096xi1> to vector<8x4096xi32>
    %reduce_sum3A_717 = arith.constant dense<0> : vector<8xi32>
    %reduce_sum3A_718 = vector.multi_reduction <add>, %convert_element_type3A_716, %reduce_sum3A_717 [1] : vector<8x4096xi32> to vector<8xi32>
    %broadcast_in_dim3A_719 = vector.shape_cast %reduce_sum3A_718 : vector<8xi32> to vector<8x1xi32>
    %lt3A_720 = arith.constant 640 : i32
    %lt3A_721 = vector.broadcast %lt3A_720 : i32 to vector<8x1xi32>
    %lt3A_722 = arith.cmpi slt, %broadcast_in_dim3A_719, %lt3A_721 : vector<8x1xi32>
    %lt3A_723 = arith.cmpi slt, %select_n3A_681, %select_n3A_674 : vector<8x1xi32>
    %and3A_724 = arith.andi %lt3A_723, %lt3A_722 : vector<8x1xi1>
    %select_n3A_725 = arith.select %and3A_724, %select_n3A_713, %select_n3A_674 : vector<8x1xi1>, vector<8x1xi32>
    %not3A_726 = arith.constant dense<true> : vector<8x1xi1>
    %not3A_727 = arith.xori %lt3A_722, %not3A_726 : vector<8x1xi1>
    %and3A_728 = arith.andi %lt3A_723, %not3A_727 : vector<8x1xi1>
    %add3A_729 = arith.constant 1 : i32
    %add3A_730 = vector.broadcast %add3A_729 : i32 to vector<8x1xi32>
    %add3A_731 = arith.addi %select_n3A_713, %add3A_730 : vector<8x1xi32>
    %select_n3A_732 = arith.select %and3A_728, %add3A_731, %select_n3A_681 : vector<8x1xi1>, vector<8x1xi32>
    %add3A_733 = arith.addi %select_n3A_732, %select_n3A_725 : vector<8x1xi32>
    %jit3A_734 = arith.constant 2 : i32
    %div3A_735 = vector.broadcast %jit3A_734 : i32 to vector<8x1xi32>
    %div3A_736 = arith.divsi %add3A_733, %div3A_735 : vector<8x1xi32>
    %sign3A_737 = arith.constant 0 : i32
    %sign3A_738 = vector.broadcast %sign3A_737 : i32 to vector<8x1xi32>
    %sign3A_739 = arith.cmpi sgt, %add3A_733, %sign3A_738 : vector<8x1xi32>
    %sign3A_740 = arith.extui %sign3A_739 : vector<8x1xi1> to vector<8x1xi32>
    %sign3A_741 = arith.constant 0 : i32
    %sign3A_742 = vector.broadcast %sign3A_741 : i32 to vector<8x1xi32>
    %sign3A_743 = arith.cmpi slt, %add3A_733, %sign3A_742 : vector<8x1xi32>
    %sign3A_744 = arith.extui %sign3A_743 : vector<8x1xi1> to vector<8x1xi32>
    %sign3A_745 = arith.subi %sign3A_740, %sign3A_744 : vector<8x1xi32>
    %sign3A_746 = arith.constant 0 : i32
    %sign3A_747 = arith.cmpi sgt, %jit3A_734, %sign3A_746 : i32
    %sign3A_748 = arith.extui %sign3A_747 : i1 to i32
    %sign3A_749 = arith.constant 0 : i32
    %sign3A_750 = arith.cmpi slt, %jit3A_734, %sign3A_749 : i32
    %sign3A_751 = arith.extui %sign3A_750 : i1 to i32
    %sign3A_752 = arith.subi %sign3A_748, %sign3A_751 : i32
    %ne3A_753 = vector.broadcast %sign3A_752 : i32 to vector<8x1xi32>
    %ne3A_754 = arith.cmpi ne, %sign3A_745, %ne3A_753 : vector<8x1xi32>
    %rem3A_755 = vector.broadcast %jit3A_734 : i32 to vector<8x1xi32>
    %rem3A_756 = arith.remsi %add3A_733, %rem3A_755 : vector<8x1xi32>
    %ne3A_757 = arith.constant 0 : i32
    %ne3A_758 = vector.broadcast %ne3A_757 : i32 to vector<8x1xi32>
    %ne3A_759 = arith.cmpi ne, %rem3A_756, %ne3A_758 : vector<8x1xi32>
    %and3A_760 = arith.andi %ne3A_754, %ne3A_759 : vector<8x1xi1>
    %sub3A_761 = arith.constant 1 : i32
    %sub3A_762 = vector.broadcast %sub3A_761 : i32 to vector<8x1xi32>
    %sub3A_763 = arith.subi %div3A_736, %sub3A_762 : vector<8x1xi32>
    %select_n3A_764 = arith.select %and3A_760, %sub3A_763, %div3A_736 : vector<8x1xi1>, vector<8x1xi32>
    %gt3A_765 = vector.broadcast %select_n3A_764 : vector<8x1xi32> to vector<8x4096xi32>
    %gt3A_766 = arith.cmpi sgt, %select_n3A_120, %gt3A_765 : vector<8x4096xi32>
    %convert_element_type3A_767 = arith.extui %gt3A_766 : vector<8x4096xi1> to vector<8x4096xi32>
    %reduce_sum3A_768 = arith.constant dense<0> : vector<8xi32>
    %reduce_sum3A_769 = vector.multi_reduction <add>, %convert_element_type3A_767, %reduce_sum3A_768 [1] : vector<8x4096xi32> to vector<8xi32>
    %broadcast_in_dim3A_770 = vector.shape_cast %reduce_sum3A_769 : vector<8xi32> to vector<8x1xi32>
    %lt3A_771 = arith.constant 640 : i32
    %lt3A_772 = vector.broadcast %lt3A_771 : i32 to vector<8x1xi32>
    %lt3A_773 = arith.cmpi slt, %broadcast_in_dim3A_770, %lt3A_772 : vector<8x1xi32>
    %lt3A_774 = arith.cmpi slt, %select_n3A_732, %select_n3A_725 : vector<8x1xi32>
    %and3A_775 = arith.andi %lt3A_774, %lt3A_773 : vector<8x1xi1>
    %select_n3A_776 = arith.select %and3A_775, %select_n3A_764, %select_n3A_725 : vector<8x1xi1>, vector<8x1xi32>
    %not3A_777 = arith.constant dense<true> : vector<8x1xi1>
    %not3A_778 = arith.xori %lt3A_773, %not3A_777 : vector<8x1xi1>
    %and3A_779 = arith.andi %lt3A_774, %not3A_778 : vector<8x1xi1>
    %add3A_780 = arith.constant 1 : i32
    %add3A_781 = vector.broadcast %add3A_780 : i32 to vector<8x1xi32>
    %add3A_782 = arith.addi %select_n3A_764, %add3A_781 : vector<8x1xi32>
    %select_n3A_783 = arith.select %and3A_779, %add3A_782, %select_n3A_732 : vector<8x1xi1>, vector<8x1xi32>
    %add3A_784 = arith.addi %select_n3A_783, %select_n3A_776 : vector<8x1xi32>
    %jit3A_785 = arith.constant 2 : i32
    %div3A_786 = vector.broadcast %jit3A_785 : i32 to vector<8x1xi32>
    %div3A_787 = arith.divsi %add3A_784, %div3A_786 : vector<8x1xi32>
    %sign3A_788 = arith.constant 0 : i32
    %sign3A_789 = vector.broadcast %sign3A_788 : i32 to vector<8x1xi32>
    %sign3A_790 = arith.cmpi sgt, %add3A_784, %sign3A_789 : vector<8x1xi32>
    %sign3A_791 = arith.extui %sign3A_790 : vector<8x1xi1> to vector<8x1xi32>
    %sign3A_792 = arith.constant 0 : i32
    %sign3A_793 = vector.broadcast %sign3A_792 : i32 to vector<8x1xi32>
    %sign3A_794 = arith.cmpi slt, %add3A_784, %sign3A_793 : vector<8x1xi32>
    %sign3A_795 = arith.extui %sign3A_794 : vector<8x1xi1> to vector<8x1xi32>
    %sign3A_796 = arith.subi %sign3A_791, %sign3A_795 : vector<8x1xi32>
    %sign3A_797 = arith.constant 0 : i32
    %sign3A_798 = arith.cmpi sgt, %jit3A_785, %sign3A_797 : i32
    %sign3A_799 = arith.extui %sign3A_798 : i1 to i32
    %sign3A_800 = arith.constant 0 : i32
    %sign3A_801 = arith.cmpi slt, %jit3A_785, %sign3A_800 : i32
    %sign3A_802 = arith.extui %sign3A_801 : i1 to i32
    %sign3A_803 = arith.subi %sign3A_799, %sign3A_802 : i32
    %ne3A_804 = vector.broadcast %sign3A_803 : i32 to vector<8x1xi32>
    %ne3A_805 = arith.cmpi ne, %sign3A_796, %ne3A_804 : vector<8x1xi32>
    %rem3A_806 = vector.broadcast %jit3A_785 : i32 to vector<8x1xi32>
    %rem3A_807 = arith.remsi %add3A_784, %rem3A_806 : vector<8x1xi32>
    %ne3A_808 = arith.constant 0 : i32
    %ne3A_809 = vector.broadcast %ne3A_808 : i32 to vector<8x1xi32>
    %ne3A_810 = arith.cmpi ne, %rem3A_807, %ne3A_809 : vector<8x1xi32>
    %and3A_811 = arith.andi %ne3A_805, %ne3A_810 : vector<8x1xi1>
    %sub3A_812 = arith.constant 1 : i32
    %sub3A_813 = vector.broadcast %sub3A_812 : i32 to vector<8x1xi32>
    %sub3A_814 = arith.subi %div3A_787, %sub3A_813 : vector<8x1xi32>
    %select_n3A_815 = arith.select %and3A_811, %sub3A_814, %div3A_787 : vector<8x1xi1>, vector<8x1xi32>
    %gt3A_816 = vector.broadcast %select_n3A_815 : vector<8x1xi32> to vector<8x4096xi32>
    %gt3A_817 = arith.cmpi sgt, %select_n3A_120, %gt3A_816 : vector<8x4096xi32>
    %convert_element_type3A_818 = arith.extui %gt3A_817 : vector<8x4096xi1> to vector<8x4096xi32>
    %reduce_sum3A_819 = arith.constant dense<0> : vector<8xi32>
    %reduce_sum3A_820 = vector.multi_reduction <add>, %convert_element_type3A_818, %reduce_sum3A_819 [1] : vector<8x4096xi32> to vector<8xi32>
    %broadcast_in_dim3A_821 = vector.shape_cast %reduce_sum3A_820 : vector<8xi32> to vector<8x1xi32>
    %lt3A_822 = arith.constant 640 : i32
    %lt3A_823 = vector.broadcast %lt3A_822 : i32 to vector<8x1xi32>
    %lt3A_824 = arith.cmpi slt, %broadcast_in_dim3A_821, %lt3A_823 : vector<8x1xi32>
    %lt3A_825 = arith.cmpi slt, %select_n3A_783, %select_n3A_776 : vector<8x1xi32>
    %and3A_826 = arith.andi %lt3A_825, %lt3A_824 : vector<8x1xi1>
    %select_n3A_827 = arith.select %and3A_826, %select_n3A_815, %select_n3A_776 : vector<8x1xi1>, vector<8x1xi32>
    %not3A_828 = arith.constant dense<true> : vector<8x1xi1>
    %not3A_829 = arith.xori %lt3A_824, %not3A_828 : vector<8x1xi1>
    %and3A_830 = arith.andi %lt3A_825, %not3A_829 : vector<8x1xi1>
    %add3A_831 = arith.constant 1 : i32
    %add3A_832 = vector.broadcast %add3A_831 : i32 to vector<8x1xi32>
    %add3A_833 = arith.addi %select_n3A_815, %add3A_832 : vector<8x1xi32>
    %select_n3A_834 = arith.select %and3A_830, %add3A_833, %select_n3A_783 : vector<8x1xi1>, vector<8x1xi32>
    %add3A_835 = arith.addi %select_n3A_834, %select_n3A_827 : vector<8x1xi32>
    %jit3A_836 = arith.constant 2 : i32
    %div3A_837 = vector.broadcast %jit3A_836 : i32 to vector<8x1xi32>
    %div3A_838 = arith.divsi %add3A_835, %div3A_837 : vector<8x1xi32>
    %sign3A_839 = arith.constant 0 : i32
    %sign3A_840 = vector.broadcast %sign3A_839 : i32 to vector<8x1xi32>
    %sign3A_841 = arith.cmpi sgt, %add3A_835, %sign3A_840 : vector<8x1xi32>
    %sign3A_842 = arith.extui %sign3A_841 : vector<8x1xi1> to vector<8x1xi32>
    %sign3A_843 = arith.constant 0 : i32
    %sign3A_844 = vector.broadcast %sign3A_843 : i32 to vector<8x1xi32>
    %sign3A_845 = arith.cmpi slt, %add3A_835, %sign3A_844 : vector<8x1xi32>
    %sign3A_846 = arith.extui %sign3A_845 : vector<8x1xi1> to vector<8x1xi32>
    %sign3A_847 = arith.subi %sign3A_842, %sign3A_846 : vector<8x1xi32>
    %sign3A_848 = arith.constant 0 : i32
    %sign3A_849 = arith.cmpi sgt, %jit3A_836, %sign3A_848 : i32
    %sign3A_850 = arith.extui %sign3A_849 : i1 to i32
    %sign3A_851 = arith.constant 0 : i32
    %sign3A_852 = arith.cmpi slt, %jit3A_836, %sign3A_851 : i32
    %sign3A_853 = arith.extui %sign3A_852 : i1 to i32
    %sign3A_854 = arith.subi %sign3A_850, %sign3A_853 : i32
    %ne3A_855 = vector.broadcast %sign3A_854 : i32 to vector<8x1xi32>
    %ne3A_856 = arith.cmpi ne, %sign3A_847, %ne3A_855 : vector<8x1xi32>
    %rem3A_857 = vector.broadcast %jit3A_836 : i32 to vector<8x1xi32>
    %rem3A_858 = arith.remsi %add3A_835, %rem3A_857 : vector<8x1xi32>
    %ne3A_859 = arith.constant 0 : i32
    %ne3A_860 = vector.broadcast %ne3A_859 : i32 to vector<8x1xi32>
    %ne3A_861 = arith.cmpi ne, %rem3A_858, %ne3A_860 : vector<8x1xi32>
    %and3A_862 = arith.andi %ne3A_856, %ne3A_861 : vector<8x1xi1>
    %sub3A_863 = arith.constant 1 : i32
    %sub3A_864 = vector.broadcast %sub3A_863 : i32 to vector<8x1xi32>
    %sub3A_865 = arith.subi %div3A_838, %sub3A_864 : vector<8x1xi32>
    %select_n3A_866 = arith.select %and3A_862, %sub3A_865, %div3A_838 : vector<8x1xi1>, vector<8x1xi32>
    %gt3A_867 = vector.broadcast %select_n3A_866 : vector<8x1xi32> to vector<8x4096xi32>
    %gt3A_868 = arith.cmpi sgt, %select_n3A_120, %gt3A_867 : vector<8x4096xi32>
    %convert_element_type3A_869 = arith.extui %gt3A_868 : vector<8x4096xi1> to vector<8x4096xi32>
    %reduce_sum3A_870 = arith.constant dense<0> : vector<8xi32>
    %reduce_sum3A_871 = vector.multi_reduction <add>, %convert_element_type3A_869, %reduce_sum3A_870 [1] : vector<8x4096xi32> to vector<8xi32>
    %broadcast_in_dim3A_872 = vector.shape_cast %reduce_sum3A_871 : vector<8xi32> to vector<8x1xi32>
    %lt3A_873 = arith.constant 640 : i32
    %lt3A_874 = vector.broadcast %lt3A_873 : i32 to vector<8x1xi32>
    %lt3A_875 = arith.cmpi slt, %broadcast_in_dim3A_872, %lt3A_874 : vector<8x1xi32>
    %lt3A_876 = arith.cmpi slt, %select_n3A_834, %select_n3A_827 : vector<8x1xi32>
    %and3A_877 = arith.andi %lt3A_876, %lt3A_875 : vector<8x1xi1>
    %select_n3A_878 = arith.select %and3A_877, %select_n3A_866, %select_n3A_827 : vector<8x1xi1>, vector<8x1xi32>
    %not3A_879 = arith.constant dense<true> : vector<8x1xi1>
    %not3A_880 = arith.xori %lt3A_875, %not3A_879 : vector<8x1xi1>
    %and3A_881 = arith.andi %lt3A_876, %not3A_880 : vector<8x1xi1>
    %add3A_882 = arith.constant 1 : i32
    %add3A_883 = vector.broadcast %add3A_882 : i32 to vector<8x1xi32>
    %add3A_884 = arith.addi %select_n3A_866, %add3A_883 : vector<8x1xi32>
    %select_n3A_885 = arith.select %and3A_881, %add3A_884, %select_n3A_834 : vector<8x1xi1>, vector<8x1xi32>
    %add3A_886 = arith.addi %select_n3A_885, %select_n3A_878 : vector<8x1xi32>
    %jit3A_887 = arith.constant 2 : i32
    %div3A_888 = vector.broadcast %jit3A_887 : i32 to vector<8x1xi32>
    %div3A_889 = arith.divsi %add3A_886, %div3A_888 : vector<8x1xi32>
    %sign3A_890 = arith.constant 0 : i32
    %sign3A_891 = vector.broadcast %sign3A_890 : i32 to vector<8x1xi32>
    %sign3A_892 = arith.cmpi sgt, %add3A_886, %sign3A_891 : vector<8x1xi32>
    %sign3A_893 = arith.extui %sign3A_892 : vector<8x1xi1> to vector<8x1xi32>
    %sign3A_894 = arith.constant 0 : i32
    %sign3A_895 = vector.broadcast %sign3A_894 : i32 to vector<8x1xi32>
    %sign3A_896 = arith.cmpi slt, %add3A_886, %sign3A_895 : vector<8x1xi32>
    %sign3A_897 = arith.extui %sign3A_896 : vector<8x1xi1> to vector<8x1xi32>
    %sign3A_898 = arith.subi %sign3A_893, %sign3A_897 : vector<8x1xi32>
    %sign3A_899 = arith.constant 0 : i32
    %sign3A_900 = arith.cmpi sgt, %jit3A_887, %sign3A_899 : i32
    %sign3A_901 = arith.extui %sign3A_900 : i1 to i32
    %sign3A_902 = arith.constant 0 : i32
    %sign3A_903 = arith.cmpi slt, %jit3A_887, %sign3A_902 : i32
    %sign3A_904 = arith.extui %sign3A_903 : i1 to i32
    %sign3A_905 = arith.subi %sign3A_901, %sign3A_904 : i32
    %ne3A_906 = vector.broadcast %sign3A_905 : i32 to vector<8x1xi32>
    %ne3A_907 = arith.cmpi ne, %sign3A_898, %ne3A_906 : vector<8x1xi32>
    %rem3A_908 = vector.broadcast %jit3A_887 : i32 to vector<8x1xi32>
    %rem3A_909 = arith.remsi %add3A_886, %rem3A_908 : vector<8x1xi32>
    %ne3A_910 = arith.constant 0 : i32
    %ne3A_911 = vector.broadcast %ne3A_910 : i32 to vector<8x1xi32>
    %ne3A_912 = arith.cmpi ne, %rem3A_909, %ne3A_911 : vector<8x1xi32>
    %and3A_913 = arith.andi %ne3A_907, %ne3A_912 : vector<8x1xi1>
    %sub3A_914 = arith.constant 1 : i32
    %sub3A_915 = vector.broadcast %sub3A_914 : i32 to vector<8x1xi32>
    %sub3A_916 = arith.subi %div3A_889, %sub3A_915 : vector<8x1xi32>
    %select_n3A_917 = arith.select %and3A_913, %sub3A_916, %div3A_889 : vector<8x1xi1>, vector<8x1xi32>
    %gt3A_918 = vector.broadcast %select_n3A_917 : vector<8x1xi32> to vector<8x4096xi32>
    %gt3A_919 = arith.cmpi sgt, %select_n3A_120, %gt3A_918 : vector<8x4096xi32>
    %convert_element_type3A_920 = arith.extui %gt3A_919 : vector<8x4096xi1> to vector<8x4096xi32>
    %reduce_sum3A_921 = arith.constant dense<0> : vector<8xi32>
    %reduce_sum3A_922 = vector.multi_reduction <add>, %convert_element_type3A_920, %reduce_sum3A_921 [1] : vector<8x4096xi32> to vector<8xi32>
    %broadcast_in_dim3A_923 = vector.shape_cast %reduce_sum3A_922 : vector<8xi32> to vector<8x1xi32>
    %lt3A_924 = arith.constant 640 : i32
    %lt3A_925 = vector.broadcast %lt3A_924 : i32 to vector<8x1xi32>
    %lt3A_926 = arith.cmpi slt, %broadcast_in_dim3A_923, %lt3A_925 : vector<8x1xi32>
    %lt3A_927 = arith.cmpi slt, %select_n3A_885, %select_n3A_878 : vector<8x1xi32>
    %and3A_928 = arith.andi %lt3A_927, %lt3A_926 : vector<8x1xi1>
    %select_n3A_929 = arith.select %and3A_928, %select_n3A_917, %select_n3A_878 : vector<8x1xi1>, vector<8x1xi32>
    %not3A_930 = arith.constant dense<true> : vector<8x1xi1>
    %not3A_931 = arith.xori %lt3A_926, %not3A_930 : vector<8x1xi1>
    %and3A_932 = arith.andi %lt3A_927, %not3A_931 : vector<8x1xi1>
    %add3A_933 = arith.constant 1 : i32
    %add3A_934 = vector.broadcast %add3A_933 : i32 to vector<8x1xi32>
    %add3A_935 = arith.addi %select_n3A_917, %add3A_934 : vector<8x1xi32>
    %select_n3A_936 = arith.select %and3A_932, %add3A_935, %select_n3A_885 : vector<8x1xi1>, vector<8x1xi32>
    %add3A_937 = arith.addi %select_n3A_936, %select_n3A_929 : vector<8x1xi32>
    %jit3A_938 = arith.constant 2 : i32
    %div3A_939 = vector.broadcast %jit3A_938 : i32 to vector<8x1xi32>
    %div3A_940 = arith.divsi %add3A_937, %div3A_939 : vector<8x1xi32>
    %sign3A_941 = arith.constant 0 : i32
    %sign3A_942 = vector.broadcast %sign3A_941 : i32 to vector<8x1xi32>
    %sign3A_943 = arith.cmpi sgt, %add3A_937, %sign3A_942 : vector<8x1xi32>
    %sign3A_944 = arith.extui %sign3A_943 : vector<8x1xi1> to vector<8x1xi32>
    %sign3A_945 = arith.constant 0 : i32
    %sign3A_946 = vector.broadcast %sign3A_945 : i32 to vector<8x1xi32>
    %sign3A_947 = arith.cmpi slt, %add3A_937, %sign3A_946 : vector<8x1xi32>
    %sign3A_948 = arith.extui %sign3A_947 : vector<8x1xi1> to vector<8x1xi32>
    %sign3A_949 = arith.subi %sign3A_944, %sign3A_948 : vector<8x1xi32>
    %sign3A_950 = arith.constant 0 : i32
    %sign3A_951 = arith.cmpi sgt, %jit3A_938, %sign3A_950 : i32
    %sign3A_952 = arith.extui %sign3A_951 : i1 to i32
    %sign3A_953 = arith.constant 0 : i32
    %sign3A_954 = arith.cmpi slt, %jit3A_938, %sign3A_953 : i32
    %sign3A_955 = arith.extui %sign3A_954 : i1 to i32
    %sign3A_956 = arith.subi %sign3A_952, %sign3A_955 : i32
    %ne3A_957 = vector.broadcast %sign3A_956 : i32 to vector<8x1xi32>
    %ne3A_958 = arith.cmpi ne, %sign3A_949, %ne3A_957 : vector<8x1xi32>
    %rem3A_959 = vector.broadcast %jit3A_938 : i32 to vector<8x1xi32>
    %rem3A_960 = arith.remsi %add3A_937, %rem3A_959 : vector<8x1xi32>
    %ne3A_961 = arith.constant 0 : i32
    %ne3A_962 = vector.broadcast %ne3A_961 : i32 to vector<8x1xi32>
    %ne3A_963 = arith.cmpi ne, %rem3A_960, %ne3A_962 : vector<8x1xi32>
    %and3A_964 = arith.andi %ne3A_958, %ne3A_963 : vector<8x1xi1>
    %sub3A_965 = arith.constant 1 : i32
    %sub3A_966 = vector.broadcast %sub3A_965 : i32 to vector<8x1xi32>
    %sub3A_967 = arith.subi %div3A_940, %sub3A_966 : vector<8x1xi32>
    %select_n3A_968 = arith.select %and3A_964, %sub3A_967, %div3A_940 : vector<8x1xi1>, vector<8x1xi32>
    %gt3A_969 = vector.broadcast %select_n3A_968 : vector<8x1xi32> to vector<8x4096xi32>
    %gt3A_970 = arith.cmpi sgt, %select_n3A_120, %gt3A_969 : vector<8x4096xi32>
    %convert_element_type3A_971 = arith.extui %gt3A_970 : vector<8x4096xi1> to vector<8x4096xi32>
    %reduce_sum3A_972 = arith.constant dense<0> : vector<8xi32>
    %reduce_sum3A_973 = vector.multi_reduction <add>, %convert_element_type3A_971, %reduce_sum3A_972 [1] : vector<8x4096xi32> to vector<8xi32>
    %broadcast_in_dim3A_974 = vector.shape_cast %reduce_sum3A_973 : vector<8xi32> to vector<8x1xi32>
    %lt3A_975 = arith.constant 640 : i32
    %lt3A_976 = vector.broadcast %lt3A_975 : i32 to vector<8x1xi32>
    %lt3A_977 = arith.cmpi slt, %broadcast_in_dim3A_974, %lt3A_976 : vector<8x1xi32>
    %lt3A_978 = arith.cmpi slt, %select_n3A_936, %select_n3A_929 : vector<8x1xi32>
    %and3A_979 = arith.andi %lt3A_978, %lt3A_977 : vector<8x1xi1>
    %select_n3A_980 = arith.select %and3A_979, %select_n3A_968, %select_n3A_929 : vector<8x1xi1>, vector<8x1xi32>
    %not3A_981 = arith.constant dense<true> : vector<8x1xi1>
    %not3A_982 = arith.xori %lt3A_977, %not3A_981 : vector<8x1xi1>
    %and3A_983 = arith.andi %lt3A_978, %not3A_982 : vector<8x1xi1>
    %add3A_984 = arith.constant 1 : i32
    %add3A_985 = vector.broadcast %add3A_984 : i32 to vector<8x1xi32>
    %add3A_986 = arith.addi %select_n3A_968, %add3A_985 : vector<8x1xi32>
    %select_n3A_987 = arith.select %and3A_983, %add3A_986, %select_n3A_936 : vector<8x1xi1>, vector<8x1xi32>
    %add3A_988 = arith.addi %select_n3A_987, %select_n3A_980 : vector<8x1xi32>
    %jit3A_989 = arith.constant 2 : i32
    %div3A_990 = vector.broadcast %jit3A_989 : i32 to vector<8x1xi32>
    %div3A_991 = arith.divsi %add3A_988, %div3A_990 : vector<8x1xi32>
    %sign3A_992 = arith.constant 0 : i32
    %sign3A_993 = vector.broadcast %sign3A_992 : i32 to vector<8x1xi32>
    %sign3A_994 = arith.cmpi sgt, %add3A_988, %sign3A_993 : vector<8x1xi32>
    %sign3A_995 = arith.extui %sign3A_994 : vector<8x1xi1> to vector<8x1xi32>
    %sign3A_996 = arith.constant 0 : i32
    %sign3A_997 = vector.broadcast %sign3A_996 : i32 to vector<8x1xi32>
    %sign3A_998 = arith.cmpi slt, %add3A_988, %sign3A_997 : vector<8x1xi32>
    %sign3A_999 = arith.extui %sign3A_998 : vector<8x1xi1> to vector<8x1xi32>
    %sign3A_1000 = arith.subi %sign3A_995, %sign3A_999 : vector<8x1xi32>
    %sign3A_1001 = arith.constant 0 : i32
    %sign3A_1002 = arith.cmpi sgt, %jit3A_989, %sign3A_1001 : i32
    %sign3A_1003 = arith.extui %sign3A_1002 : i1 to i32
    %sign3A_1004 = arith.constant 0 : i32
    %sign3A_1005 = arith.cmpi slt, %jit3A_989, %sign3A_1004 : i32
    %sign3A_1006 = arith.extui %sign3A_1005 : i1 to i32
    %sign3A_1007 = arith.subi %sign3A_1003, %sign3A_1006 : i32
    %ne3A_1008 = vector.broadcast %sign3A_1007 : i32 to vector<8x1xi32>
    %ne3A_1009 = arith.cmpi ne, %sign3A_1000, %ne3A_1008 : vector<8x1xi32>
    %rem3A_1010 = vector.broadcast %jit3A_989 : i32 to vector<8x1xi32>
    %rem3A_1011 = arith.remsi %add3A_988, %rem3A_1010 : vector<8x1xi32>
    %ne3A_1012 = arith.constant 0 : i32
    %ne3A_1013 = vector.broadcast %ne3A_1012 : i32 to vector<8x1xi32>
    %ne3A_1014 = arith.cmpi ne, %rem3A_1011, %ne3A_1013 : vector<8x1xi32>
    %and3A_1015 = arith.andi %ne3A_1009, %ne3A_1014 : vector<8x1xi1>
    %sub3A_1016 = arith.constant 1 : i32
    %sub3A_1017 = vector.broadcast %sub3A_1016 : i32 to vector<8x1xi32>
    %sub3A_1018 = arith.subi %div3A_991, %sub3A_1017 : vector<8x1xi32>
    %select_n3A_1019 = arith.select %and3A_1015, %sub3A_1018, %div3A_991 : vector<8x1xi1>, vector<8x1xi32>
    %gt3A_1020 = vector.broadcast %select_n3A_1019 : vector<8x1xi32> to vector<8x4096xi32>
    %gt3A_1021 = arith.cmpi sgt, %select_n3A_120, %gt3A_1020 : vector<8x4096xi32>
    %convert_element_type3A_1022 = arith.extui %gt3A_1021 : vector<8x4096xi1> to vector<8x4096xi32>
    %reduce_sum3A_1023 = arith.constant dense<0> : vector<8xi32>
    %reduce_sum3A_1024 = vector.multi_reduction <add>, %convert_element_type3A_1022, %reduce_sum3A_1023 [1] : vector<8x4096xi32> to vector<8xi32>
    %broadcast_in_dim3A_1025 = vector.shape_cast %reduce_sum3A_1024 : vector<8xi32> to vector<8x1xi32>
    %lt3A_1026 = arith.constant 640 : i32
    %lt3A_1027 = vector.broadcast %lt3A_1026 : i32 to vector<8x1xi32>
    %lt3A_1028 = arith.cmpi slt, %broadcast_in_dim3A_1025, %lt3A_1027 : vector<8x1xi32>
    %lt3A_1029 = arith.cmpi slt, %select_n3A_987, %select_n3A_980 : vector<8x1xi32>
    %and3A_1030 = arith.andi %lt3A_1029, %lt3A_1028 : vector<8x1xi1>
    %select_n3A_1031 = arith.select %and3A_1030, %select_n3A_1019, %select_n3A_980 : vector<8x1xi1>, vector<8x1xi32>
    %not3A_1032 = arith.constant dense<true> : vector<8x1xi1>
    %not3A_1033 = arith.xori %lt3A_1028, %not3A_1032 : vector<8x1xi1>
    %and3A_1034 = arith.andi %lt3A_1029, %not3A_1033 : vector<8x1xi1>
    %add3A_1035 = arith.constant 1 : i32
    %add3A_1036 = vector.broadcast %add3A_1035 : i32 to vector<8x1xi32>
    %add3A_1037 = arith.addi %select_n3A_1019, %add3A_1036 : vector<8x1xi32>
    %select_n3A_1038 = arith.select %and3A_1034, %add3A_1037, %select_n3A_987 : vector<8x1xi1>, vector<8x1xi32>
    %add3A_1039 = arith.addi %select_n3A_1038, %select_n3A_1031 : vector<8x1xi32>
    %jit3A_1040 = arith.constant 2 : i32
    %div3A_1041 = vector.broadcast %jit3A_1040 : i32 to vector<8x1xi32>
    %div3A_1042 = arith.divsi %add3A_1039, %div3A_1041 : vector<8x1xi32>
    %sign3A_1043 = arith.constant 0 : i32
    %sign3A_1044 = vector.broadcast %sign3A_1043 : i32 to vector<8x1xi32>
    %sign3A_1045 = arith.cmpi sgt, %add3A_1039, %sign3A_1044 : vector<8x1xi32>
    %sign3A_1046 = arith.extui %sign3A_1045 : vector<8x1xi1> to vector<8x1xi32>
    %sign3A_1047 = arith.constant 0 : i32
    %sign3A_1048 = vector.broadcast %sign3A_1047 : i32 to vector<8x1xi32>
    %sign3A_1049 = arith.cmpi slt, %add3A_1039, %sign3A_1048 : vector<8x1xi32>
    %sign3A_1050 = arith.extui %sign3A_1049 : vector<8x1xi1> to vector<8x1xi32>
    %sign3A_1051 = arith.subi %sign3A_1046, %sign3A_1050 : vector<8x1xi32>
    %sign3A_1052 = arith.constant 0 : i32
    %sign3A_1053 = arith.cmpi sgt, %jit3A_1040, %sign3A_1052 : i32
    %sign3A_1054 = arith.extui %sign3A_1053 : i1 to i32
    %sign3A_1055 = arith.constant 0 : i32
    %sign3A_1056 = arith.cmpi slt, %jit3A_1040, %sign3A_1055 : i32
    %sign3A_1057 = arith.extui %sign3A_1056 : i1 to i32
    %sign3A_1058 = arith.subi %sign3A_1054, %sign3A_1057 : i32
    %ne3A_1059 = vector.broadcast %sign3A_1058 : i32 to vector<8x1xi32>
    %ne3A_1060 = arith.cmpi ne, %sign3A_1051, %ne3A_1059 : vector<8x1xi32>
    %rem3A_1061 = vector.broadcast %jit3A_1040 : i32 to vector<8x1xi32>
    %rem3A_1062 = arith.remsi %add3A_1039, %rem3A_1061 : vector<8x1xi32>
    %ne3A_1063 = arith.constant 0 : i32
    %ne3A_1064 = vector.broadcast %ne3A_1063 : i32 to vector<8x1xi32>
    %ne3A_1065 = arith.cmpi ne, %rem3A_1062, %ne3A_1064 : vector<8x1xi32>
    %and3A_1066 = arith.andi %ne3A_1060, %ne3A_1065 : vector<8x1xi1>
    %sub3A_1067 = arith.constant 1 : i32
    %sub3A_1068 = vector.broadcast %sub3A_1067 : i32 to vector<8x1xi32>
    %sub3A_1069 = arith.subi %div3A_1042, %sub3A_1068 : vector<8x1xi32>
    %select_n3A_1070 = arith.select %and3A_1066, %sub3A_1069, %div3A_1042 : vector<8x1xi1>, vector<8x1xi32>
    %gt3A_1071 = vector.broadcast %select_n3A_1070 : vector<8x1xi32> to vector<8x4096xi32>
    %gt3A_1072 = arith.cmpi sgt, %select_n3A_120, %gt3A_1071 : vector<8x4096xi32>
    %convert_element_type3A_1073 = arith.extui %gt3A_1072 : vector<8x4096xi1> to vector<8x4096xi32>
    %reduce_sum3A_1074 = arith.constant dense<0> : vector<8xi32>
    %reduce_sum3A_1075 = vector.multi_reduction <add>, %convert_element_type3A_1073, %reduce_sum3A_1074 [1] : vector<8x4096xi32> to vector<8xi32>
    %broadcast_in_dim3A_1076 = vector.shape_cast %reduce_sum3A_1075 : vector<8xi32> to vector<8x1xi32>
    %lt3A_1077 = arith.constant 640 : i32
    %lt3A_1078 = vector.broadcast %lt3A_1077 : i32 to vector<8x1xi32>
    %lt3A_1079 = arith.cmpi slt, %broadcast_in_dim3A_1076, %lt3A_1078 : vector<8x1xi32>
    %lt3A_1080 = arith.cmpi slt, %select_n3A_1038, %select_n3A_1031 : vector<8x1xi32>
    %and3A_1081 = arith.andi %lt3A_1080, %lt3A_1079 : vector<8x1xi1>
    %select_n3A_1082 = arith.select %and3A_1081, %select_n3A_1070, %select_n3A_1031 : vector<8x1xi1>, vector<8x1xi32>
    %not3A_1083 = arith.constant dense<true> : vector<8x1xi1>
    %not3A_1084 = arith.xori %lt3A_1079, %not3A_1083 : vector<8x1xi1>
    %and3A_1085 = arith.andi %lt3A_1080, %not3A_1084 : vector<8x1xi1>
    %add3A_1086 = arith.constant 1 : i32
    %add3A_1087 = vector.broadcast %add3A_1086 : i32 to vector<8x1xi32>
    %add3A_1088 = arith.addi %select_n3A_1070, %add3A_1087 : vector<8x1xi32>
    %select_n3A_1089 = arith.select %and3A_1085, %add3A_1088, %select_n3A_1038 : vector<8x1xi1>, vector<8x1xi32>
    %add3A_1090 = arith.addi %select_n3A_1089, %select_n3A_1082 : vector<8x1xi32>
    %jit3A_1091 = arith.constant 2 : i32
    %div3A_1092 = vector.broadcast %jit3A_1091 : i32 to vector<8x1xi32>
    %div3A_1093 = arith.divsi %add3A_1090, %div3A_1092 : vector<8x1xi32>
    %sign3A_1094 = arith.constant 0 : i32
    %sign3A_1095 = vector.broadcast %sign3A_1094 : i32 to vector<8x1xi32>
    %sign3A_1096 = arith.cmpi sgt, %add3A_1090, %sign3A_1095 : vector<8x1xi32>
    %sign3A_1097 = arith.extui %sign3A_1096 : vector<8x1xi1> to vector<8x1xi32>
    %sign3A_1098 = arith.constant 0 : i32
    %sign3A_1099 = vector.broadcast %sign3A_1098 : i32 to vector<8x1xi32>
    %sign3A_1100 = arith.cmpi slt, %add3A_1090, %sign3A_1099 : vector<8x1xi32>
    %sign3A_1101 = arith.extui %sign3A_1100 : vector<8x1xi1> to vector<8x1xi32>
    %sign3A_1102 = arith.subi %sign3A_1097, %sign3A_1101 : vector<8x1xi32>
    %sign3A_1103 = arith.constant 0 : i32
    %sign3A_1104 = arith.cmpi sgt, %jit3A_1091, %sign3A_1103 : i32
    %sign3A_1105 = arith.extui %sign3A_1104 : i1 to i32
    %sign3A_1106 = arith.constant 0 : i32
    %sign3A_1107 = arith.cmpi slt, %jit3A_1091, %sign3A_1106 : i32
    %sign3A_1108 = arith.extui %sign3A_1107 : i1 to i32
    %sign3A_1109 = arith.subi %sign3A_1105, %sign3A_1108 : i32
    %ne3A_1110 = vector.broadcast %sign3A_1109 : i32 to vector<8x1xi32>
    %ne3A_1111 = arith.cmpi ne, %sign3A_1102, %ne3A_1110 : vector<8x1xi32>
    %rem3A_1112 = vector.broadcast %jit3A_1091 : i32 to vector<8x1xi32>
    %rem3A_1113 = arith.remsi %add3A_1090, %rem3A_1112 : vector<8x1xi32>
    %ne3A_1114 = arith.constant 0 : i32
    %ne3A_1115 = vector.broadcast %ne3A_1114 : i32 to vector<8x1xi32>
    %ne3A_1116 = arith.cmpi ne, %rem3A_1113, %ne3A_1115 : vector<8x1xi32>
    %and3A_1117 = arith.andi %ne3A_1111, %ne3A_1116 : vector<8x1xi1>
    %sub3A_1118 = arith.constant 1 : i32
    %sub3A_1119 = vector.broadcast %sub3A_1118 : i32 to vector<8x1xi32>
    %sub3A_1120 = arith.subi %div3A_1093, %sub3A_1119 : vector<8x1xi32>
    %select_n3A_1121 = arith.select %and3A_1117, %sub3A_1120, %div3A_1093 : vector<8x1xi1>, vector<8x1xi32>
    %gt3A_1122 = vector.broadcast %select_n3A_1121 : vector<8x1xi32> to vector<8x4096xi32>
    %gt3A_1123 = arith.cmpi sgt, %select_n3A_120, %gt3A_1122 : vector<8x4096xi32>
    %convert_element_type3A_1124 = arith.extui %gt3A_1123 : vector<8x4096xi1> to vector<8x4096xi32>
    %reduce_sum3A_1125 = arith.constant dense<0> : vector<8xi32>
    %reduce_sum3A_1126 = vector.multi_reduction <add>, %convert_element_type3A_1124, %reduce_sum3A_1125 [1] : vector<8x4096xi32> to vector<8xi32>
    %broadcast_in_dim3A_1127 = vector.shape_cast %reduce_sum3A_1126 : vector<8xi32> to vector<8x1xi32>
    %lt3A_1128 = arith.constant 640 : i32
    %lt3A_1129 = vector.broadcast %lt3A_1128 : i32 to vector<8x1xi32>
    %lt3A_1130 = arith.cmpi slt, %broadcast_in_dim3A_1127, %lt3A_1129 : vector<8x1xi32>
    %lt3A_1131 = arith.cmpi slt, %select_n3A_1089, %select_n3A_1082 : vector<8x1xi32>
    %and3A_1132 = arith.andi %lt3A_1131, %lt3A_1130 : vector<8x1xi1>
    %select_n3A_1133 = arith.select %and3A_1132, %select_n3A_1121, %select_n3A_1082 : vector<8x1xi1>, vector<8x1xi32>
    %not3A_1134 = arith.constant dense<true> : vector<8x1xi1>
    %not3A_1135 = arith.xori %lt3A_1130, %not3A_1134 : vector<8x1xi1>
    %and3A_1136 = arith.andi %lt3A_1131, %not3A_1135 : vector<8x1xi1>
    %add3A_1137 = arith.constant 1 : i32
    %add3A_1138 = vector.broadcast %add3A_1137 : i32 to vector<8x1xi32>
    %add3A_1139 = arith.addi %select_n3A_1121, %add3A_1138 : vector<8x1xi32>
    %select_n3A_1140 = arith.select %and3A_1136, %add3A_1139, %select_n3A_1089 : vector<8x1xi1>, vector<8x1xi32>
    %add3A_1141 = arith.addi %select_n3A_1140, %select_n3A_1133 : vector<8x1xi32>
    %jit3A_1142 = arith.constant 2 : i32
    %div3A_1143 = vector.broadcast %jit3A_1142 : i32 to vector<8x1xi32>
    %div3A_1144 = arith.divsi %add3A_1141, %div3A_1143 : vector<8x1xi32>
    %sign3A_1145 = arith.constant 0 : i32
    %sign3A_1146 = vector.broadcast %sign3A_1145 : i32 to vector<8x1xi32>
    %sign3A_1147 = arith.cmpi sgt, %add3A_1141, %sign3A_1146 : vector<8x1xi32>
    %sign3A_1148 = arith.extui %sign3A_1147 : vector<8x1xi1> to vector<8x1xi32>
    %sign3A_1149 = arith.constant 0 : i32
    %sign3A_1150 = vector.broadcast %sign3A_1149 : i32 to vector<8x1xi32>
    %sign3A_1151 = arith.cmpi slt, %add3A_1141, %sign3A_1150 : vector<8x1xi32>
    %sign3A_1152 = arith.extui %sign3A_1151 : vector<8x1xi1> to vector<8x1xi32>
    %sign3A_1153 = arith.subi %sign3A_1148, %sign3A_1152 : vector<8x1xi32>
    %sign3A_1154 = arith.constant 0 : i32
    %sign3A_1155 = arith.cmpi sgt, %jit3A_1142, %sign3A_1154 : i32
    %sign3A_1156 = arith.extui %sign3A_1155 : i1 to i32
    %sign3A_1157 = arith.constant 0 : i32
    %sign3A_1158 = arith.cmpi slt, %jit3A_1142, %sign3A_1157 : i32
    %sign3A_1159 = arith.extui %sign3A_1158 : i1 to i32
    %sign3A_1160 = arith.subi %sign3A_1156, %sign3A_1159 : i32
    %ne3A_1161 = vector.broadcast %sign3A_1160 : i32 to vector<8x1xi32>
    %ne3A_1162 = arith.cmpi ne, %sign3A_1153, %ne3A_1161 : vector<8x1xi32>
    %rem3A_1163 = vector.broadcast %jit3A_1142 : i32 to vector<8x1xi32>
    %rem3A_1164 = arith.remsi %add3A_1141, %rem3A_1163 : vector<8x1xi32>
    %ne3A_1165 = arith.constant 0 : i32
    %ne3A_1166 = vector.broadcast %ne3A_1165 : i32 to vector<8x1xi32>
    %ne3A_1167 = arith.cmpi ne, %rem3A_1164, %ne3A_1166 : vector<8x1xi32>
    %and3A_1168 = arith.andi %ne3A_1162, %ne3A_1167 : vector<8x1xi1>
    %sub3A_1169 = arith.constant 1 : i32
    %sub3A_1170 = vector.broadcast %sub3A_1169 : i32 to vector<8x1xi32>
    %sub3A_1171 = arith.subi %div3A_1144, %sub3A_1170 : vector<8x1xi32>
    %select_n3A_1172 = arith.select %and3A_1168, %sub3A_1171, %div3A_1144 : vector<8x1xi1>, vector<8x1xi32>
    %gt3A_1173 = vector.broadcast %select_n3A_1172 : vector<8x1xi32> to vector<8x4096xi32>
    %gt3A_1174 = arith.cmpi sgt, %select_n3A_120, %gt3A_1173 : vector<8x4096xi32>
    %convert_element_type3A_1175 = arith.extui %gt3A_1174 : vector<8x4096xi1> to vector<8x4096xi32>
    %reduce_sum3A_1176 = arith.constant dense<0> : vector<8xi32>
    %reduce_sum3A_1177 = vector.multi_reduction <add>, %convert_element_type3A_1175, %reduce_sum3A_1176 [1] : vector<8x4096xi32> to vector<8xi32>
    %broadcast_in_dim3A_1178 = vector.shape_cast %reduce_sum3A_1177 : vector<8xi32> to vector<8x1xi32>
    %lt3A_1179 = arith.constant 640 : i32
    %lt3A_1180 = vector.broadcast %lt3A_1179 : i32 to vector<8x1xi32>
    %lt3A_1181 = arith.cmpi slt, %broadcast_in_dim3A_1178, %lt3A_1180 : vector<8x1xi32>
    %lt3A_1182 = arith.cmpi slt, %select_n3A_1140, %select_n3A_1133 : vector<8x1xi32>
    %and3A_1183 = arith.andi %lt3A_1182, %lt3A_1181 : vector<8x1xi1>
    %select_n3A_1184 = arith.select %and3A_1183, %select_n3A_1172, %select_n3A_1133 : vector<8x1xi1>, vector<8x1xi32>
    %not3A_1185 = arith.constant dense<true> : vector<8x1xi1>
    %not3A_1186 = arith.xori %lt3A_1181, %not3A_1185 : vector<8x1xi1>
    %and3A_1187 = arith.andi %lt3A_1182, %not3A_1186 : vector<8x1xi1>
    %add3A_1188 = arith.constant 1 : i32
    %add3A_1189 = vector.broadcast %add3A_1188 : i32 to vector<8x1xi32>
    %add3A_1190 = arith.addi %select_n3A_1172, %add3A_1189 : vector<8x1xi32>
    %select_n3A_1191 = arith.select %and3A_1187, %add3A_1190, %select_n3A_1140 : vector<8x1xi1>, vector<8x1xi32>
    %add3A_1192 = arith.addi %select_n3A_1191, %select_n3A_1184 : vector<8x1xi32>
    %jit3A_1193 = arith.constant 2 : i32
    %div3A_1194 = vector.broadcast %jit3A_1193 : i32 to vector<8x1xi32>
    %div3A_1195 = arith.divsi %add3A_1192, %div3A_1194 : vector<8x1xi32>
    %sign3A_1196 = arith.constant 0 : i32
    %sign3A_1197 = vector.broadcast %sign3A_1196 : i32 to vector<8x1xi32>
    %sign3A_1198 = arith.cmpi sgt, %add3A_1192, %sign3A_1197 : vector<8x1xi32>
    %sign3A_1199 = arith.extui %sign3A_1198 : vector<8x1xi1> to vector<8x1xi32>
    %sign3A_1200 = arith.constant 0 : i32
    %sign3A_1201 = vector.broadcast %sign3A_1200 : i32 to vector<8x1xi32>
    %sign3A_1202 = arith.cmpi slt, %add3A_1192, %sign3A_1201 : vector<8x1xi32>
    %sign3A_1203 = arith.extui %sign3A_1202 : vector<8x1xi1> to vector<8x1xi32>
    %sign3A_1204 = arith.subi %sign3A_1199, %sign3A_1203 : vector<8x1xi32>
    %sign3A_1205 = arith.constant 0 : i32
    %sign3A_1206 = arith.cmpi sgt, %jit3A_1193, %sign3A_1205 : i32
    %sign3A_1207 = arith.extui %sign3A_1206 : i1 to i32
    %sign3A_1208 = arith.constant 0 : i32
    %sign3A_1209 = arith.cmpi slt, %jit3A_1193, %sign3A_1208 : i32
    %sign3A_1210 = arith.extui %sign3A_1209 : i1 to i32
    %sign3A_1211 = arith.subi %sign3A_1207, %sign3A_1210 : i32
    %ne3A_1212 = vector.broadcast %sign3A_1211 : i32 to vector<8x1xi32>
    %ne3A_1213 = arith.cmpi ne, %sign3A_1204, %ne3A_1212 : vector<8x1xi32>
    %rem3A_1214 = vector.broadcast %jit3A_1193 : i32 to vector<8x1xi32>
    %rem3A_1215 = arith.remsi %add3A_1192, %rem3A_1214 : vector<8x1xi32>
    %ne3A_1216 = arith.constant 0 : i32
    %ne3A_1217 = vector.broadcast %ne3A_1216 : i32 to vector<8x1xi32>
    %ne3A_1218 = arith.cmpi ne, %rem3A_1215, %ne3A_1217 : vector<8x1xi32>
    %and3A_1219 = arith.andi %ne3A_1213, %ne3A_1218 : vector<8x1xi1>
    %sub3A_1220 = arith.constant 1 : i32
    %sub3A_1221 = vector.broadcast %sub3A_1220 : i32 to vector<8x1xi32>
    %sub3A_1222 = arith.subi %div3A_1195, %sub3A_1221 : vector<8x1xi32>
    %select_n3A_1223 = arith.select %and3A_1219, %sub3A_1222, %div3A_1195 : vector<8x1xi1>, vector<8x1xi32>
    %gt3A_1224 = vector.broadcast %select_n3A_1223 : vector<8x1xi32> to vector<8x4096xi32>
    %gt3A_1225 = arith.cmpi sgt, %select_n3A_120, %gt3A_1224 : vector<8x4096xi32>
    %convert_element_type3A_1226 = arith.extui %gt3A_1225 : vector<8x4096xi1> to vector<8x4096xi32>
    %reduce_sum3A_1227 = arith.constant dense<0> : vector<8xi32>
    %reduce_sum3A_1228 = vector.multi_reduction <add>, %convert_element_type3A_1226, %reduce_sum3A_1227 [1] : vector<8x4096xi32> to vector<8xi32>
    %broadcast_in_dim3A_1229 = vector.shape_cast %reduce_sum3A_1228 : vector<8xi32> to vector<8x1xi32>
    %lt3A_1230 = arith.constant 640 : i32
    %lt3A_1231 = vector.broadcast %lt3A_1230 : i32 to vector<8x1xi32>
    %lt3A_1232 = arith.cmpi slt, %broadcast_in_dim3A_1229, %lt3A_1231 : vector<8x1xi32>
    %lt3A_1233 = arith.cmpi slt, %select_n3A_1191, %select_n3A_1184 : vector<8x1xi32>
    %and3A_1234 = arith.andi %lt3A_1233, %lt3A_1232 : vector<8x1xi1>
    %select_n3A_1235 = arith.select %and3A_1234, %select_n3A_1223, %select_n3A_1184 : vector<8x1xi1>, vector<8x1xi32>
    %not3A_1236 = arith.constant dense<true> : vector<8x1xi1>
    %not3A_1237 = arith.xori %lt3A_1232, %not3A_1236 : vector<8x1xi1>
    %and3A_1238 = arith.andi %lt3A_1233, %not3A_1237 : vector<8x1xi1>
    %add3A_1239 = arith.constant 1 : i32
    %add3A_1240 = vector.broadcast %add3A_1239 : i32 to vector<8x1xi32>
    %add3A_1241 = arith.addi %select_n3A_1223, %add3A_1240 : vector<8x1xi32>
    %select_n3A_1242 = arith.select %and3A_1238, %add3A_1241, %select_n3A_1191 : vector<8x1xi1>, vector<8x1xi32>
    %add3A_1243 = arith.addi %select_n3A_1242, %select_n3A_1235 : vector<8x1xi32>
    %jit3A_1244 = arith.constant 2 : i32
    %div3A_1245 = vector.broadcast %jit3A_1244 : i32 to vector<8x1xi32>
    %div3A_1246 = arith.divsi %add3A_1243, %div3A_1245 : vector<8x1xi32>
    %sign3A_1247 = arith.constant 0 : i32
    %sign3A_1248 = vector.broadcast %sign3A_1247 : i32 to vector<8x1xi32>
    %sign3A_1249 = arith.cmpi sgt, %add3A_1243, %sign3A_1248 : vector<8x1xi32>
    %sign3A_1250 = arith.extui %sign3A_1249 : vector<8x1xi1> to vector<8x1xi32>
    %sign3A_1251 = arith.constant 0 : i32
    %sign3A_1252 = vector.broadcast %sign3A_1251 : i32 to vector<8x1xi32>
    %sign3A_1253 = arith.cmpi slt, %add3A_1243, %sign3A_1252 : vector<8x1xi32>
    %sign3A_1254 = arith.extui %sign3A_1253 : vector<8x1xi1> to vector<8x1xi32>
    %sign3A_1255 = arith.subi %sign3A_1250, %sign3A_1254 : vector<8x1xi32>
    %sign3A_1256 = arith.constant 0 : i32
    %sign3A_1257 = arith.cmpi sgt, %jit3A_1244, %sign3A_1256 : i32
    %sign3A_1258 = arith.extui %sign3A_1257 : i1 to i32
    %sign3A_1259 = arith.constant 0 : i32
    %sign3A_1260 = arith.cmpi slt, %jit3A_1244, %sign3A_1259 : i32
    %sign3A_1261 = arith.extui %sign3A_1260 : i1 to i32
    %sign3A_1262 = arith.subi %sign3A_1258, %sign3A_1261 : i32
    %ne3A_1263 = vector.broadcast %sign3A_1262 : i32 to vector<8x1xi32>
    %ne3A_1264 = arith.cmpi ne, %sign3A_1255, %ne3A_1263 : vector<8x1xi32>
    %rem3A_1265 = vector.broadcast %jit3A_1244 : i32 to vector<8x1xi32>
    %rem3A_1266 = arith.remsi %add3A_1243, %rem3A_1265 : vector<8x1xi32>
    %ne3A_1267 = arith.constant 0 : i32
    %ne3A_1268 = vector.broadcast %ne3A_1267 : i32 to vector<8x1xi32>
    %ne3A_1269 = arith.cmpi ne, %rem3A_1266, %ne3A_1268 : vector<8x1xi32>
    %and3A_1270 = arith.andi %ne3A_1264, %ne3A_1269 : vector<8x1xi1>
    %sub3A_1271 = arith.constant 1 : i32
    %sub3A_1272 = vector.broadcast %sub3A_1271 : i32 to vector<8x1xi32>
    %sub3A_1273 = arith.subi %div3A_1246, %sub3A_1272 : vector<8x1xi32>
    %select_n3A_1274 = arith.select %and3A_1270, %sub3A_1273, %div3A_1246 : vector<8x1xi1>, vector<8x1xi32>
    %gt3A_1275 = vector.broadcast %select_n3A_1274 : vector<8x1xi32> to vector<8x4096xi32>
    %gt3A_1276 = arith.cmpi sgt, %select_n3A_120, %gt3A_1275 : vector<8x4096xi32>
    %convert_element_type3A_1277 = arith.extui %gt3A_1276 : vector<8x4096xi1> to vector<8x4096xi32>
    %reduce_sum3A_1278 = arith.constant dense<0> : vector<8xi32>
    %reduce_sum3A_1279 = vector.multi_reduction <add>, %convert_element_type3A_1277, %reduce_sum3A_1278 [1] : vector<8x4096xi32> to vector<8xi32>
    %broadcast_in_dim3A_1280 = vector.shape_cast %reduce_sum3A_1279 : vector<8xi32> to vector<8x1xi32>
    %lt3A_1281 = arith.constant 640 : i32
    %lt3A_1282 = vector.broadcast %lt3A_1281 : i32 to vector<8x1xi32>
    %lt3A_1283 = arith.cmpi slt, %broadcast_in_dim3A_1280, %lt3A_1282 : vector<8x1xi32>
    %lt3A_1284 = arith.cmpi slt, %select_n3A_1242, %select_n3A_1235 : vector<8x1xi32>
    %and3A_1285 = arith.andi %lt3A_1284, %lt3A_1283 : vector<8x1xi1>
    %select_n3A_1286 = arith.select %and3A_1285, %select_n3A_1274, %select_n3A_1235 : vector<8x1xi1>, vector<8x1xi32>
    %not3A_1287 = arith.constant dense<true> : vector<8x1xi1>
    %not3A_1288 = arith.xori %lt3A_1283, %not3A_1287 : vector<8x1xi1>
    %and3A_1289 = arith.andi %lt3A_1284, %not3A_1288 : vector<8x1xi1>
    %add3A_1290 = arith.constant 1 : i32
    %add3A_1291 = vector.broadcast %add3A_1290 : i32 to vector<8x1xi32>
    %add3A_1292 = arith.addi %select_n3A_1274, %add3A_1291 : vector<8x1xi32>
    %select_n3A_1293 = arith.select %and3A_1289, %add3A_1292, %select_n3A_1242 : vector<8x1xi1>, vector<8x1xi32>
    %add3A_1294 = arith.addi %select_n3A_1293, %select_n3A_1286 : vector<8x1xi32>
    %jit3A_1295 = arith.constant 2 : i32
    %div3A_1296 = vector.broadcast %jit3A_1295 : i32 to vector<8x1xi32>
    %div3A_1297 = arith.divsi %add3A_1294, %div3A_1296 : vector<8x1xi32>
    %sign3A_1298 = arith.constant 0 : i32
    %sign3A_1299 = vector.broadcast %sign3A_1298 : i32 to vector<8x1xi32>
    %sign3A_1300 = arith.cmpi sgt, %add3A_1294, %sign3A_1299 : vector<8x1xi32>
    %sign3A_1301 = arith.extui %sign3A_1300 : vector<8x1xi1> to vector<8x1xi32>
    %sign3A_1302 = arith.constant 0 : i32
    %sign3A_1303 = vector.broadcast %sign3A_1302 : i32 to vector<8x1xi32>
    %sign3A_1304 = arith.cmpi slt, %add3A_1294, %sign3A_1303 : vector<8x1xi32>
    %sign3A_1305 = arith.extui %sign3A_1304 : vector<8x1xi1> to vector<8x1xi32>
    %sign3A_1306 = arith.subi %sign3A_1301, %sign3A_1305 : vector<8x1xi32>
    %sign3A_1307 = arith.constant 0 : i32
    %sign3A_1308 = arith.cmpi sgt, %jit3A_1295, %sign3A_1307 : i32
    %sign3A_1309 = arith.extui %sign3A_1308 : i1 to i32
    %sign3A_1310 = arith.constant 0 : i32
    %sign3A_1311 = arith.cmpi slt, %jit3A_1295, %sign3A_1310 : i32
    %sign3A_1312 = arith.extui %sign3A_1311 : i1 to i32
    %sign3A_1313 = arith.subi %sign3A_1309, %sign3A_1312 : i32
    %ne3A_1314 = vector.broadcast %sign3A_1313 : i32 to vector<8x1xi32>
    %ne3A_1315 = arith.cmpi ne, %sign3A_1306, %ne3A_1314 : vector<8x1xi32>
    %rem3A_1316 = vector.broadcast %jit3A_1295 : i32 to vector<8x1xi32>
    %rem3A_1317 = arith.remsi %add3A_1294, %rem3A_1316 : vector<8x1xi32>
    %ne3A_1318 = arith.constant 0 : i32
    %ne3A_1319 = vector.broadcast %ne3A_1318 : i32 to vector<8x1xi32>
    %ne3A_1320 = arith.cmpi ne, %rem3A_1317, %ne3A_1319 : vector<8x1xi32>
    %and3A_1321 = arith.andi %ne3A_1315, %ne3A_1320 : vector<8x1xi1>
    %sub3A_1322 = arith.constant 1 : i32
    %sub3A_1323 = vector.broadcast %sub3A_1322 : i32 to vector<8x1xi32>
    %sub3A_1324 = arith.subi %div3A_1297, %sub3A_1323 : vector<8x1xi32>
    %select_n3A_1325 = arith.select %and3A_1321, %sub3A_1324, %div3A_1297 : vector<8x1xi1>, vector<8x1xi32>
    %gt3A_1326 = vector.broadcast %select_n3A_1325 : vector<8x1xi32> to vector<8x4096xi32>
    %gt3A_1327 = arith.cmpi sgt, %select_n3A_120, %gt3A_1326 : vector<8x4096xi32>
    %convert_element_type3A_1328 = arith.extui %gt3A_1327 : vector<8x4096xi1> to vector<8x4096xi32>
    %reduce_sum3A_1329 = arith.constant dense<0> : vector<8xi32>
    %reduce_sum3A_1330 = vector.multi_reduction <add>, %convert_element_type3A_1328, %reduce_sum3A_1329 [1] : vector<8x4096xi32> to vector<8xi32>
    %broadcast_in_dim3A_1331 = vector.shape_cast %reduce_sum3A_1330 : vector<8xi32> to vector<8x1xi32>
    %lt3A_1332 = arith.constant 640 : i32
    %lt3A_1333 = vector.broadcast %lt3A_1332 : i32 to vector<8x1xi32>
    %lt3A_1334 = arith.cmpi slt, %broadcast_in_dim3A_1331, %lt3A_1333 : vector<8x1xi32>
    %lt3A_1335 = arith.cmpi slt, %select_n3A_1293, %select_n3A_1286 : vector<8x1xi32>
    %and3A_1336 = arith.andi %lt3A_1335, %lt3A_1334 : vector<8x1xi1>
    %select_n3A_1337 = arith.select %and3A_1336, %select_n3A_1325, %select_n3A_1286 : vector<8x1xi1>, vector<8x1xi32>
    %not3A_1338 = arith.constant dense<true> : vector<8x1xi1>
    %not3A_1339 = arith.xori %lt3A_1334, %not3A_1338 : vector<8x1xi1>
    %and3A_1340 = arith.andi %lt3A_1335, %not3A_1339 : vector<8x1xi1>
    %add3A_1341 = arith.constant 1 : i32
    %add3A_1342 = vector.broadcast %add3A_1341 : i32 to vector<8x1xi32>
    %add3A_1343 = arith.addi %select_n3A_1325, %add3A_1342 : vector<8x1xi32>
    %select_n3A_1344 = arith.select %and3A_1340, %add3A_1343, %select_n3A_1293 : vector<8x1xi1>, vector<8x1xi32>
    %add3A_1345 = arith.addi %select_n3A_1344, %select_n3A_1337 : vector<8x1xi32>
    %jit3A_1346 = arith.constant 2 : i32
    %div3A_1347 = vector.broadcast %jit3A_1346 : i32 to vector<8x1xi32>
    %div3A_1348 = arith.divsi %add3A_1345, %div3A_1347 : vector<8x1xi32>
    %sign3A_1349 = arith.constant 0 : i32
    %sign3A_1350 = vector.broadcast %sign3A_1349 : i32 to vector<8x1xi32>
    %sign3A_1351 = arith.cmpi sgt, %add3A_1345, %sign3A_1350 : vector<8x1xi32>
    %sign3A_1352 = arith.extui %sign3A_1351 : vector<8x1xi1> to vector<8x1xi32>
    %sign3A_1353 = arith.constant 0 : i32
    %sign3A_1354 = vector.broadcast %sign3A_1353 : i32 to vector<8x1xi32>
    %sign3A_1355 = arith.cmpi slt, %add3A_1345, %sign3A_1354 : vector<8x1xi32>
    %sign3A_1356 = arith.extui %sign3A_1355 : vector<8x1xi1> to vector<8x1xi32>
    %sign3A_1357 = arith.subi %sign3A_1352, %sign3A_1356 : vector<8x1xi32>
    %sign3A_1358 = arith.constant 0 : i32
    %sign3A_1359 = arith.cmpi sgt, %jit3A_1346, %sign3A_1358 : i32
    %sign3A_1360 = arith.extui %sign3A_1359 : i1 to i32
    %sign3A_1361 = arith.constant 0 : i32
    %sign3A_1362 = arith.cmpi slt, %jit3A_1346, %sign3A_1361 : i32
    %sign3A_1363 = arith.extui %sign3A_1362 : i1 to i32
    %sign3A_1364 = arith.subi %sign3A_1360, %sign3A_1363 : i32
    %ne3A_1365 = vector.broadcast %sign3A_1364 : i32 to vector<8x1xi32>
    %ne3A_1366 = arith.cmpi ne, %sign3A_1357, %ne3A_1365 : vector<8x1xi32>
    %rem3A_1367 = vector.broadcast %jit3A_1346 : i32 to vector<8x1xi32>
    %rem3A_1368 = arith.remsi %add3A_1345, %rem3A_1367 : vector<8x1xi32>
    %ne3A_1369 = arith.constant 0 : i32
    %ne3A_1370 = vector.broadcast %ne3A_1369 : i32 to vector<8x1xi32>
    %ne3A_1371 = arith.cmpi ne, %rem3A_1368, %ne3A_1370 : vector<8x1xi32>
    %and3A_1372 = arith.andi %ne3A_1366, %ne3A_1371 : vector<8x1xi1>
    %sub3A_1373 = arith.constant 1 : i32
    %sub3A_1374 = vector.broadcast %sub3A_1373 : i32 to vector<8x1xi32>
    %sub3A_1375 = arith.subi %div3A_1348, %sub3A_1374 : vector<8x1xi32>
    %select_n3A_1376 = arith.select %and3A_1372, %sub3A_1375, %div3A_1348 : vector<8x1xi1>, vector<8x1xi32>
    %gt3A_1377 = vector.broadcast %select_n3A_1376 : vector<8x1xi32> to vector<8x4096xi32>
    %gt3A_1378 = arith.cmpi sgt, %select_n3A_120, %gt3A_1377 : vector<8x4096xi32>
    %convert_element_type3A_1379 = arith.extui %gt3A_1378 : vector<8x4096xi1> to vector<8x4096xi32>
    %reduce_sum3A_1380 = arith.constant dense<0> : vector<8xi32>
    %reduce_sum3A_1381 = vector.multi_reduction <add>, %convert_element_type3A_1379, %reduce_sum3A_1380 [1] : vector<8x4096xi32> to vector<8xi32>
    %broadcast_in_dim3A_1382 = vector.shape_cast %reduce_sum3A_1381 : vector<8xi32> to vector<8x1xi32>
    %lt3A_1383 = arith.constant 640 : i32
    %lt3A_1384 = vector.broadcast %lt3A_1383 : i32 to vector<8x1xi32>
    %lt3A_1385 = arith.cmpi slt, %broadcast_in_dim3A_1382, %lt3A_1384 : vector<8x1xi32>
    %lt3A_1386 = arith.cmpi slt, %select_n3A_1344, %select_n3A_1337 : vector<8x1xi32>
    %and3A_1387 = arith.andi %lt3A_1386, %lt3A_1385 : vector<8x1xi1>
    %select_n3A_1388 = arith.select %and3A_1387, %select_n3A_1376, %select_n3A_1337 : vector<8x1xi1>, vector<8x1xi32>
    %not3A_1389 = arith.constant dense<true> : vector<8x1xi1>
    %not3A_1390 = arith.xori %lt3A_1385, %not3A_1389 : vector<8x1xi1>
    %and3A_1391 = arith.andi %lt3A_1386, %not3A_1390 : vector<8x1xi1>
    %add3A_1392 = arith.constant 1 : i32
    %add3A_1393 = vector.broadcast %add3A_1392 : i32 to vector<8x1xi32>
    %add3A_1394 = arith.addi %select_n3A_1376, %add3A_1393 : vector<8x1xi32>
    %select_n3A_1395 = arith.select %and3A_1391, %add3A_1394, %select_n3A_1344 : vector<8x1xi1>, vector<8x1xi32>
    %add3A_1396 = arith.addi %select_n3A_1395, %select_n3A_1388 : vector<8x1xi32>
    %jit3A_1397 = arith.constant 2 : i32
    %div3A_1398 = vector.broadcast %jit3A_1397 : i32 to vector<8x1xi32>
    %div3A_1399 = arith.divsi %add3A_1396, %div3A_1398 : vector<8x1xi32>
    %sign3A_1400 = arith.constant 0 : i32
    %sign3A_1401 = vector.broadcast %sign3A_1400 : i32 to vector<8x1xi32>
    %sign3A_1402 = arith.cmpi sgt, %add3A_1396, %sign3A_1401 : vector<8x1xi32>
    %sign3A_1403 = arith.extui %sign3A_1402 : vector<8x1xi1> to vector<8x1xi32>
    %sign3A_1404 = arith.constant 0 : i32
    %sign3A_1405 = vector.broadcast %sign3A_1404 : i32 to vector<8x1xi32>
    %sign3A_1406 = arith.cmpi slt, %add3A_1396, %sign3A_1405 : vector<8x1xi32>
    %sign3A_1407 = arith.extui %sign3A_1406 : vector<8x1xi1> to vector<8x1xi32>
    %sign3A_1408 = arith.subi %sign3A_1403, %sign3A_1407 : vector<8x1xi32>
    %sign3A_1409 = arith.constant 0 : i32
    %sign3A_1410 = arith.cmpi sgt, %jit3A_1397, %sign3A_1409 : i32
    %sign3A_1411 = arith.extui %sign3A_1410 : i1 to i32
    %sign3A_1412 = arith.constant 0 : i32
    %sign3A_1413 = arith.cmpi slt, %jit3A_1397, %sign3A_1412 : i32
    %sign3A_1414 = arith.extui %sign3A_1413 : i1 to i32
    %sign3A_1415 = arith.subi %sign3A_1411, %sign3A_1414 : i32
    %ne3A_1416 = vector.broadcast %sign3A_1415 : i32 to vector<8x1xi32>
    %ne3A_1417 = arith.cmpi ne, %sign3A_1408, %ne3A_1416 : vector<8x1xi32>
    %rem3A_1418 = vector.broadcast %jit3A_1397 : i32 to vector<8x1xi32>
    %rem3A_1419 = arith.remsi %add3A_1396, %rem3A_1418 : vector<8x1xi32>
    %ne3A_1420 = arith.constant 0 : i32
    %ne3A_1421 = vector.broadcast %ne3A_1420 : i32 to vector<8x1xi32>
    %ne3A_1422 = arith.cmpi ne, %rem3A_1419, %ne3A_1421 : vector<8x1xi32>
    %and3A_1423 = arith.andi %ne3A_1417, %ne3A_1422 : vector<8x1xi1>
    %sub3A_1424 = arith.constant 1 : i32
    %sub3A_1425 = vector.broadcast %sub3A_1424 : i32 to vector<8x1xi32>
    %sub3A_1426 = arith.subi %div3A_1399, %sub3A_1425 : vector<8x1xi32>
    %select_n3A_1427 = arith.select %and3A_1423, %sub3A_1426, %div3A_1399 : vector<8x1xi1>, vector<8x1xi32>
    %gt3A_1428 = vector.broadcast %select_n3A_1427 : vector<8x1xi32> to vector<8x4096xi32>
    %gt3A_1429 = arith.cmpi sgt, %select_n3A_120, %gt3A_1428 : vector<8x4096xi32>
    %convert_element_type3A_1430 = arith.extui %gt3A_1429 : vector<8x4096xi1> to vector<8x4096xi32>
    %reduce_sum3A_1431 = arith.constant dense<0> : vector<8xi32>
    %reduce_sum3A_1432 = vector.multi_reduction <add>, %convert_element_type3A_1430, %reduce_sum3A_1431 [1] : vector<8x4096xi32> to vector<8xi32>
    %broadcast_in_dim3A_1433 = vector.shape_cast %reduce_sum3A_1432 : vector<8xi32> to vector<8x1xi32>
    %lt3A_1434 = arith.constant 640 : i32
    %lt3A_1435 = vector.broadcast %lt3A_1434 : i32 to vector<8x1xi32>
    %lt3A_1436 = arith.cmpi slt, %broadcast_in_dim3A_1433, %lt3A_1435 : vector<8x1xi32>
    %lt3A_1437 = arith.cmpi slt, %select_n3A_1395, %select_n3A_1388 : vector<8x1xi32>
    %and3A_1438 = arith.andi %lt3A_1437, %lt3A_1436 : vector<8x1xi1>
    %select_n3A_1439 = arith.select %and3A_1438, %select_n3A_1427, %select_n3A_1388 : vector<8x1xi1>, vector<8x1xi32>
    %not3A_1440 = arith.constant dense<true> : vector<8x1xi1>
    %not3A_1441 = arith.xori %lt3A_1436, %not3A_1440 : vector<8x1xi1>
    %and3A_1442 = arith.andi %lt3A_1437, %not3A_1441 : vector<8x1xi1>
    %add3A_1443 = arith.constant 1 : i32
    %add3A_1444 = vector.broadcast %add3A_1443 : i32 to vector<8x1xi32>
    %add3A_1445 = arith.addi %select_n3A_1427, %add3A_1444 : vector<8x1xi32>
    %select_n3A_1446 = arith.select %and3A_1442, %add3A_1445, %select_n3A_1395 : vector<8x1xi1>, vector<8x1xi32>
    %add3A_1447 = arith.addi %select_n3A_1446, %select_n3A_1439 : vector<8x1xi32>
    %jit3A_1448 = arith.constant 2 : i32
    %div3A_1449 = vector.broadcast %jit3A_1448 : i32 to vector<8x1xi32>
    %div3A_1450 = arith.divsi %add3A_1447, %div3A_1449 : vector<8x1xi32>
    %sign3A_1451 = arith.constant 0 : i32
    %sign3A_1452 = vector.broadcast %sign3A_1451 : i32 to vector<8x1xi32>
    %sign3A_1453 = arith.cmpi sgt, %add3A_1447, %sign3A_1452 : vector<8x1xi32>
    %sign3A_1454 = arith.extui %sign3A_1453 : vector<8x1xi1> to vector<8x1xi32>
    %sign3A_1455 = arith.constant 0 : i32
    %sign3A_1456 = vector.broadcast %sign3A_1455 : i32 to vector<8x1xi32>
    %sign3A_1457 = arith.cmpi slt, %add3A_1447, %sign3A_1456 : vector<8x1xi32>
    %sign3A_1458 = arith.extui %sign3A_1457 : vector<8x1xi1> to vector<8x1xi32>
    %sign3A_1459 = arith.subi %sign3A_1454, %sign3A_1458 : vector<8x1xi32>
    %sign3A_1460 = arith.constant 0 : i32
    %sign3A_1461 = arith.cmpi sgt, %jit3A_1448, %sign3A_1460 : i32
    %sign3A_1462 = arith.extui %sign3A_1461 : i1 to i32
    %sign3A_1463 = arith.constant 0 : i32
    %sign3A_1464 = arith.cmpi slt, %jit3A_1448, %sign3A_1463 : i32
    %sign3A_1465 = arith.extui %sign3A_1464 : i1 to i32
    %sign3A_1466 = arith.subi %sign3A_1462, %sign3A_1465 : i32
    %ne3A_1467 = vector.broadcast %sign3A_1466 : i32 to vector<8x1xi32>
    %ne3A_1468 = arith.cmpi ne, %sign3A_1459, %ne3A_1467 : vector<8x1xi32>
    %rem3A_1469 = vector.broadcast %jit3A_1448 : i32 to vector<8x1xi32>
    %rem3A_1470 = arith.remsi %add3A_1447, %rem3A_1469 : vector<8x1xi32>
    %ne3A_1471 = arith.constant 0 : i32
    %ne3A_1472 = vector.broadcast %ne3A_1471 : i32 to vector<8x1xi32>
    %ne3A_1473 = arith.cmpi ne, %rem3A_1470, %ne3A_1472 : vector<8x1xi32>
    %and3A_1474 = arith.andi %ne3A_1468, %ne3A_1473 : vector<8x1xi1>
    %sub3A_1475 = arith.constant 1 : i32
    %sub3A_1476 = vector.broadcast %sub3A_1475 : i32 to vector<8x1xi32>
    %sub3A_1477 = arith.subi %div3A_1450, %sub3A_1476 : vector<8x1xi32>
    %select_n3A_1478 = arith.select %and3A_1474, %sub3A_1477, %div3A_1450 : vector<8x1xi1>, vector<8x1xi32>
    %gt3A_1479 = vector.broadcast %select_n3A_1478 : vector<8x1xi32> to vector<8x4096xi32>
    %gt3A_1480 = arith.cmpi sgt, %select_n3A_120, %gt3A_1479 : vector<8x4096xi32>
    %convert_element_type3A_1481 = arith.extui %gt3A_1480 : vector<8x4096xi1> to vector<8x4096xi32>
    %reduce_sum3A_1482 = arith.constant dense<0> : vector<8xi32>
    %reduce_sum3A_1483 = vector.multi_reduction <add>, %convert_element_type3A_1481, %reduce_sum3A_1482 [1] : vector<8x4096xi32> to vector<8xi32>
    %broadcast_in_dim3A_1484 = vector.shape_cast %reduce_sum3A_1483 : vector<8xi32> to vector<8x1xi32>
    %lt3A_1485 = arith.constant 640 : i32
    %lt3A_1486 = vector.broadcast %lt3A_1485 : i32 to vector<8x1xi32>
    %lt3A_1487 = arith.cmpi slt, %broadcast_in_dim3A_1484, %lt3A_1486 : vector<8x1xi32>
    %lt3A_1488 = arith.cmpi slt, %select_n3A_1446, %select_n3A_1439 : vector<8x1xi32>
    %and3A_1489 = arith.andi %lt3A_1488, %lt3A_1487 : vector<8x1xi1>
    %select_n3A_1490 = arith.select %and3A_1489, %select_n3A_1478, %select_n3A_1439 : vector<8x1xi1>, vector<8x1xi32>
    %not3A_1491 = arith.constant dense<true> : vector<8x1xi1>
    %not3A_1492 = arith.xori %lt3A_1487, %not3A_1491 : vector<8x1xi1>
    %and3A_1493 = arith.andi %lt3A_1488, %not3A_1492 : vector<8x1xi1>
    %add3A_1494 = arith.constant 1 : i32
    %add3A_1495 = vector.broadcast %add3A_1494 : i32 to vector<8x1xi32>
    %add3A_1496 = arith.addi %select_n3A_1478, %add3A_1495 : vector<8x1xi32>
    %select_n3A_1497 = arith.select %and3A_1493, %add3A_1496, %select_n3A_1446 : vector<8x1xi1>, vector<8x1xi32>
    %add3A_1498 = arith.addi %select_n3A_1497, %select_n3A_1490 : vector<8x1xi32>
    %jit3A_1499 = arith.constant 2 : i32
    %div3A_1500 = vector.broadcast %jit3A_1499 : i32 to vector<8x1xi32>
    %div3A_1501 = arith.divsi %add3A_1498, %div3A_1500 : vector<8x1xi32>
    %sign3A_1502 = arith.constant 0 : i32
    %sign3A_1503 = vector.broadcast %sign3A_1502 : i32 to vector<8x1xi32>
    %sign3A_1504 = arith.cmpi sgt, %add3A_1498, %sign3A_1503 : vector<8x1xi32>
    %sign3A_1505 = arith.extui %sign3A_1504 : vector<8x1xi1> to vector<8x1xi32>
    %sign3A_1506 = arith.constant 0 : i32
    %sign3A_1507 = vector.broadcast %sign3A_1506 : i32 to vector<8x1xi32>
    %sign3A_1508 = arith.cmpi slt, %add3A_1498, %sign3A_1507 : vector<8x1xi32>
    %sign3A_1509 = arith.extui %sign3A_1508 : vector<8x1xi1> to vector<8x1xi32>
    %sign3A_1510 = arith.subi %sign3A_1505, %sign3A_1509 : vector<8x1xi32>
    %sign3A_1511 = arith.constant 0 : i32
    %sign3A_1512 = arith.cmpi sgt, %jit3A_1499, %sign3A_1511 : i32
    %sign3A_1513 = arith.extui %sign3A_1512 : i1 to i32
    %sign3A_1514 = arith.constant 0 : i32
    %sign3A_1515 = arith.cmpi slt, %jit3A_1499, %sign3A_1514 : i32
    %sign3A_1516 = arith.extui %sign3A_1515 : i1 to i32
    %sign3A_1517 = arith.subi %sign3A_1513, %sign3A_1516 : i32
    %ne3A_1518 = vector.broadcast %sign3A_1517 : i32 to vector<8x1xi32>
    %ne3A_1519 = arith.cmpi ne, %sign3A_1510, %ne3A_1518 : vector<8x1xi32>
    %rem3A_1520 = vector.broadcast %jit3A_1499 : i32 to vector<8x1xi32>
    %rem3A_1521 = arith.remsi %add3A_1498, %rem3A_1520 : vector<8x1xi32>
    %ne3A_1522 = arith.constant 0 : i32
    %ne3A_1523 = vector.broadcast %ne3A_1522 : i32 to vector<8x1xi32>
    %ne3A_1524 = arith.cmpi ne, %rem3A_1521, %ne3A_1523 : vector<8x1xi32>
    %and3A_1525 = arith.andi %ne3A_1519, %ne3A_1524 : vector<8x1xi1>
    %sub3A_1526 = arith.constant 1 : i32
    %sub3A_1527 = vector.broadcast %sub3A_1526 : i32 to vector<8x1xi32>
    %sub3A_1528 = arith.subi %div3A_1501, %sub3A_1527 : vector<8x1xi32>
    %select_n3A_1529 = arith.select %and3A_1525, %sub3A_1528, %div3A_1501 : vector<8x1xi1>, vector<8x1xi32>
    %gt3A_1530 = vector.broadcast %select_n3A_1529 : vector<8x1xi32> to vector<8x4096xi32>
    %gt3A_1531 = arith.cmpi sgt, %select_n3A_120, %gt3A_1530 : vector<8x4096xi32>
    %convert_element_type3A_1532 = arith.extui %gt3A_1531 : vector<8x4096xi1> to vector<8x4096xi32>
    %reduce_sum3A_1533 = arith.constant dense<0> : vector<8xi32>
    %reduce_sum3A_1534 = vector.multi_reduction <add>, %convert_element_type3A_1532, %reduce_sum3A_1533 [1] : vector<8x4096xi32> to vector<8xi32>
    %broadcast_in_dim3A_1535 = vector.shape_cast %reduce_sum3A_1534 : vector<8xi32> to vector<8x1xi32>
    %lt3A_1536 = arith.constant 640 : i32
    %lt3A_1537 = vector.broadcast %lt3A_1536 : i32 to vector<8x1xi32>
    %lt3A_1538 = arith.cmpi slt, %broadcast_in_dim3A_1535, %lt3A_1537 : vector<8x1xi32>
    %lt3A_1539 = arith.cmpi slt, %select_n3A_1497, %select_n3A_1490 : vector<8x1xi32>
    %and3A_1540 = arith.andi %lt3A_1539, %lt3A_1538 : vector<8x1xi1>
    %select_n3A_1541 = arith.select %and3A_1540, %select_n3A_1529, %select_n3A_1490 : vector<8x1xi1>, vector<8x1xi32>
    %not3A_1542 = arith.constant dense<true> : vector<8x1xi1>
    %not3A_1543 = arith.xori %lt3A_1538, %not3A_1542 : vector<8x1xi1>
    %and3A_1544 = arith.andi %lt3A_1539, %not3A_1543 : vector<8x1xi1>
    %add3A_1545 = arith.constant 1 : i32
    %add3A_1546 = vector.broadcast %add3A_1545 : i32 to vector<8x1xi32>
    %add3A_1547 = arith.addi %select_n3A_1529, %add3A_1546 : vector<8x1xi32>
    %select_n3A_1548 = arith.select %and3A_1544, %add3A_1547, %select_n3A_1497 : vector<8x1xi1>, vector<8x1xi32>
    %add3A_1549 = arith.addi %select_n3A_1548, %select_n3A_1541 : vector<8x1xi32>
    %jit3A_1550 = arith.constant 2 : i32
    %div3A_1551 = vector.broadcast %jit3A_1550 : i32 to vector<8x1xi32>
    %div3A_1552 = arith.divsi %add3A_1549, %div3A_1551 : vector<8x1xi32>
    %sign3A_1553 = arith.constant 0 : i32
    %sign3A_1554 = vector.broadcast %sign3A_1553 : i32 to vector<8x1xi32>
    %sign3A_1555 = arith.cmpi sgt, %add3A_1549, %sign3A_1554 : vector<8x1xi32>
    %sign3A_1556 = arith.extui %sign3A_1555 : vector<8x1xi1> to vector<8x1xi32>
    %sign3A_1557 = arith.constant 0 : i32
    %sign3A_1558 = vector.broadcast %sign3A_1557 : i32 to vector<8x1xi32>
    %sign3A_1559 = arith.cmpi slt, %add3A_1549, %sign3A_1558 : vector<8x1xi32>
    %sign3A_1560 = arith.extui %sign3A_1559 : vector<8x1xi1> to vector<8x1xi32>
    %sign3A_1561 = arith.subi %sign3A_1556, %sign3A_1560 : vector<8x1xi32>
    %sign3A_1562 = arith.constant 0 : i32
    %sign3A_1563 = arith.cmpi sgt, %jit3A_1550, %sign3A_1562 : i32
    %sign3A_1564 = arith.extui %sign3A_1563 : i1 to i32
    %sign3A_1565 = arith.constant 0 : i32
    %sign3A_1566 = arith.cmpi slt, %jit3A_1550, %sign3A_1565 : i32
    %sign3A_1567 = arith.extui %sign3A_1566 : i1 to i32
    %sign3A_1568 = arith.subi %sign3A_1564, %sign3A_1567 : i32
    %ne3A_1569 = vector.broadcast %sign3A_1568 : i32 to vector<8x1xi32>
    %ne3A_1570 = arith.cmpi ne, %sign3A_1561, %ne3A_1569 : vector<8x1xi32>
    %rem3A_1571 = vector.broadcast %jit3A_1550 : i32 to vector<8x1xi32>
    %rem3A_1572 = arith.remsi %add3A_1549, %rem3A_1571 : vector<8x1xi32>
    %ne3A_1573 = arith.constant 0 : i32
    %ne3A_1574 = vector.broadcast %ne3A_1573 : i32 to vector<8x1xi32>
    %ne3A_1575 = arith.cmpi ne, %rem3A_1572, %ne3A_1574 : vector<8x1xi32>
    %and3A_1576 = arith.andi %ne3A_1570, %ne3A_1575 : vector<8x1xi1>
    %sub3A_1577 = arith.constant 1 : i32
    %sub3A_1578 = vector.broadcast %sub3A_1577 : i32 to vector<8x1xi32>
    %sub3A_1579 = arith.subi %div3A_1552, %sub3A_1578 : vector<8x1xi32>
    %select_n3A_1580 = arith.select %and3A_1576, %sub3A_1579, %div3A_1552 : vector<8x1xi1>, vector<8x1xi32>
    %gt3A_1581 = vector.broadcast %select_n3A_1580 : vector<8x1xi32> to vector<8x4096xi32>
    %gt3A_1582 = arith.cmpi sgt, %select_n3A_120, %gt3A_1581 : vector<8x4096xi32>
    %convert_element_type3A_1583 = arith.extui %gt3A_1582 : vector<8x4096xi1> to vector<8x4096xi32>
    %reduce_sum3A_1584 = arith.constant dense<0> : vector<8xi32>
    %reduce_sum3A_1585 = vector.multi_reduction <add>, %convert_element_type3A_1583, %reduce_sum3A_1584 [1] : vector<8x4096xi32> to vector<8xi32>
    %broadcast_in_dim3A_1586 = vector.shape_cast %reduce_sum3A_1585 : vector<8xi32> to vector<8x1xi32>
    %lt3A_1587 = arith.constant 640 : i32
    %lt3A_1588 = vector.broadcast %lt3A_1587 : i32 to vector<8x1xi32>
    %lt3A_1589 = arith.cmpi slt, %broadcast_in_dim3A_1586, %lt3A_1588 : vector<8x1xi32>
    %lt3A_1590 = arith.cmpi slt, %select_n3A_1548, %select_n3A_1541 : vector<8x1xi32>
    %and3A_1591 = arith.andi %lt3A_1590, %lt3A_1589 : vector<8x1xi1>
    %select_n3A_1592 = arith.select %and3A_1591, %select_n3A_1580, %select_n3A_1541 : vector<8x1xi1>, vector<8x1xi32>
    %not3A_1593 = arith.constant dense<true> : vector<8x1xi1>
    %not3A_1594 = arith.xori %lt3A_1589, %not3A_1593 : vector<8x1xi1>
    %and3A_1595 = arith.andi %lt3A_1590, %not3A_1594 : vector<8x1xi1>
    %add3A_1596 = arith.constant 1 : i32
    %add3A_1597 = vector.broadcast %add3A_1596 : i32 to vector<8x1xi32>
    %add3A_1598 = arith.addi %select_n3A_1580, %add3A_1597 : vector<8x1xi32>
    %select_n3A_1599 = arith.select %and3A_1595, %add3A_1598, %select_n3A_1548 : vector<8x1xi1>, vector<8x1xi32>
    %add3A_1600 = arith.addi %select_n3A_1599, %select_n3A_1592 : vector<8x1xi32>
    %jit3A_1601 = arith.constant 2 : i32
    %div3A_1602 = vector.broadcast %jit3A_1601 : i32 to vector<8x1xi32>
    %div3A_1603 = arith.divsi %add3A_1600, %div3A_1602 : vector<8x1xi32>
    %sign3A_1604 = arith.constant 0 : i32
    %sign3A_1605 = vector.broadcast %sign3A_1604 : i32 to vector<8x1xi32>
    %sign3A_1606 = arith.cmpi sgt, %add3A_1600, %sign3A_1605 : vector<8x1xi32>
    %sign3A_1607 = arith.extui %sign3A_1606 : vector<8x1xi1> to vector<8x1xi32>
    %sign3A_1608 = arith.constant 0 : i32
    %sign3A_1609 = vector.broadcast %sign3A_1608 : i32 to vector<8x1xi32>
    %sign3A_1610 = arith.cmpi slt, %add3A_1600, %sign3A_1609 : vector<8x1xi32>
    %sign3A_1611 = arith.extui %sign3A_1610 : vector<8x1xi1> to vector<8x1xi32>
    %sign3A_1612 = arith.subi %sign3A_1607, %sign3A_1611 : vector<8x1xi32>
    %sign3A_1613 = arith.constant 0 : i32
    %sign3A_1614 = arith.cmpi sgt, %jit3A_1601, %sign3A_1613 : i32
    %sign3A_1615 = arith.extui %sign3A_1614 : i1 to i32
    %sign3A_1616 = arith.constant 0 : i32
    %sign3A_1617 = arith.cmpi slt, %jit3A_1601, %sign3A_1616 : i32
    %sign3A_1618 = arith.extui %sign3A_1617 : i1 to i32
    %sign3A_1619 = arith.subi %sign3A_1615, %sign3A_1618 : i32
    %ne3A_1620 = vector.broadcast %sign3A_1619 : i32 to vector<8x1xi32>
    %ne3A_1621 = arith.cmpi ne, %sign3A_1612, %ne3A_1620 : vector<8x1xi32>
    %rem3A_1622 = vector.broadcast %jit3A_1601 : i32 to vector<8x1xi32>
    %rem3A_1623 = arith.remsi %add3A_1600, %rem3A_1622 : vector<8x1xi32>
    %ne3A_1624 = arith.constant 0 : i32
    %ne3A_1625 = vector.broadcast %ne3A_1624 : i32 to vector<8x1xi32>
    %ne3A_1626 = arith.cmpi ne, %rem3A_1623, %ne3A_1625 : vector<8x1xi32>
    %and3A_1627 = arith.andi %ne3A_1621, %ne3A_1626 : vector<8x1xi1>
    %sub3A_1628 = arith.constant 1 : i32
    %sub3A_1629 = vector.broadcast %sub3A_1628 : i32 to vector<8x1xi32>
    %sub3A_1630 = arith.subi %div3A_1603, %sub3A_1629 : vector<8x1xi32>
    %select_n3A_1631 = arith.select %and3A_1627, %sub3A_1630, %div3A_1603 : vector<8x1xi1>, vector<8x1xi32>
    %gt3A_1632 = vector.broadcast %select_n3A_1631 : vector<8x1xi32> to vector<8x4096xi32>
    %gt3A_1633 = arith.cmpi sgt, %select_n3A_120, %gt3A_1632 : vector<8x4096xi32>
    %convert_element_type3A_1634 = arith.extui %gt3A_1633 : vector<8x4096xi1> to vector<8x4096xi32>
    %reduce_sum3A_1635 = arith.constant dense<0> : vector<8xi32>
    %reduce_sum3A_1636 = vector.multi_reduction <add>, %convert_element_type3A_1634, %reduce_sum3A_1635 [1] : vector<8x4096xi32> to vector<8xi32>
    %broadcast_in_dim3A_1637 = vector.shape_cast %reduce_sum3A_1636 : vector<8xi32> to vector<8x1xi32>
    %lt3A_1638 = arith.constant 640 : i32
    %lt3A_1639 = vector.broadcast %lt3A_1638 : i32 to vector<8x1xi32>
    %lt3A_1640 = arith.cmpi slt, %broadcast_in_dim3A_1637, %lt3A_1639 : vector<8x1xi32>
    %lt3A_1641 = arith.cmpi slt, %select_n3A_1599, %select_n3A_1592 : vector<8x1xi32>
    %and3A_1642 = arith.andi %lt3A_1641, %lt3A_1640 : vector<8x1xi1>
    %select_n3A_1643 = arith.select %and3A_1642, %select_n3A_1631, %select_n3A_1592 : vector<8x1xi1>, vector<8x1xi32>
    %not3A_1644 = arith.constant dense<true> : vector<8x1xi1>
    %not3A_1645 = arith.xori %lt3A_1640, %not3A_1644 : vector<8x1xi1>
    %and3A_1646 = arith.andi %lt3A_1641, %not3A_1645 : vector<8x1xi1>
    %add3A_1647 = arith.constant 1 : i32
    %add3A_1648 = vector.broadcast %add3A_1647 : i32 to vector<8x1xi32>
    %add3A_1649 = arith.addi %select_n3A_1631, %add3A_1648 : vector<8x1xi32>
    %select_n3A_1650 = arith.select %and3A_1646, %add3A_1649, %select_n3A_1599 : vector<8x1xi1>, vector<8x1xi32>
    %add3A_1651 = arith.addi %select_n3A_1650, %select_n3A_1643 : vector<8x1xi32>
    %jit3A_1652 = arith.constant 2 : i32
    %div3A_1653 = vector.broadcast %jit3A_1652 : i32 to vector<8x1xi32>
    %div3A_1654 = arith.divsi %add3A_1651, %div3A_1653 : vector<8x1xi32>
    %sign3A_1655 = arith.constant 0 : i32
    %sign3A_1656 = vector.broadcast %sign3A_1655 : i32 to vector<8x1xi32>
    %sign3A_1657 = arith.cmpi sgt, %add3A_1651, %sign3A_1656 : vector<8x1xi32>
    %sign3A_1658 = arith.extui %sign3A_1657 : vector<8x1xi1> to vector<8x1xi32>
    %sign3A_1659 = arith.constant 0 : i32
    %sign3A_1660 = vector.broadcast %sign3A_1659 : i32 to vector<8x1xi32>
    %sign3A_1661 = arith.cmpi slt, %add3A_1651, %sign3A_1660 : vector<8x1xi32>
    %sign3A_1662 = arith.extui %sign3A_1661 : vector<8x1xi1> to vector<8x1xi32>
    %sign3A_1663 = arith.subi %sign3A_1658, %sign3A_1662 : vector<8x1xi32>
    %sign3A_1664 = arith.constant 0 : i32
    %sign3A_1665 = arith.cmpi sgt, %jit3A_1652, %sign3A_1664 : i32
    %sign3A_1666 = arith.extui %sign3A_1665 : i1 to i32
    %sign3A_1667 = arith.constant 0 : i32
    %sign3A_1668 = arith.cmpi slt, %jit3A_1652, %sign3A_1667 : i32
    %sign3A_1669 = arith.extui %sign3A_1668 : i1 to i32
    %sign3A_1670 = arith.subi %sign3A_1666, %sign3A_1669 : i32
    %ne3A_1671 = vector.broadcast %sign3A_1670 : i32 to vector<8x1xi32>
    %ne3A_1672 = arith.cmpi ne, %sign3A_1663, %ne3A_1671 : vector<8x1xi32>
    %rem3A_1673 = vector.broadcast %jit3A_1652 : i32 to vector<8x1xi32>
    %rem3A_1674 = arith.remsi %add3A_1651, %rem3A_1673 : vector<8x1xi32>
    %ne3A_1675 = arith.constant 0 : i32
    %ne3A_1676 = vector.broadcast %ne3A_1675 : i32 to vector<8x1xi32>
    %ne3A_1677 = arith.cmpi ne, %rem3A_1674, %ne3A_1676 : vector<8x1xi32>
    %and3A_1678 = arith.andi %ne3A_1672, %ne3A_1677 : vector<8x1xi1>
    %sub3A_1679 = arith.constant 1 : i32
    %sub3A_1680 = vector.broadcast %sub3A_1679 : i32 to vector<8x1xi32>
    %sub3A_1681 = arith.subi %div3A_1654, %sub3A_1680 : vector<8x1xi32>
    %select_n3A_1682 = arith.select %and3A_1678, %sub3A_1681, %div3A_1654 : vector<8x1xi1>, vector<8x1xi32>
    %gt3A_1683 = vector.broadcast %select_n3A_1682 : vector<8x1xi32> to vector<8x4096xi32>
    %gt3A_1684 = arith.cmpi sgt, %select_n3A_120, %gt3A_1683 : vector<8x4096xi32>
    %convert_element_type3A_1685 = arith.extui %gt3A_1684 : vector<8x4096xi1> to vector<8x4096xi32>
    %reduce_sum3A_1686 = arith.constant dense<0> : vector<8xi32>
    %reduce_sum3A_1687 = vector.multi_reduction <add>, %convert_element_type3A_1685, %reduce_sum3A_1686 [1] : vector<8x4096xi32> to vector<8xi32>
    %broadcast_in_dim3A_1688 = vector.shape_cast %reduce_sum3A_1687 : vector<8xi32> to vector<8x1xi32>
    %lt3A_1689 = arith.constant 640 : i32
    %lt3A_1690 = vector.broadcast %lt3A_1689 : i32 to vector<8x1xi32>
    %lt3A_1691 = arith.cmpi slt, %broadcast_in_dim3A_1688, %lt3A_1690 : vector<8x1xi32>
    %lt3A_1692 = arith.cmpi slt, %select_n3A_1650, %select_n3A_1643 : vector<8x1xi32>
    %not3A_1693 = arith.constant dense<true> : vector<8x1xi1>
    %not3A_1694 = arith.xori %lt3A_1691, %not3A_1693 : vector<8x1xi1>
    %and3A_1695 = arith.andi %lt3A_1692, %not3A_1694 : vector<8x1xi1>
    %add3A_1696 = arith.constant 1 : i32
    %add3A_1697 = vector.broadcast %add3A_1696 : i32 to vector<8x1xi32>
    %add3A_1698 = arith.addi %select_n3A_1682, %add3A_1697 : vector<8x1xi32>
    %select_n3A_1699 = arith.select %and3A_1695, %add3A_1698, %select_n3A_1650 : vector<8x1xi1>, vector<8x1xi32>
    %gt3A_1700 = vector.broadcast %select_n3A_1699 : vector<8x1xi32> to vector<8x4096xi32>
    %gt3A_1701 = arith.cmpi sgt, %select_n3A_120, %gt3A_1700 : vector<8x4096xi32>
    %eq3A_1702 = vector.broadcast %select_n3A_1699 : vector<8x1xi32> to vector<8x4096xi32>
    %eq3A_1703 = arith.cmpi eq, %select_n3A_120, %eq3A_1702 : vector<8x4096xi32>
    %convert_element_type3A_1704 = arith.extui %gt3A_1701 : vector<8x4096xi1> to vector<8x4096xi32>
    %reduce_sum3A_1705 = arith.constant dense<0> : vector<8xi32>
    %reduce_sum3A_1706 = vector.multi_reduction <add>, %convert_element_type3A_1704, %reduce_sum3A_1705 [1] : vector<8x4096xi32> to vector<8xi32>
    %broadcast_in_dim3A_1707 = vector.shape_cast %reduce_sum3A_1706 : vector<8xi32> to vector<8x1xi32>
    %sub3A_1708 = arith.constant 640 : i32
    %sub3A_1709 = vector.broadcast %sub3A_1708 : i32 to vector<8x1xi32>
    %sub3A_1710 = arith.subi %sub3A_1709, %broadcast_in_dim3A_1707 : vector<8x1xi32>
    %convert_element_type3A_1711 = arith.extui %eq3A_1703 : vector<8x4096xi1> to vector<8x4096xi32>
    %broadcast_in_dim3A_1712 = arith.constant 0 : i32
    %broadcast_in_dim3A_1713 = vector.broadcast %broadcast_in_dim3A_1712 : i32 to vector<8x1xi32>
    %slice3A = vector.extract_strided_slice %convert_element_type3A_1711 {offsets = [0, 0], sizes = [8, 4095], strides = [1, 1]} : vector<8x4096xi32> to vector<8x4095xi32>
    %concatenate3A_1714 = tpu.concatenate %broadcast_in_dim3A_1713, %slice3A in 1 : vector<8x1xi32>, vector<8x4095xi32> -> vector<8x4096xi32>
    %add3A_1715 = arith.addi %convert_element_type3A_1711, %concatenate3A_1714 : vector<8x4096xi32>
    %broadcast_in_dim3A_1716 = arith.constant 0 : i32
    %broadcast_in_dim3A_1717 = vector.broadcast %broadcast_in_dim3A_1716 : i32 to vector<8x2xi32>
    %slice3A_1718 = vector.extract_strided_slice %add3A_1715 {offsets = [0, 0], sizes = [8, 4094], strides = [1, 1]} : vector<8x4096xi32> to vector<8x4094xi32>
    %concatenate3A_1719 = tpu.concatenate %broadcast_in_dim3A_1717, %slice3A_1718 in 1 : vector<8x2xi32>, vector<8x4094xi32> -> vector<8x4096xi32>
    %add3A_1720 = arith.addi %add3A_1715, %concatenate3A_1719 : vector<8x4096xi32>
    %broadcast_in_dim3A_1721 = arith.constant 0 : i32
    %broadcast_in_dim3A_1722 = vector.broadcast %broadcast_in_dim3A_1721 : i32 to vector<8x4xi32>
    %slice3A_1723 = vector.extract_strided_slice %add3A_1720 {offsets = [0, 0], sizes = [8, 4092], strides = [1, 1]} : vector<8x4096xi32> to vector<8x4092xi32>
    %concatenate3A_1724 = tpu.concatenate %broadcast_in_dim3A_1722, %slice3A_1723 in 1 : vector<8x4xi32>, vector<8x4092xi32> -> vector<8x4096xi32>
    %add3A_1725 = arith.addi %add3A_1720, %concatenate3A_1724 : vector<8x4096xi32>
    %broadcast_in_dim3A_1726 = arith.constant 0 : i32
    %broadcast_in_dim3A_1727 = vector.broadcast %broadcast_in_dim3A_1726 : i32 to vector<8x8xi32>
    %slice3A_1728 = vector.extract_strided_slice %add3A_1725 {offsets = [0, 0], sizes = [8, 4088], strides = [1, 1]} : vector<8x4096xi32> to vector<8x4088xi32>
    %concatenate3A_1729 = tpu.concatenate %broadcast_in_dim3A_1727, %slice3A_1728 in 1 : vector<8x8xi32>, vector<8x4088xi32> -> vector<8x4096xi32>
    %add3A_1730 = arith.addi %add3A_1725, %concatenate3A_1729 : vector<8x4096xi32>
    %broadcast_in_dim3A_1731 = arith.constant 0 : i32
    %broadcast_in_dim3A_1732 = vector.broadcast %broadcast_in_dim3A_1731 : i32 to vector<8x16xi32>
    %slice3A_1733 = vector.extract_strided_slice %add3A_1730 {offsets = [0, 0], sizes = [8, 4080], strides = [1, 1]} : vector<8x4096xi32> to vector<8x4080xi32>
    %concatenate3A_1734 = tpu.concatenate %broadcast_in_dim3A_1732, %slice3A_1733 in 1 : vector<8x16xi32>, vector<8x4080xi32> -> vector<8x4096xi32>
    %add3A_1735 = arith.addi %add3A_1730, %concatenate3A_1734 : vector<8x4096xi32>
    %broadcast_in_dim3A_1736 = arith.constant 0 : i32
    %broadcast_in_dim3A_1737 = vector.broadcast %broadcast_in_dim3A_1736 : i32 to vector<8x32xi32>
    %slice3A_1738 = vector.extract_strided_slice %add3A_1735 {offsets = [0, 0], sizes = [8, 4064], strides = [1, 1]} : vector<8x4096xi32> to vector<8x4064xi32>
    %concatenate3A_1739 = tpu.concatenate %broadcast_in_dim3A_1737, %slice3A_1738 in 1 : vector<8x32xi32>, vector<8x4064xi32> -> vector<8x4096xi32>
    %add3A_1740 = arith.addi %add3A_1735, %concatenate3A_1739 : vector<8x4096xi32>
    %broadcast_in_dim3A_1741 = arith.constant 0 : i32
    %broadcast_in_dim3A_1742 = vector.broadcast %broadcast_in_dim3A_1741 : i32 to vector<8x64xi32>
    %slice3A_1743 = vector.extract_strided_slice %add3A_1740 {offsets = [0, 0], sizes = [8, 4032], strides = [1, 1]} : vector<8x4096xi32> to vector<8x4032xi32>
    %concatenate3A_1744 = tpu.concatenate %broadcast_in_dim3A_1742, %slice3A_1743 in 1 : vector<8x64xi32>, vector<8x4032xi32> -> vector<8x4096xi32>
    %add3A_1745 = arith.addi %add3A_1740, %concatenate3A_1744 : vector<8x4096xi32>
    %broadcast_in_dim3A_1746 = arith.constant 0 : i32
    %broadcast_in_dim3A_1747 = vector.broadcast %broadcast_in_dim3A_1746 : i32 to vector<8x128xi32>
    %slice3A_1748 = vector.extract_strided_slice %add3A_1745 {offsets = [0, 0], sizes = [8, 3968], strides = [1, 1]} : vector<8x4096xi32> to vector<8x3968xi32>
    %concatenate3A_1749 = tpu.concatenate %broadcast_in_dim3A_1747, %slice3A_1748 in 1 : vector<8x128xi32>, vector<8x3968xi32> -> vector<8x4096xi32>
    %add3A_1750 = arith.addi %add3A_1745, %concatenate3A_1749 : vector<8x4096xi32>
    %broadcast_in_dim3A_1751 = arith.constant 0 : i32
    %broadcast_in_dim3A_1752 = vector.broadcast %broadcast_in_dim3A_1751 : i32 to vector<8x256xi32>
    %slice3A_1753 = vector.extract_strided_slice %add3A_1750 {offsets = [0, 0], sizes = [8, 3840], strides = [1, 1]} : vector<8x4096xi32> to vector<8x3840xi32>
    %concatenate3A_1754 = tpu.concatenate %broadcast_in_dim3A_1752, %slice3A_1753 in 1 : vector<8x256xi32>, vector<8x3840xi32> -> vector<8x4096xi32>
    %add3A_1755 = arith.addi %add3A_1750, %concatenate3A_1754 : vector<8x4096xi32>
    %broadcast_in_dim3A_1756 = arith.constant 0 : i32
    %broadcast_in_dim3A_1757 = vector.broadcast %broadcast_in_dim3A_1756 : i32 to vector<8x512xi32>
    %slice3A_1758 = vector.extract_strided_slice %add3A_1755 {offsets = [0, 0], sizes = [8, 3584], strides = [1, 1]} : vector<8x4096xi32> to vector<8x3584xi32>
    %concatenate3A_1759 = tpu.concatenate %broadcast_in_dim3A_1757, %slice3A_1758 in 1 : vector<8x512xi32>, vector<8x3584xi32> -> vector<8x4096xi32>
    %add3A_1760 = arith.addi %add3A_1755, %concatenate3A_1759 : vector<8x4096xi32>
    %broadcast_in_dim3A_1761 = arith.constant 0 : i32
    %broadcast_in_dim3A_1762 = vector.broadcast %broadcast_in_dim3A_1761 : i32 to vector<8x1024xi32>
    %slice3A_1763 = vector.extract_strided_slice %add3A_1760 {offsets = [0, 0], sizes = [8, 3072], strides = [1, 1]} : vector<8x4096xi32> to vector<8x3072xi32>
    %concatenate3A_1764 = tpu.concatenate %broadcast_in_dim3A_1762, %slice3A_1763 in 1 : vector<8x1024xi32>, vector<8x3072xi32> -> vector<8x4096xi32>
    %add3A_1765 = arith.addi %add3A_1760, %concatenate3A_1764 : vector<8x4096xi32>
    %broadcast_in_dim3A_1766 = arith.constant 0 : i32
    %broadcast_in_dim3A_1767 = vector.broadcast %broadcast_in_dim3A_1766 : i32 to vector<8x2048xi32>
    %slice3A_1768 = vector.extract_strided_slice %add3A_1765 {offsets = [0, 0], sizes = [8, 2048], strides = [1, 1]} : vector<8x4096xi32> to vector<8x2048xi32>
    %concatenate3A_1769 = tpu.concatenate %broadcast_in_dim3A_1767, %slice3A_1768 in 1 : vector<8x2048xi32>, vector<8x2048xi32> -> vector<8x4096xi32>
    %add3A_1770 = arith.addi %add3A_1765, %concatenate3A_1769 : vector<8x4096xi32>
    %sub3A_1771 = arith.subi %add3A_1770, %convert_element_type3A_1711 : vector<8x4096xi32>
    %lt3A_1772 = vector.broadcast %sub3A_1710 : vector<8x1xi32> to vector<8x4096xi32>
    %lt3A_1773 = arith.cmpi slt, %sub3A_1771, %lt3A_1772 : vector<8x4096xi32>
    %and3A_1774 = arith.andi %eq3A_1703, %lt3A_1773 : vector<8x4096xi1>
    %or3A_1775 = arith.ori %gt3A_1701, %and3A_1774 : vector<8x4096xi1>
    %convert_element_type3A_1776 = arith.extui %or3A_1775 : vector<8x4096xi1> to vector<8x4096xi32>
    %broadcast_in_dim3A_1777 = arith.constant 0 : i32
    %broadcast_in_dim3A_1778 = vector.broadcast %broadcast_in_dim3A_1777 : i32 to vector<8x1xi32>
    %slice3A_1779 = vector.extract_strided_slice %convert_element_type3A_1776 {offsets = [0, 0], sizes = [8, 4095], strides = [1, 1]} : vector<8x4096xi32> to vector<8x4095xi32>
    %concatenate3A_1780 = tpu.concatenate %broadcast_in_dim3A_1778, %slice3A_1779 in 1 : vector<8x1xi32>, vector<8x4095xi32> -> vector<8x4096xi32>
    %add3A_1781 = arith.addi %convert_element_type3A_1776, %concatenate3A_1780 : vector<8x4096xi32>
    %broadcast_in_dim3A_1782 = arith.constant 0 : i32
    %broadcast_in_dim3A_1783 = vector.broadcast %broadcast_in_dim3A_1782 : i32 to vector<8x2xi32>
    %slice3A_1784 = vector.extract_strided_slice %add3A_1781 {offsets = [0, 0], sizes = [8, 4094], strides = [1, 1]} : vector<8x4096xi32> to vector<8x4094xi32>
    %concatenate3A_1785 = tpu.concatenate %broadcast_in_dim3A_1783, %slice3A_1784 in 1 : vector<8x2xi32>, vector<8x4094xi32> -> vector<8x4096xi32>
    %add3A_1786 = arith.addi %add3A_1781, %concatenate3A_1785 : vector<8x4096xi32>
    %broadcast_in_dim3A_1787 = arith.constant 0 : i32
    %broadcast_in_dim3A_1788 = vector.broadcast %broadcast_in_dim3A_1787 : i32 to vector<8x4xi32>
    %slice3A_1789 = vector.extract_strided_slice %add3A_1786 {offsets = [0, 0], sizes = [8, 4092], strides = [1, 1]} : vector<8x4096xi32> to vector<8x4092xi32>
    %concatenate3A_1790 = tpu.concatenate %broadcast_in_dim3A_1788, %slice3A_1789 in 1 : vector<8x4xi32>, vector<8x4092xi32> -> vector<8x4096xi32>
    %add3A_1791 = arith.addi %add3A_1786, %concatenate3A_1790 : vector<8x4096xi32>
    %broadcast_in_dim3A_1792 = arith.constant 0 : i32
    %broadcast_in_dim3A_1793 = vector.broadcast %broadcast_in_dim3A_1792 : i32 to vector<8x8xi32>
    %slice3A_1794 = vector.extract_strided_slice %add3A_1791 {offsets = [0, 0], sizes = [8, 4088], strides = [1, 1]} : vector<8x4096xi32> to vector<8x4088xi32>
    %concatenate3A_1795 = tpu.concatenate %broadcast_in_dim3A_1793, %slice3A_1794 in 1 : vector<8x8xi32>, vector<8x4088xi32> -> vector<8x4096xi32>
    %add3A_1796 = arith.addi %add3A_1791, %concatenate3A_1795 : vector<8x4096xi32>
    %broadcast_in_dim3A_1797 = arith.constant 0 : i32
    %broadcast_in_dim3A_1798 = vector.broadcast %broadcast_in_dim3A_1797 : i32 to vector<8x16xi32>
    %slice3A_1799 = vector.extract_strided_slice %add3A_1796 {offsets = [0, 0], sizes = [8, 4080], strides = [1, 1]} : vector<8x4096xi32> to vector<8x4080xi32>
    %concatenate3A_1800 = tpu.concatenate %broadcast_in_dim3A_1798, %slice3A_1799 in 1 : vector<8x16xi32>, vector<8x4080xi32> -> vector<8x4096xi32>
    %add3A_1801 = arith.addi %add3A_1796, %concatenate3A_1800 : vector<8x4096xi32>
    %broadcast_in_dim3A_1802 = arith.constant 0 : i32
    %broadcast_in_dim3A_1803 = vector.broadcast %broadcast_in_dim3A_1802 : i32 to vector<8x32xi32>
    %slice3A_1804 = vector.extract_strided_slice %add3A_1801 {offsets = [0, 0], sizes = [8, 4064], strides = [1, 1]} : vector<8x4096xi32> to vector<8x4064xi32>
    %concatenate3A_1805 = tpu.concatenate %broadcast_in_dim3A_1803, %slice3A_1804 in 1 : vector<8x32xi32>, vector<8x4064xi32> -> vector<8x4096xi32>
    %add3A_1806 = arith.addi %add3A_1801, %concatenate3A_1805 : vector<8x4096xi32>
    %broadcast_in_dim3A_1807 = arith.constant 0 : i32
    %broadcast_in_dim3A_1808 = vector.broadcast %broadcast_in_dim3A_1807 : i32 to vector<8x64xi32>
    %slice3A_1809 = vector.extract_strided_slice %add3A_1806 {offsets = [0, 0], sizes = [8, 4032], strides = [1, 1]} : vector<8x4096xi32> to vector<8x4032xi32>
    %concatenate3A_1810 = tpu.concatenate %broadcast_in_dim3A_1808, %slice3A_1809 in 1 : vector<8x64xi32>, vector<8x4032xi32> -> vector<8x4096xi32>
    %add3A_1811 = arith.addi %add3A_1806, %concatenate3A_1810 : vector<8x4096xi32>
    %broadcast_in_dim3A_1812 = arith.constant 0 : i32
    %broadcast_in_dim3A_1813 = vector.broadcast %broadcast_in_dim3A_1812 : i32 to vector<8x128xi32>
    %slice3A_1814 = vector.extract_strided_slice %add3A_1811 {offsets = [0, 0], sizes = [8, 3968], strides = [1, 1]} : vector<8x4096xi32> to vector<8x3968xi32>
    %concatenate3A_1815 = tpu.concatenate %broadcast_in_dim3A_1813, %slice3A_1814 in 1 : vector<8x128xi32>, vector<8x3968xi32> -> vector<8x4096xi32>
    %add3A_1816 = arith.addi %add3A_1811, %concatenate3A_1815 : vector<8x4096xi32>
    %broadcast_in_dim3A_1817 = arith.constant 0 : i32
    %broadcast_in_dim3A_1818 = vector.broadcast %broadcast_in_dim3A_1817 : i32 to vector<8x256xi32>
    %slice3A_1819 = vector.extract_strided_slice %add3A_1816 {offsets = [0, 0], sizes = [8, 3840], strides = [1, 1]} : vector<8x4096xi32> to vector<8x3840xi32>
    %concatenate3A_1820 = tpu.concatenate %broadcast_in_dim3A_1818, %slice3A_1819 in 1 : vector<8x256xi32>, vector<8x3840xi32> -> vector<8x4096xi32>
    %add3A_1821 = arith.addi %add3A_1816, %concatenate3A_1820 : vector<8x4096xi32>
    %broadcast_in_dim3A_1822 = arith.constant 0 : i32
    %broadcast_in_dim3A_1823 = vector.broadcast %broadcast_in_dim3A_1822 : i32 to vector<8x512xi32>
    %slice3A_1824 = vector.extract_strided_slice %add3A_1821 {offsets = [0, 0], sizes = [8, 3584], strides = [1, 1]} : vector<8x4096xi32> to vector<8x3584xi32>
    %concatenate3A_1825 = tpu.concatenate %broadcast_in_dim3A_1823, %slice3A_1824 in 1 : vector<8x512xi32>, vector<8x3584xi32> -> vector<8x4096xi32>
    %add3A_1826 = arith.addi %add3A_1821, %concatenate3A_1825 : vector<8x4096xi32>
    %broadcast_in_dim3A_1827 = arith.constant 0 : i32
    %broadcast_in_dim3A_1828 = vector.broadcast %broadcast_in_dim3A_1827 : i32 to vector<8x1024xi32>
    %slice3A_1829 = vector.extract_strided_slice %add3A_1826 {offsets = [0, 0], sizes = [8, 3072], strides = [1, 1]} : vector<8x4096xi32> to vector<8x3072xi32>
    %concatenate3A_1830 = tpu.concatenate %broadcast_in_dim3A_1828, %slice3A_1829 in 1 : vector<8x1024xi32>, vector<8x3072xi32> -> vector<8x4096xi32>
    %add3A_1831 = arith.addi %add3A_1826, %concatenate3A_1830 : vector<8x4096xi32>
    %broadcast_in_dim3A_1832 = arith.constant 0 : i32
    %broadcast_in_dim3A_1833 = vector.broadcast %broadcast_in_dim3A_1832 : i32 to vector<8x2048xi32>
    %slice3A_1834 = vector.extract_strided_slice %add3A_1831 {offsets = [0, 0], sizes = [8, 2048], strides = [1, 1]} : vector<8x4096xi32> to vector<8x2048xi32>
    %concatenate3A_1835 = tpu.concatenate %broadcast_in_dim3A_1833, %slice3A_1834 in 1 : vector<8x2048xi32>, vector<8x2048xi32> -> vector<8x4096xi32>
    %add3A_1836 = arith.addi %add3A_1831, %concatenate3A_1835 : vector<8x4096xi32>
    %sub3A_1837 = arith.subi %add3A_1836, %convert_element_type3A_1776 : vector<8x4096xi32>
    %jit3A_1838 = arith.constant 0.000000e+00 : f32
    %broadcast_in_dim3A_1839 = vector.broadcast %jit3A_1838 : f32 to vector<8x4096xf32>
    %select_n3A_1840 = arith.select %or3A_1775, %select_n3A_111, %broadcast_in_dim3A_1839 : vector<8x4096xi1>, vector<8x4096xf32>
    %iota3A_1841 = tpu.iota {dimensions = array<i32: 0>} : vector<648x4096xi32>
    %iota3A_1842 = tpu.iota {dimensions = array<i32: 1>} : vector<1x4096xi32>
    %convert_element_type3A_1843 = arith.sitofp %iota3A_1842 : vector<1x4096xi32> to vector<1x4096xf32>
    %slice3A_1844 = vector.extract_strided_slice %sub3A_1837 {offsets = [0, 0], sizes = [1, 4096], strides = [1, 1]} : vector<8x4096xi32> to vector<1x4096xi32>
    %eq3A_1845 = vector.broadcast %slice3A_1844 : vector<1x4096xi32> to vector<648x4096xi32>
    %eq3A_1846 = arith.cmpi eq, %iota3A_1841, %eq3A_1845 : vector<648x4096xi32>
    %slice3A_1847 = vector.extract_strided_slice %or3A_1775 {offsets = [0, 0], sizes = [1, 4096], strides = [1, 1]} : vector<8x4096xi1> to vector<1x4096xi1>
    %and3A_1848 = vector.broadcast %slice3A_1847 : vector<1x4096xi1> to vector<648x4096xi1>
    %and3A_1849 = arith.andi %eq3A_1846, %and3A_1848 : vector<648x4096xi1>
    %convert_element_type3A_1850 = arith.extui %and3A_1849 : vector<648x4096xi1> to vector<648x4096xi32>
    %convert_element_type3A_1851 = arith.sitofp %convert_element_type3A_1850 : vector<648x4096xi32> to vector<648x4096xf32>
    %slice3A_1852 = vector.extract_strided_slice %select_n3A_1840 {offsets = [0, 0], sizes = [1, 4096], strides = [1, 1]} : vector<8x4096xf32> to vector<1x4096xf32>
    %concatenate3A_1853 = tpu.concatenate %slice3A_1852, %convert_element_type3A_1843 in 0 : vector<1x4096xf32>, vector<1x4096xf32> -> vector<2x4096xf32>
    %dot_general3A_1854 = arith.constant dense<0.000000e+00> : vector<648x2xf32>
    %dot_general3A_1855 = tpu.matmul %convert_element_type3A_1851, %concatenate3A_1853, %dot_general3A_1854 {dimension_numbers = #tpu.dot_dimension_numbers<[1], [1], [0], [0], [0, 0, 1, 0], [], []>, transpose_lhs_hint = false} : vector<648x4096xf32>, vector<2x4096xf32>, vector<648x2xf32> -> vector<648x2xf32>
    %slice3A_1856 = vector.extract_strided_slice %dot_general3A_1855 {offsets = [0, 0], sizes = [648, 1], strides = [1, 1]} : vector<648x2xf32> to vector<648x1xf32>
    %slice3A_1857 = vector.extract_strided_slice %dot_general3A_1855 {offsets = [0, 1], sizes = [648, 1], strides = [1, 1]} : vector<648x2xf32> to vector<648x1xf32>
    %slice3A_1858 = vector.extract_strided_slice %sub3A_1837 {offsets = [1, 0], sizes = [1, 4096], strides = [1, 1]} : vector<8x4096xi32> to vector<1x4096xi32>
    %eq3A_1859 = vector.broadcast %slice3A_1858 : vector<1x4096xi32> to vector<648x4096xi32>
    %eq3A_1860 = arith.cmpi eq, %iota3A_1841, %eq3A_1859 : vector<648x4096xi32>
    %slice3A_1861 = vector.extract_strided_slice %or3A_1775 {offsets = [1, 0], sizes = [1, 4096], strides = [1, 1]} : vector<8x4096xi1> to vector<1x4096xi1>
    %and3A_1862 = vector.broadcast %slice3A_1861 : vector<1x4096xi1> to vector<648x4096xi1>
    %and3A_1863 = arith.andi %eq3A_1860, %and3A_1862 : vector<648x4096xi1>
    %convert_element_type3A_1864 = arith.extui %and3A_1863 : vector<648x4096xi1> to vector<648x4096xi32>
    %convert_element_type3A_1865 = arith.sitofp %convert_element_type3A_1864 : vector<648x4096xi32> to vector<648x4096xf32>
    %slice3A_1866 = vector.extract_strided_slice %select_n3A_1840 {offsets = [1, 0], sizes = [1, 4096], strides = [1, 1]} : vector<8x4096xf32> to vector<1x4096xf32>
    %concatenate3A_1867 = tpu.concatenate %slice3A_1866, %convert_element_type3A_1843 in 0 : vector<1x4096xf32>, vector<1x4096xf32> -> vector<2x4096xf32>
    %dot_general3A_1868 = arith.constant dense<0.000000e+00> : vector<648x2xf32>
    %dot_general3A_1869 = tpu.matmul %convert_element_type3A_1865, %concatenate3A_1867, %dot_general3A_1868 {dimension_numbers = #tpu.dot_dimension_numbers<[1], [1], [0], [0], [0, 0, 1, 0], [], []>, transpose_lhs_hint = false} : vector<648x4096xf32>, vector<2x4096xf32>, vector<648x2xf32> -> vector<648x2xf32>
    %slice3A_1870 = vector.extract_strided_slice %dot_general3A_1869 {offsets = [0, 0], sizes = [648, 1], strides = [1, 1]} : vector<648x2xf32> to vector<648x1xf32>
    %slice3A_1871 = vector.extract_strided_slice %dot_general3A_1869 {offsets = [0, 1], sizes = [648, 1], strides = [1, 1]} : vector<648x2xf32> to vector<648x1xf32>
    %slice3A_1872 = vector.extract_strided_slice %sub3A_1837 {offsets = [2, 0], sizes = [1, 4096], strides = [1, 1]} : vector<8x4096xi32> to vector<1x4096xi32>
    %eq3A_1873 = vector.broadcast %slice3A_1872 : vector<1x4096xi32> to vector<648x4096xi32>
    %eq3A_1874 = arith.cmpi eq, %iota3A_1841, %eq3A_1873 : vector<648x4096xi32>
    %slice3A_1875 = vector.extract_strided_slice %or3A_1775 {offsets = [2, 0], sizes = [1, 4096], strides = [1, 1]} : vector<8x4096xi1> to vector<1x4096xi1>
    %and3A_1876 = vector.broadcast %slice3A_1875 : vector<1x4096xi1> to vector<648x4096xi1>
    %and3A_1877 = arith.andi %eq3A_1874, %and3A_1876 : vector<648x4096xi1>
    %convert_element_type3A_1878 = arith.extui %and3A_1877 : vector<648x4096xi1> to vector<648x4096xi32>
    %convert_element_type3A_1879 = arith.sitofp %convert_element_type3A_1878 : vector<648x4096xi32> to vector<648x4096xf32>
    %slice3A_1880 = vector.extract_strided_slice %select_n3A_1840 {offsets = [2, 0], sizes = [1, 4096], strides = [1, 1]} : vector<8x4096xf32> to vector<1x4096xf32>
    %concatenate3A_1881 = tpu.concatenate %slice3A_1880, %convert_element_type3A_1843 in 0 : vector<1x4096xf32>, vector<1x4096xf32> -> vector<2x4096xf32>
    %dot_general3A_1882 = arith.constant dense<0.000000e+00> : vector<648x2xf32>
    %dot_general3A_1883 = tpu.matmul %convert_element_type3A_1879, %concatenate3A_1881, %dot_general3A_1882 {dimension_numbers = #tpu.dot_dimension_numbers<[1], [1], [0], [0], [0, 0, 1, 0], [], []>, transpose_lhs_hint = false} : vector<648x4096xf32>, vector<2x4096xf32>, vector<648x2xf32> -> vector<648x2xf32>
    %slice3A_1884 = vector.extract_strided_slice %dot_general3A_1883 {offsets = [0, 0], sizes = [648, 1], strides = [1, 1]} : vector<648x2xf32> to vector<648x1xf32>
    %slice3A_1885 = vector.extract_strided_slice %dot_general3A_1883 {offsets = [0, 1], sizes = [648, 1], strides = [1, 1]} : vector<648x2xf32> to vector<648x1xf32>
    %slice3A_1886 = vector.extract_strided_slice %sub3A_1837 {offsets = [3, 0], sizes = [1, 4096], strides = [1, 1]} : vector<8x4096xi32> to vector<1x4096xi32>
    %eq3A_1887 = vector.broadcast %slice3A_1886 : vector<1x4096xi32> to vector<648x4096xi32>
    %eq3A_1888 = arith.cmpi eq, %iota3A_1841, %eq3A_1887 : vector<648x4096xi32>
    %slice3A_1889 = vector.extract_strided_slice %or3A_1775 {offsets = [3, 0], sizes = [1, 4096], strides = [1, 1]} : vector<8x4096xi1> to vector<1x4096xi1>
    %and3A_1890 = vector.broadcast %slice3A_1889 : vector<1x4096xi1> to vector<648x4096xi1>
    %and3A_1891 = arith.andi %eq3A_1888, %and3A_1890 : vector<648x4096xi1>
    %convert_element_type3A_1892 = arith.extui %and3A_1891 : vector<648x4096xi1> to vector<648x4096xi32>
    %convert_element_type3A_1893 = arith.sitofp %convert_element_type3A_1892 : vector<648x4096xi32> to vector<648x4096xf32>
    %slice3A_1894 = vector.extract_strided_slice %select_n3A_1840 {offsets = [3, 0], sizes = [1, 4096], strides = [1, 1]} : vector<8x4096xf32> to vector<1x4096xf32>
    %concatenate3A_1895 = tpu.concatenate %slice3A_1894, %convert_element_type3A_1843 in 0 : vector<1x4096xf32>, vector<1x4096xf32> -> vector<2x4096xf32>
    %dot_general3A_1896 = arith.constant dense<0.000000e+00> : vector<648x2xf32>
    %dot_general3A_1897 = tpu.matmul %convert_element_type3A_1893, %concatenate3A_1895, %dot_general3A_1896 {dimension_numbers = #tpu.dot_dimension_numbers<[1], [1], [0], [0], [0, 0, 1, 0], [], []>, transpose_lhs_hint = false} : vector<648x4096xf32>, vector<2x4096xf32>, vector<648x2xf32> -> vector<648x2xf32>
    %slice3A_1898 = vector.extract_strided_slice %dot_general3A_1897 {offsets = [0, 0], sizes = [648, 1], strides = [1, 1]} : vector<648x2xf32> to vector<648x1xf32>
    %slice3A_1899 = vector.extract_strided_slice %dot_general3A_1897 {offsets = [0, 1], sizes = [648, 1], strides = [1, 1]} : vector<648x2xf32> to vector<648x1xf32>
    %slice3A_1900 = vector.extract_strided_slice %sub3A_1837 {offsets = [4, 0], sizes = [1, 4096], strides = [1, 1]} : vector<8x4096xi32> to vector<1x4096xi32>
    %eq3A_1901 = vector.broadcast %slice3A_1900 : vector<1x4096xi32> to vector<648x4096xi32>
    %eq3A_1902 = arith.cmpi eq, %iota3A_1841, %eq3A_1901 : vector<648x4096xi32>
    %slice3A_1903 = vector.extract_strided_slice %or3A_1775 {offsets = [4, 0], sizes = [1, 4096], strides = [1, 1]} : vector<8x4096xi1> to vector<1x4096xi1>
    %and3A_1904 = vector.broadcast %slice3A_1903 : vector<1x4096xi1> to vector<648x4096xi1>
    %and3A_1905 = arith.andi %eq3A_1902, %and3A_1904 : vector<648x4096xi1>
    %convert_element_type3A_1906 = arith.extui %and3A_1905 : vector<648x4096xi1> to vector<648x4096xi32>
    %convert_element_type3A_1907 = arith.sitofp %convert_element_type3A_1906 : vector<648x4096xi32> to vector<648x4096xf32>
    %slice3A_1908 = vector.extract_strided_slice %select_n3A_1840 {offsets = [4, 0], sizes = [1, 4096], strides = [1, 1]} : vector<8x4096xf32> to vector<1x4096xf32>
    %concatenate3A_1909 = tpu.concatenate %slice3A_1908, %convert_element_type3A_1843 in 0 : vector<1x4096xf32>, vector<1x4096xf32> -> vector<2x4096xf32>
    %dot_general3A_1910 = arith.constant dense<0.000000e+00> : vector<648x2xf32>
    %dot_general3A_1911 = tpu.matmul %convert_element_type3A_1907, %concatenate3A_1909, %dot_general3A_1910 {dimension_numbers = #tpu.dot_dimension_numbers<[1], [1], [0], [0], [0, 0, 1, 0], [], []>, transpose_lhs_hint = false} : vector<648x4096xf32>, vector<2x4096xf32>, vector<648x2xf32> -> vector<648x2xf32>
    %slice3A_1912 = vector.extract_strided_slice %dot_general3A_1911 {offsets = [0, 0], sizes = [648, 1], strides = [1, 1]} : vector<648x2xf32> to vector<648x1xf32>
    %slice3A_1913 = vector.extract_strided_slice %dot_general3A_1911 {offsets = [0, 1], sizes = [648, 1], strides = [1, 1]} : vector<648x2xf32> to vector<648x1xf32>
    %slice3A_1914 = vector.extract_strided_slice %sub3A_1837 {offsets = [5, 0], sizes = [1, 4096], strides = [1, 1]} : vector<8x4096xi32> to vector<1x4096xi32>
    %eq3A_1915 = vector.broadcast %slice3A_1914 : vector<1x4096xi32> to vector<648x4096xi32>
    %eq3A_1916 = arith.cmpi eq, %iota3A_1841, %eq3A_1915 : vector<648x4096xi32>
    %slice3A_1917 = vector.extract_strided_slice %or3A_1775 {offsets = [5, 0], sizes = [1, 4096], strides = [1, 1]} : vector<8x4096xi1> to vector<1x4096xi1>
    %and3A_1918 = vector.broadcast %slice3A_1917 : vector<1x4096xi1> to vector<648x4096xi1>
    %and3A_1919 = arith.andi %eq3A_1916, %and3A_1918 : vector<648x4096xi1>
    %convert_element_type3A_1920 = arith.extui %and3A_1919 : vector<648x4096xi1> to vector<648x4096xi32>
    %convert_element_type3A_1921 = arith.sitofp %convert_element_type3A_1920 : vector<648x4096xi32> to vector<648x4096xf32>
    %slice3A_1922 = vector.extract_strided_slice %select_n3A_1840 {offsets = [5, 0], sizes = [1, 4096], strides = [1, 1]} : vector<8x4096xf32> to vector<1x4096xf32>
    %concatenate3A_1923 = tpu.concatenate %slice3A_1922, %convert_element_type3A_1843 in 0 : vector<1x4096xf32>, vector<1x4096xf32> -> vector<2x4096xf32>
    %dot_general3A_1924 = arith.constant dense<0.000000e+00> : vector<648x2xf32>
    %dot_general3A_1925 = tpu.matmul %convert_element_type3A_1921, %concatenate3A_1923, %dot_general3A_1924 {dimension_numbers = #tpu.dot_dimension_numbers<[1], [1], [0], [0], [0, 0, 1, 0], [], []>, transpose_lhs_hint = false} : vector<648x4096xf32>, vector<2x4096xf32>, vector<648x2xf32> -> vector<648x2xf32>
    %slice3A_1926 = vector.extract_strided_slice %dot_general3A_1925 {offsets = [0, 0], sizes = [648, 1], strides = [1, 1]} : vector<648x2xf32> to vector<648x1xf32>
    %slice3A_1927 = vector.extract_strided_slice %dot_general3A_1925 {offsets = [0, 1], sizes = [648, 1], strides = [1, 1]} : vector<648x2xf32> to vector<648x1xf32>
    %slice3A_1928 = vector.extract_strided_slice %sub3A_1837 {offsets = [6, 0], sizes = [1, 4096], strides = [1, 1]} : vector<8x4096xi32> to vector<1x4096xi32>
    %eq3A_1929 = vector.broadcast %slice3A_1928 : vector<1x4096xi32> to vector<648x4096xi32>
    %eq3A_1930 = arith.cmpi eq, %iota3A_1841, %eq3A_1929 : vector<648x4096xi32>
    %slice3A_1931 = vector.extract_strided_slice %or3A_1775 {offsets = [6, 0], sizes = [1, 4096], strides = [1, 1]} : vector<8x4096xi1> to vector<1x4096xi1>
    %and3A_1932 = vector.broadcast %slice3A_1931 : vector<1x4096xi1> to vector<648x4096xi1>
    %and3A_1933 = arith.andi %eq3A_1930, %and3A_1932 : vector<648x4096xi1>
    %convert_element_type3A_1934 = arith.extui %and3A_1933 : vector<648x4096xi1> to vector<648x4096xi32>
    %convert_element_type3A_1935 = arith.sitofp %convert_element_type3A_1934 : vector<648x4096xi32> to vector<648x4096xf32>
    %slice3A_1936 = vector.extract_strided_slice %select_n3A_1840 {offsets = [6, 0], sizes = [1, 4096], strides = [1, 1]} : vector<8x4096xf32> to vector<1x4096xf32>
    %concatenate3A_1937 = tpu.concatenate %slice3A_1936, %convert_element_type3A_1843 in 0 : vector<1x4096xf32>, vector<1x4096xf32> -> vector<2x4096xf32>
    %dot_general3A_1938 = arith.constant dense<0.000000e+00> : vector<648x2xf32>
    %dot_general3A_1939 = tpu.matmul %convert_element_type3A_1935, %concatenate3A_1937, %dot_general3A_1938 {dimension_numbers = #tpu.dot_dimension_numbers<[1], [1], [0], [0], [0, 0, 1, 0], [], []>, transpose_lhs_hint = false} : vector<648x4096xf32>, vector<2x4096xf32>, vector<648x2xf32> -> vector<648x2xf32>
    %slice3A_1940 = vector.extract_strided_slice %dot_general3A_1939 {offsets = [0, 0], sizes = [648, 1], strides = [1, 1]} : vector<648x2xf32> to vector<648x1xf32>
    %slice3A_1941 = vector.extract_strided_slice %dot_general3A_1939 {offsets = [0, 1], sizes = [648, 1], strides = [1, 1]} : vector<648x2xf32> to vector<648x1xf32>
    %slice3A_1942 = vector.extract_strided_slice %sub3A_1837 {offsets = [7, 0], sizes = [1, 4096], strides = [1, 1]} : vector<8x4096xi32> to vector<1x4096xi32>
    %eq3A_1943 = vector.broadcast %slice3A_1942 : vector<1x4096xi32> to vector<648x4096xi32>
    %eq3A_1944 = arith.cmpi eq, %iota3A_1841, %eq3A_1943 : vector<648x4096xi32>
    %slice3A_1945 = vector.extract_strided_slice %or3A_1775 {offsets = [7, 0], sizes = [1, 4096], strides = [1, 1]} : vector<8x4096xi1> to vector<1x4096xi1>
    %and3A_1946 = vector.broadcast %slice3A_1945 : vector<1x4096xi1> to vector<648x4096xi1>
    %and3A_1947 = arith.andi %eq3A_1944, %and3A_1946 : vector<648x4096xi1>
    %convert_element_type3A_1948 = arith.extui %and3A_1947 : vector<648x4096xi1> to vector<648x4096xi32>
    %convert_element_type3A_1949 = arith.sitofp %convert_element_type3A_1948 : vector<648x4096xi32> to vector<648x4096xf32>
    %slice3A_1950 = vector.extract_strided_slice %select_n3A_1840 {offsets = [7, 0], sizes = [1, 4096], strides = [1, 1]} : vector<8x4096xf32> to vector<1x4096xf32>
    %concatenate3A_1951 = tpu.concatenate %slice3A_1950, %convert_element_type3A_1843 in 0 : vector<1x4096xf32>, vector<1x4096xf32> -> vector<2x4096xf32>
    %dot_general3A_1952 = arith.constant dense<0.000000e+00> : vector<648x2xf32>
    %dot_general3A_1953 = tpu.matmul %convert_element_type3A_1949, %concatenate3A_1951, %dot_general3A_1952 {dimension_numbers = #tpu.dot_dimension_numbers<[1], [1], [0], [0], [0, 0, 1, 0], [], []>, transpose_lhs_hint = false} : vector<648x4096xf32>, vector<2x4096xf32>, vector<648x2xf32> -> vector<648x2xf32>
    %slice3A_1954 = vector.extract_strided_slice %dot_general3A_1953 {offsets = [0, 0], sizes = [648, 1], strides = [1, 1]} : vector<648x2xf32> to vector<648x1xf32>
    %slice3A_1955 = vector.extract_strided_slice %dot_general3A_1953 {offsets = [0, 1], sizes = [648, 1], strides = [1, 1]} : vector<648x2xf32> to vector<648x1xf32>
    %concatenate3A_1956 = tpu.concatenate %slice3A_1856, %slice3A_1870, %slice3A_1884, %slice3A_1898, %slice3A_1912, %slice3A_1926, %slice3A_1940, %slice3A_1954 in 1 : vector<648x1xf32>, vector<648x1xf32>, vector<648x1xf32>, vector<648x1xf32>, vector<648x1xf32>, vector<648x1xf32>, vector<648x1xf32>, vector<648x1xf32> -> vector<648x8xf32>
    %swap3A = arith.constant 0 : index
    %swap3A_1957 = arith.constant 0 : index
    %swap3A_1958 = vector.load %arg5[%swap3A, %swap3A_1957] : memref<648x8xf32, #tpu.memory_space<vmem>>, vector<648x8xf32>
    tpu.vector_store %arg5[%swap3A, %swap3A_1957], %concatenate3A_1956 {strides = array<i32>} : memref<648x8xf32, #tpu.memory_space<vmem>>, vector<648x8xf32>,
    %concatenate3A_1959 = tpu.concatenate %slice3A_1857, %slice3A_1871, %slice3A_1885, %slice3A_1899, %slice3A_1913, %slice3A_1927, %slice3A_1941, %slice3A_1955 in 1 : vector<648x1xf32>, vector<648x1xf32>, vector<648x1xf32>, vector<648x1xf32>, vector<648x1xf32>, vector<648x1xf32>, vector<648x1xf32>, vector<648x1xf32> -> vector<648x8xf32>
    %convert_element_type3A_1960 = arith.fptosi %concatenate3A_1959 : vector<648x8xf32> to vector<648x8xi32>
    %swap3A_1961 = arith.constant 0 : index
    %swap3A_1962 = arith.constant 0 : index
    %swap3A_1963 = vector.load %arg6[%swap3A_1961, %swap3A_1962] : memref<648x8xi32, #tpu.memory_space<vmem>>, vector<648x8xi32>
    tpu.vector_store %arg6[%swap3A_1961, %swap3A_1962], %convert_element_type3A_1960 {strides = array<i32>} : memref<648x8xi32, #tpu.memory_space<vmem>>, vector<648x8xi32>,
    return
  }
}

module attributes {stable_mosaic.version = 14 : i64} {
  func.func @_ffn_kernel(%arg0: i32, %arg1: i32, %arg2: memref<648x768xf32, #tpu.memory_space<vmem>>, %arg3: memref<1x512x768xf32, #tpu.memory_space<vmem>>, %arg4: memref<1x512x768xf32, #tpu.memory_space<vmem>>, %arg5: memref<1x768x512xf32, #tpu.memory_space<vmem>>, %arg6: memref<648x8xf32, #tpu.memory_space<vmem>>, %arg7: memref<648x768xf32, #tpu.memory_space<vmem>>, %arg8: memref<648x768xf32, #tpu.memory_space<vmem>>) attributes {dimension_semantics = [#tpu.dimension_semantics<arbitrary>, #tpu.dimension_semantics<arbitrary>], iteration_bounds = array<i64: 8, 4>, scalar_prefetch = 0 : i64, scratch_operands = 1 : i64, tpu.core_type = #tpu.core_type<tc>, window_params = [{transform_indices = @transform_0, window_bounds = array<i64: 648, 768>}, {transform_indices = @transform_1, window_bounds = array<i64: 1, 512, 768>}, {transform_indices = @transform_2, window_bounds = array<i64: 1, 512, 768>}, {transform_indices = @transform_3, window_bounds = array<i64: 1, 768, 512>}, {pipeline_mode = #tpu.pipeline_mode<synchronous>, transform_indices = @transform_4, window_bounds = array<i64: 648, 8>}, {transform_indices = @transform_5, window_bounds = array<i64: 648, 768>}]} {
    %get3A = arith.constant 0 : index
    %get3A_0 = arith.constant 0 : index
    %get3A_1 = vector.load %arg2[%get3A, %get3A_0] : memref<648x768xf32, #tpu.memory_space<vmem>>, vector<648x768xf32>
    %get3A_2 = arith.constant 0 : index
    %get3A_3 = arith.constant 0 : index
    %get3A_4 = arith.constant 0 : index
    %get3A_5 = vector.load %arg3[%get3A_2, %get3A_3, %get3A_4] : memref<1x512x768xf32, #tpu.memory_space<vmem>>, vector<1x512x768xf32>
    %get3A_6 = vector.shape_cast %get3A_5 : vector<1x512x768xf32> to vector<512x768xf32>
    %dot_general3A = arith.constant dense<0.000000e+00> : vector<648x512xf32>
    %dot_general3A_7 = tpu.matmul %get3A_1, %get3A_6, %dot_general3A {dimension_numbers = #tpu.dot_dimension_numbers<[1], [1], [0], [0], [0, 0, 1, 0], [], []>, transpose_lhs_hint = false} : vector<648x768xf32>, vector<512x768xf32>, vector<648x512xf32> -> vector<648x512xf32>
    %get3A_8 = arith.constant 0 : index
    %get3A_9 = arith.constant 0 : index
    %get3A_10 = arith.constant 0 : index
    %get3A_11 = vector.load %arg4[%get3A_8, %get3A_9, %get3A_10] : memref<1x512x768xf32, #tpu.memory_space<vmem>>, vector<1x512x768xf32>
    %get3A_12 = vector.shape_cast %get3A_11 : vector<1x512x768xf32> to vector<512x768xf32>
    %dot_general3A_13 = arith.constant dense<0.000000e+00> : vector<648x512xf32>
    %dot_general3A_14 = tpu.matmul %get3A_1, %get3A_12, %dot_general3A_13 {dimension_numbers = #tpu.dot_dimension_numbers<[1], [1], [0], [0], [0, 0, 1, 0], [], []>, transpose_lhs_hint = false} : vector<648x768xf32>, vector<512x768xf32>, vector<648x512xf32> -> vector<648x512xf32>
    %logistic3A = arith.negf %dot_general3A_7 : vector<648x512xf32>
    %logistic3A_15 = math.exp %logistic3A : vector<648x512xf32>
    %logistic3A_16 = arith.constant 1.000000e+00 : f32
    %logistic3A_17 = vector.broadcast %logistic3A_16 : f32 to vector<648x512xf32>
    %logistic3A_18 = arith.addf %logistic3A_17, %logistic3A_15 : vector<648x512xf32>
    %logistic3A_19 = arith.divf %logistic3A_17, %logistic3A_18 : vector<648x512xf32>
    %mul3A = arith.mulf %dot_general3A_7, %logistic3A_19 : vector<648x512xf32>
    %mul3A_20 = arith.mulf %mul3A, %dot_general3A_14 : vector<648x512xf32>
    %get3A_21 = arith.constant 0 : index
    %get3A_22 = arith.constant 0 : index
    %get3A_23 = arith.constant 0 : index
    %get3A_24 = vector.load %arg5[%get3A_21, %get3A_22, %get3A_23] : memref<1x768x512xf32, #tpu.memory_space<vmem>>, vector<1x768x512xf32>
    %get3A_25 = vector.shape_cast %get3A_24 : vector<1x768x512xf32> to vector<768x512xf32>
    %dot_general3A_26 = arith.constant dense<0.000000e+00> : vector<648x768xf32>
    %dot_general3A_27 = tpu.matmul %mul3A_20, %get3A_25, %dot_general3A_26 {dimension_numbers = #tpu.dot_dimension_numbers<[1], [1], [0], [0], [0, 0, 1, 0], [], []>, transpose_lhs_hint = false} : vector<648x512xf32>, vector<768x512xf32>, vector<648x768xf32> -> vector<648x768xf32>
    %eq3A = arith.constant 0 : i32
    %eq3A_28 = arith.cmpi eq, %arg1, %eq3A : i32
    %convert_element_type3A = arith.extui %eq3A_28 : i1 to i32
    %cond3A = arith.constant 0 : i32
    %cond3A_29 = arith.cmpi ne, %convert_element_type3A, %cond3A : i32
    scf.if %cond3A_29 {
      %swap3A = arith.constant 0 : index
      %swap3A_39 = arith.constant 0 : index
      %swap3A_40 = vector.load %arg8[%swap3A, %swap3A_39] : memref<648x768xf32, #tpu.memory_space<vmem>>, vector<648x768xf32>
      tpu.vector_store %arg8[%swap3A, %swap3A_39], %dot_general3A_27 {strides = array<i32>} : memref<648x768xf32, #tpu.memory_space<vmem>>, vector<648x768xf32>,
    } else {
    }
    %gt3A = arith.constant 0 : i32
    %gt3A_30 = arith.cmpi sgt, %arg1, %gt3A : i32
    %convert_element_type3A_31 = arith.extui %gt3A_30 : i1 to i32
    %cond3A_32 = arith.constant 0 : i32
    %cond3A_33 = arith.cmpi ne, %convert_element_type3A_31, %cond3A_32 : i32
    scf.if %cond3A_33 {
      %get3A_39 = arith.constant 0 : index
      %get3A_40 = arith.constant 0 : index
      %get3A_41 = vector.load %arg8[%get3A_39, %get3A_40] : memref<648x768xf32, #tpu.memory_space<vmem>>, vector<648x768xf32>
      %add3A = arith.addf %get3A_41, %dot_general3A_27 : vector<648x768xf32>
      %swap3A = arith.constant 0 : index
      %swap3A_42 = arith.constant 0 : index
      %swap3A_43 = vector.load %arg8[%swap3A, %swap3A_42] : memref<648x768xf32, #tpu.memory_space<vmem>>, vector<648x768xf32>
      tpu.vector_store %arg8[%swap3A, %swap3A_42], %add3A {strides = array<i32>} : memref<648x768xf32, #tpu.memory_space<vmem>>, vector<648x768xf32>,
    } else {
    }
    %eq3A_34 = arith.constant 3 : i32
    %eq3A_35 = arith.cmpi eq, %arg1, %eq3A_34 : i32
    %convert_element_type3A_36 = arith.extui %eq3A_35 : i1 to i32
    %cond3A_37 = arith.constant 0 : i32
    %cond3A_38 = arith.cmpi ne, %convert_element_type3A_36, %cond3A_37 : i32
    scf.if %cond3A_38 {
      %iota3A = tpu.iota {dimensions = array<i32: 1>} : vector<648x8xi32>
      %eq3A_39 = vector.broadcast %arg0 : i32 to vector<648x8xi32>
      %eq3A_40 = arith.cmpi eq, %iota3A, %eq3A_39 : vector<648x8xi32>
      %get3A_41 = arith.constant 0 : index
      %get3A_42 = arith.constant 0 : index
      %get3A_43 = vector.load %arg6[%get3A_41, %get3A_42] : memref<648x8xf32, #tpu.memory_space<vmem>>, vector<648x8xf32>
      %jit3A = arith.constant 0.000000e+00 : f32
      %broadcast_in_dim3A = vector.broadcast %jit3A : f32 to vector<648x8xf32>
      %select_n3A = arith.select %eq3A_40, %get3A_43, %broadcast_in_dim3A : vector<648x8xi1>, vector<648x8xf32>
      %reduce_sum3A = arith.constant dense<0.000000e+00> : vector<648xf32>
      %reduce_sum3A_44 = vector.multi_reduction <add>, %select_n3A, %reduce_sum3A [1] : vector<648x8xf32> to vector<648xf32>
      %broadcast_in_dim3A_45 = vector.shape_cast %reduce_sum3A_44 : vector<648xf32> to vector<648x1xf32>
      %gt3A_46 = arith.constant 0.000000e+00 : f32
      %gt3A_47 = vector.broadcast %gt3A_46 : f32 to vector<648x1xf32>
      %gt3A_48 = arith.cmpf ogt, %broadcast_in_dim3A_45, %gt3A_47 : vector<648x1xf32>
      %get3A_49 = arith.constant 0 : index
      %get3A_50 = arith.constant 0 : index
      %get3A_51 = vector.load %arg8[%get3A_49, %get3A_50] : memref<648x768xf32, #tpu.memory_space<vmem>>, vector<648x768xf32>
      %mul3A_52 = vector.broadcast %broadcast_in_dim3A_45 : vector<648x1xf32> to vector<648x768xf32>
      %mul3A_53 = arith.mulf %get3A_51, %mul3A_52 : vector<648x768xf32>
      %jit3A_54 = arith.constant 0.000000e+00 : f32
      %broadcast_in_dim3A_55 = vector.shape_cast %gt3A_48 : vector<648x1xi1> to vector<648x1xi1>
      %broadcast_in_dim3A_56 = vector.broadcast %broadcast_in_dim3A_55 : vector<648x1xi1> to vector<648x768xi1>
      %broadcast_in_dim3A_57 = vector.broadcast %jit3A_54 : f32 to vector<648x768xf32>
      %select_n3A_58 = arith.select %broadcast_in_dim3A_56, %mul3A_53, %broadcast_in_dim3A_57 : vector<648x768xi1>, vector<648x768xf32>
      %swap3A = arith.constant 0 : index
      %swap3A_59 = arith.constant 0 : index
      %swap3A_60 = vector.load %arg7[%swap3A, %swap3A_59] : memref<648x768xf32, #tpu.memory_space<vmem>>, vector<648x768xf32>
      tpu.vector_store %arg7[%swap3A, %swap3A_59], %select_n3A_58 {strides = array<i32>} : memref<648x768xf32, #tpu.memory_space<vmem>>, vector<648x768xf32>,
    } else {
    }
    return
  }
  func.func @transform_0(%arg0: i32, %arg1: i32) -> (i32, i32) {
    %c0_i32 = arith.constant 0 : i32
    %c0_i32_0 = arith.constant 0 : i32
    return %arg0, %c0_i32 : i32, i32
  }
  func.func @transform_1(%arg0: i32, %arg1: i32) -> (i32, i32, i32) {
    %c0_i32 = arith.constant 0 : i32
    %c0_i32_0 = arith.constant 0 : i32
    return %arg0, %arg1, %c0_i32 : i32, i32, i32
  }
  func.func @transform_2(%arg0: i32, %arg1: i32) -> (i32, i32, i32) {
    %add3A = arith.constant 4 : i32
    %add3A_0 = arith.addi %arg1, %add3A : i32
    %c0_i32 = arith.constant 0 : i32
    %c0_i32_1 = arith.constant 0 : i32
    return %arg0, %add3A_0, %c0_i32 : i32, i32, i32
  }
  func.func @transform_3(%arg0: i32, %arg1: i32) -> (i32, i32, i32) {
    %c0_i32 = arith.constant 0 : i32
    %c0_i32_0 = arith.constant 0 : i32
    return %arg0, %c0_i32, %arg1 : i32, i32, i32
  }
  func.func @transform_4(%arg0: i32, %arg1: i32) -> (i32, i32) {
    %c0_i32 = arith.constant 0 : i32
    %c0_i32_0 = arith.constant 0 : i32
    %c0_i32_1 = arith.constant 0 : i32
    return %c0_i32, %c0_i32_0 : i32, i32
  }
  func.func @transform_5(%arg0: i32, %arg1: i32) -> (i32, i32) {
    %c0_i32 = arith.constant 0 : i32
    %c0_i32_0 = arith.constant 0 : i32
    return %arg0, %c0_i32 : i32, i32
  }
}

module attributes {stable_mosaic.version = 14 : i64} {
  func.func @_combine_kernel(%arg0: i32, %arg1: memref<648x768xf32, #tpu.memory_space<vmem>>, %arg2: memref<648x8xi32, #tpu.memory_space<vmem>>, %arg3: memref<648x8xf32, #tpu.memory_space<vmem>>, %arg4: memref<4096x768xf32, #tpu.memory_space<vmem>>) attributes {dimension_semantics = [#tpu.dimension_semantics<arbitrary>], iteration_bounds = array<i64: 8>, scalar_prefetch = 0 : i64, scratch_operands = 0 : i64, tpu.core_type = #tpu.core_type<tc>, window_params = [{transform_indices = @transform_0, window_bounds = array<i64: 648, 768>}, {pipeline_mode = #tpu.pipeline_mode<synchronous>, transform_indices = @transform_1, window_bounds = array<i64: 648, 8>}, {pipeline_mode = #tpu.pipeline_mode<synchronous>, transform_indices = @transform_2, window_bounds = array<i64: 648, 8>}, {pipeline_mode = #tpu.pipeline_mode<synchronous>, transform_indices = @transform_3, window_bounds = array<i64: 4096, 768>}]} {
    %iota3A = tpu.iota {dimensions = array<i32: 1>} : vector<648x8xi32>
    %eq3A = vector.broadcast %arg0 : i32 to vector<648x8xi32>
    %eq3A_0 = arith.cmpi eq, %iota3A, %eq3A : vector<648x8xi32>
    %get3A = arith.constant 0 : index
    %get3A_1 = arith.constant 0 : index
    %get3A_2 = vector.load %arg2[%get3A, %get3A_1] : memref<648x8xi32, #tpu.memory_space<vmem>>, vector<648x8xi32>
    %jit3A = arith.constant 0 : i32
    %broadcast_in_dim3A = vector.broadcast %jit3A : i32 to vector<648x8xi32>
    %select_n3A = arith.select %eq3A_0, %get3A_2, %broadcast_in_dim3A : vector<648x8xi1>, vector<648x8xi32>
    %reduce_sum3A = arith.constant dense<0> : vector<648xi32>
    %reduce_sum3A_3 = vector.multi_reduction <add>, %select_n3A, %reduce_sum3A [1] : vector<648x8xi32> to vector<648xi32>
    %broadcast_in_dim3A_4 = vector.shape_cast %reduce_sum3A_3 : vector<648xi32> to vector<648x1xi32>
    %eq3A_5 = vector.broadcast %arg0 : i32 to vector<648x8xi32>
    %eq3A_6 = arith.cmpi eq, %iota3A, %eq3A_5 : vector<648x8xi32>
    %get3A_7 = arith.constant 0 : index
    %get3A_8 = arith.constant 0 : index
    %get3A_9 = vector.load %arg3[%get3A_7, %get3A_8] : memref<648x8xf32, #tpu.memory_space<vmem>>, vector<648x8xf32>
    %jit3A_10 = arith.constant 0.000000e+00 : f32
    %broadcast_in_dim3A_11 = vector.broadcast %jit3A_10 : f32 to vector<648x8xf32>
    %select_n3A_12 = arith.select %eq3A_6, %get3A_9, %broadcast_in_dim3A_11 : vector<648x8xi1>, vector<648x8xf32>
    %reduce_sum3A_13 = arith.constant dense<0.000000e+00> : vector<648xf32>
    %reduce_sum3A_14 = vector.multi_reduction <add>, %select_n3A_12, %reduce_sum3A_13 [1] : vector<648x8xf32> to vector<648xf32>
    %broadcast_in_dim3A_15 = vector.shape_cast %reduce_sum3A_14 : vector<648xf32> to vector<648x1xf32>
    %iota3A_16 = tpu.iota {dimensions = array<i32: 1>} : vector<648x4096xi32>
    %eq3A_17 = vector.broadcast %broadcast_in_dim3A_4 : vector<648x1xi32> to vector<648x4096xi32>
    %eq3A_18 = arith.cmpi eq, %eq3A_17, %iota3A_16 : vector<648x4096xi32>
    %gt3A = arith.constant 0.000000e+00 : f32
    %gt3A_19 = vector.broadcast %gt3A : f32 to vector<648x1xf32>
    %gt3A_20 = arith.cmpf ogt, %broadcast_in_dim3A_15, %gt3A_19 : vector<648x1xf32>
    %and3A = vector.broadcast %gt3A_20 : vector<648x1xi1> to vector<648x4096xi1>
    %and3A_21 = arith.andi %eq3A_18, %and3A : vector<648x4096xi1>
    %convert_element_type3A = arith.extui %and3A_21 : vector<648x4096xi1> to vector<648x4096xi32>
    %convert_element_type3A_22 = arith.sitofp %convert_element_type3A : vector<648x4096xi32> to vector<648x4096xf32>
    %get3A_23 = arith.constant 0 : index
    %get3A_24 = arith.constant 0 : index
    %get3A_25 = vector.load %arg1[%get3A_23, %get3A_24] : memref<648x768xf32, #tpu.memory_space<vmem>>, vector<648x768xf32>
    %dot_general3A = arith.constant dense<0.000000e+00> : vector<4096x768xf32>
    %dot_general3A_26 = tpu.matmul %convert_element_type3A_22, %get3A_25, %dot_general3A {dimension_numbers = #tpu.dot_dimension_numbers<[0], [0], [1], [1], [0, 1, 1, 1], [], []>, transpose_lhs_hint = false} : vector<648x4096xf32>, vector<648x768xf32>, vector<4096x768xf32> -> vector<4096x768xf32>
    %eq3A_27 = arith.constant 0 : i32
    %eq3A_28 = arith.cmpi eq, %arg0, %eq3A_27 : i32
    %convert_element_type3A_29 = arith.extui %eq3A_28 : i1 to i32
    %cond3A = arith.constant 0 : i32
    %cond3A_30 = arith.cmpi ne, %convert_element_type3A_29, %cond3A : i32
    scf.if %cond3A_30 {
      %swap3A = arith.constant 0 : index
      %swap3A_36 = arith.constant 0 : index
      %swap3A_37 = vector.load %arg4[%swap3A, %swap3A_36] : memref<4096x768xf32, #tpu.memory_space<vmem>>, vector<4096x768xf32>
      tpu.vector_store %arg4[%swap3A, %swap3A_36], %dot_general3A_26 {strides = array<i32>} : memref<4096x768xf32, #tpu.memory_space<vmem>>, vector<4096x768xf32>,
    } else {
    }
    %gt3A_31 = arith.constant 0 : i32
    %gt3A_32 = arith.cmpi sgt, %arg0, %gt3A_31 : i32
    %convert_element_type3A_33 = arith.extui %gt3A_32 : i1 to i32
    %cond3A_34 = arith.constant 0 : i32
    %cond3A_35 = arith.cmpi ne, %convert_element_type3A_33, %cond3A_34 : i32
    scf.if %cond3A_35 {
      %get3A_36 = arith.constant 0 : index
      %get3A_37 = arith.constant 0 : index
      %get3A_38 = vector.load %arg4[%get3A_36, %get3A_37] : memref<4096x768xf32, #tpu.memory_space<vmem>>, vector<4096x768xf32>
      %add3A = arith.addf %get3A_38, %dot_general3A_26 : vector<4096x768xf32>
      %swap3A = arith.constant 0 : index
      %swap3A_39 = arith.constant 0 : index
      %swap3A_40 = vector.load %arg4[%swap3A, %swap3A_39] : memref<4096x768xf32, #tpu.memory_space<vmem>>, vector<4096x768xf32>
      tpu.vector_store %arg4[%swap3A, %swap3A_39], %add3A {strides = array<i32>} : memref<4096x768xf32, #tpu.memory_space<vmem>>, vector<4096x768xf32>,
    } else {
    }
    return
  }
  func.func @transform_0(%arg0: i32) -> (i32, i32) {
    %c0_i32 = arith.constant 0 : i32
    %c0_i32_0 = arith.constant 0 : i32
    return %arg0, %c0_i32 : i32, i32
  }
  func.func @transform_1(%arg0: i32) -> (i32, i32) {
    %c0_i32 = arith.constant 0 : i32
    %c0_i32_0 = arith.constant 0 : i32
    %c0_i32_1 = arith.constant 0 : i32
    return %c0_i32, %c0_i32_0 : i32, i32
  }
  func.func @transform_2(%arg0: i32) -> (i32, i32) {
    %c0_i32 = arith.constant 0 : i32
    %c0_i32_0 = arith.constant 0 : i32
    %c0_i32_1 = arith.constant 0 : i32
    return %c0_i32, %c0_i32_0 : i32, i32
  }
  func.func @transform_3(%arg0: i32) -> (i32, i32) {
    %c0_i32 = arith.constant 0 : i32
    %c0_i32_0 = arith.constant 0 : i32
    %c0_i32_1 = arith.constant 0 : i32
    return %c0_i32, %c0_i32_0 : i32, i32
  }
}

</mosaic_0001>

<sc_bundles>
// kernel: kernel.5.cloned.1.call-start
scs
__scs_entry_jumppad:
0x0: {  	(pc) =	sbr.rel $0x88, $3  }
0x1: {  	(tag) =	ssettag $0x0;
	lr =	simm.s32 $0x1  }
0x2: {  	[smem:$0x3F97] =	sst lr;
	_ =	strace $0xD0000000  }
0x3: {  	_ = 	snop  }
0x4: {  	_ = 	snop  }
0x5: {  	_ = 	snop  }
0x6: {  	_ = 	snop  }
0x7: {  	_ = 	snop  }
__scs_overlays_trampoline_lowered:
0x8: {  	[smem:$0x3FA6] =	sst s0  }
0x9: {  	[smem:$0x3FA7] =	sst s1  }
0xa: {  	[smem:$0x3FA8] =	sst s2  }
0xb: {  	[smem:$0x3FA9] =	sst s3  }
0xc: {  	[smem:$0x3FAA] =	sst s4  }
0xd: {  	[smem:$0x3FAB] =	sst s5  }
0xe: {  	[smem:$0x3FAC] =	sst s6  }
0xf: {  	[smem:$0x3FAD] =	sst s7  }
0x10: {  	[smem:$0x3FAE] =	sst s8  }
0x11: {  	[smem:$0x3FAF] =	sst s9;
	s0 =	simm.s32 @!p0 $0x0  }
0x12: {  	s1 =	sld [smem:$0x3F95];
	s0 =	simm.s32 @p0 $0x1  }
0x13: {  	[smem:$0x3FB0] =	sst s0;
	s0 =	simm.s32 @!p1 $0x0  }
0x14: {  	s2 =	sld [smem:$0x3F94];
	s0 =	simm.s32 @p1 $0x1  }
0x15: {  	[smem:$0x3FB1] =	sst s0;
	s0 =	simm.s32 @!p2 $0x0  }
0x16: {  	s3 =	sld [smem:$0x3FDB];
	s0 =	simm.s32 @p2 $0x1  }
0x17: {  	s4 =	simm.s32 $0x1BF5;
	[smem:$0x3FB3] =	sst s0  }
0x18: {  	s0 =	sld [smem:$0x3F96];
	_ =	swait.ge [sflag:s4], $0x0  }
0x19: {  	s7 =	sld [smem:$0x3F97]  }
0x1a: {  	s8 =	sadd.s32 $0xFFFFE003, lr  }
0x1b: {  	s9 =	sadd.s32 $0xFFFFFEF7, lr;
	s5 =	simm.s32 $0xFFFFFFFF;
	p2 =	slt.u32 s8, $0xFFFFF086  }
0x1c: {  	p1 =	slt.u32 s9, $0xF7A;
	s5 =	simm.s32 @!p2 $0x0  }
0x1d: {  	s5 =	simm.s32 @p1 $0x1;
	p0 =	seq.s32 s7, s2  }
0x1e: {  	s7 =	smul.u32 @!p0 $0xF7A, s2;
	p2 =	seq.s32 @!p0 s5, $0x0  }
0x1f: {  	s9 =	smul.u32 $0xF7A, s1;
	s8 =	simm.s32 @!p0 $0x1BF5;
	p2 =	por !p2, p0  }
0x20: {  	[sflag:s8] =	ssyncset.s32 @!p0 $0xFFFFF086;
	s6 =	sadd.s32 @!p0 s3, s7;
	s7 =	simm.s32 @!p0 $0x108  }
0x21: {  	s3 =	sadd.s32 s3, s9;
	s6 =	sadd.s32 @!p0 $0x88, s6;
	s7 =	simm.s32 @p2 $0x1082  }
0x22: {  	[simem:s7], [sflag:s8] =	dma.local @!p0 [hbm:s6], $0xF7A  }
0x23: {  	s9 =	sor.u32 $0xD0000000, s2;
	s6 =	simm.s32 $0x108;
	_ =	swait.ge @!p0 [sflag:s8], $0x0  }
0x24: {  	s3 =	sadd.s32 $0x88, s3;
	s6 =	simm.s32 @!p1 $0x1082;
	[sflag:s4] =	ssyncset.s32 $0xFFFFF086  }
0x25: {  	[simem:s6], [sflag:s4] =	dma.local [hbm:s3], $0xF7A  }
0x26: {  	[smem:$0x3F97] =	sst s1;
	(tag) =	ssettag s2;
	_ =	strace s9  }
0x27: {  	s1 =	sld [smem:$0x3FA7]  }
0x28: {  	s2 =	sld [smem:$0x3FA8]  }
0x29: {  	s4 =	sld [smem:$0x3FAA]  }
0x2a: {  	p0 =	seq.s32 s5, $0x0;
	s5 =	sld [smem:$0x3FAB]  }
0x2b: {  	s6 =	sld [smem:$0x3FAC]  }
0x2c: {  	s7 =	sld [smem:$0x3FAD]  }
0x2d: {  	s3 =	simm.s32 $0x108;
	s8 =	sld [smem:$0x3FAE]  }
0x2e: {  	s3 =	simm.s32 @!p0 $0x1082;
	s9 =	sld [smem:$0x3FAF]  }
0x2f: {  	lr =	sadd.s32 s0, s3;
	s0 =	sld [smem:$0x3FA6]  }
0x30: {  	s3 =	sld [smem:$0x3FA9]  }
0x31: {  	[smem:$0x3FB2] =	sst s10  }
0x32: {  	s10 =	sld [smem:$0x3FB0];
	_ =	sdelay $0x3  }
0x33: {  	p0 =	seq.s32 s10, $0x1;
	s10 =	sld [smem:$0x3FB2];
	_ =	sdelay $0x3  }
0x34: {  	[smem:$0x3FB2] =	sst s10  }
0x35: {  	s10 =	sld [smem:$0x3FB1];
	_ =	sdelay $0x3  }
0x36: {  	p1 =	seq.s32 s10, $0x1;
	s10 =	sld [smem:$0x3FB2];
	_ =	sdelay $0x3  }
0x37: {  	[smem:$0x3FB2] =	sst s10  }
0x38: {  	s10 =	sld [smem:$0x3FB3]  }
0x39: {  	_ = 	snop;
	(pc) =	sbr.ind lr, $3  }
0x3a: {  	_ = 	snop  }
0x3b: {  	_ = 	snop  }
0x3c: {  	p2 =	seq.s32 s10, $0x1;
	s10 =	sld [smem:$0x3FB2]  }
0x3d: {  	_ =	shalt  }
0x3e: {  	_ =	shalt  }
0x3f: {  	_ =	shalt  }
0x40: {  	_ =	shalt  }
0x41: {  	_ =	shalt  }
0x42: {  	_ =	shalt  }
0x43: {  	_ =	shalt  }
0x44: {  	_ =	shalt  }
0x45: {  	_ =	shalt  }
0x46: {  	_ =	shalt  }
0x47: {  	_ =	shalt  }
0x48: {  	_ =	shalt  }
0x49: {  	_ =	shalt  }
0x4a: {  	_ =	shalt  }
0x4b: {  	_ =	shalt  }
0x4c: {  	_ =	shalt  }
0x4d: {  	_ =	shalt  }
0x4e: {  	_ =	shalt  }
0x4f: {  	_ =	shalt  }
0x50: {  	_ =	shalt  }
0x51: {  	_ =	shalt  }
0x52: {  	_ =	shalt  }
0x53: {  	_ =	shalt  }
0x54: {  	_ =	shalt  }
0x55: {  	_ =	shalt  }
0x56: {  	_ =	shalt  }
0x57: {  	_ =	shalt  }
0x58: {  	_ =	shalt  }
0x59: {  	_ =	shalt  }
0x5a: {  	_ =	shalt  }
0x5b: {  	_ =	shalt  }
0x5c: {  	_ =	shalt  }
0x5d: {  	_ =	shalt  }
0x5e: {  	_ =	shalt  }
0x5f: {  	_ =	shalt  }
0x60: {  	_ =	shalt  }
0x61: {  	_ =	shalt  }
0x62: {  	_ =	shalt  }
0x63: {  	_ =	shalt  }
0x64: {  	_ =	shalt  }
0x65: {  	_ =	shalt  }
0x66: {  	_ =	shalt  }
0x67: {  	_ =	shalt  }
0x68: {  	_ =	shalt  }
0x69: {  	_ =	shalt  }
0x6a: {  	_ =	shalt  }
0x6b: {  	_ =	shalt  }
0x6c: {  	_ =	shalt  }
0x6d: {  	_ =	shalt  }
0x6e: {  	_ =	shalt  }
0x6f: {  	_ =	shalt  }
0x70: {  	_ =	shalt  }
0x71: {  	_ =	shalt  }
0x72: {  	_ =	shalt  }
0x73: {  	_ =	shalt  }
0x74: {  	_ =	shalt  }
0x75: {  	_ =	shalt  }
0x76: {  	_ =	shalt  }
0x77: {  	_ =	shalt  }
0x78: {  	_ =	shalt  }
0x79: {  	_ =	shalt  }
0x7a: {  	_ =	shalt  }
0x7b: {  	_ =	shalt  }
0x7c: {  	_ =	shalt  }
0x7d: {  	_ =	shalt  }
0x7e: {  	_ =	shalt  }
0x7f: {  	_ =	shalt  }
0x80: {  	_ =	shalt  }
0x81: {  	_ =	shalt  }
0x82: {  	_ =	shalt  }
0x83: {  	_ =	shalt  }
0x84: {  	_ =	shalt  }
0x85: {  	_ =	shalt  }
0x86: {  	_ =	shalt  }
0x87: {  	_ =	shalt  }
.Lfunc_end0:
.L_simem_size_0:
called_computation_lowered:
.L_overlay_start_0:
0x88: {  	s2 =	sld [smem:$0x3FD9]  }
0x89: {  	s3 =	sld [smem:$0x3FFE];
	_ =	sdelay $0x1  }
0x8a: {  	s1 =	srdreg.scid  }
0x8b: {  	s0 =	sand.u32 $0x1, s1  }
0x8c: {  	s17 =	sshll.u32 s0, $0xA;
	s2 =	sadd.s32 s3, s2  }
0x8d: {  	s2 =	sadd.s32 s2, s17  }
0x8e: {  	[smem:$0x3FBE] =	sst s2  }
0x8f: {  	_ = 	snop  }
0x90: {  	s2 =	sld [smem:$0x3FC9];
	(tm) =	ssettm $0x1  }
0x91: {  	s18 =	sld [smem:$0x3FFB];
	_ =	sdelay $0x3  }
0x92: {  	_ =	strace s18  }
0x93: {  	s3 =	sld [smem:$0x3FFC];
	_ =	sdelay $0x3  }
0x94: {  	_ =	strace s3  }
0x95: {  	s3 =	sld [smem:$0x3FFD];
	_ =	sdelay $0x3  }
0x96: {  	_ =	strace s3  }
0x97: {  	_ =	strace $0x8FFFFFFF  }
0x98: {  	s19 =	sld [smem:$0x3FDB];
	_ =	sdelay $0x1  }
0x99: {  	s4 =	simm.s32 $_scs_section_size  }
0x9a: {  	s5 =	simm.s32 $_size__tile_overlayer_lowered;
	s6 =	simm.s32 $_tile_overlayer_lowered  }
0x9b: {  	s22 =	simm.s32 $0x1BFF;
	s21 =	sshll.u32 s6, $0x1;
	s3 =	sadd.s32 s4, s19  }
0x9c: {  	s7 =	simm.s32 $0x0;
	s20 =	sshll.u32 s5, $0x1;
	s5 =	sadd.s32 s21, s3  }
0x9d: {  	[timem:s7], [sflag:s22] =	dma.local [hbm:s5], s20  }
0x9e: {  	_ =	swait.ge [sflag:s22], s20  }
0x9f: {  	s4 =	ssub.s32 $0x0, s20;
	[sflag:s22] =	ssyncset.done $0x0  }
0xa0: {  	[sflag:s22] =	ssyncadd.s32 s4;
	_ =	sdelay $0x1  }
0xa1: {  	s23 =	simm.s32 $0x1B8B  }
0xa2: {  	_ =	swait.ge [sflag:s23], $0x1  }
0xa3: {  	[sflag:s23] =	ssyncset.done $0x0  }
0xa4: {  	s25 =	simm.s32 $0x1B8E;
	s24 =	sld [smem:$0x3FFE];
	[sflag:s23] =	ssyncadd.s32 $0xFFFFFFFF  }
0xa5: {  	s26 =	simm.s32 $execute0_lowered;
	[smem:$0x3FD2] =	sst s25  }
0xa6: {  	s5 =	sshll.u32 s26, $0x1;
	_ =	strace $0x80000046;
	[dreg:$0x1] =	wrdreg $0xFFFFFFFF  }
0xa7: {  	s28 =	simm.s32 $_size_execute0_lowered;
	s3 =	sadd.s32 s3, s5;
	[dreg:$0x0] =	wrdreg $0x0  }
0xa8: {  	s5 =	sshll.u32 s28, $0x1;
	[dreg:$0x2] =	wrdreg s3  }
0xa9: {  	[dreg:$0x3] =	wrdreg s5  }
0xaa: {  	[dreg:$0x4] =	wrdreg $0xC0  }
0xab: {  	_ =	task [dreg:s7], $0x5FFFF  }
0xac: {  	[dreg:$0x1] =	wrdreg $0xFFFFFFFF  }
0xad: {  	[dreg:$0x0] =	wrdreg $0x60  }
0xae: {  	[dreg:$0x2] =	wrdreg s2  }
0xaf: {  	[dreg:$0x3] =	wrdreg s24  }
0xb0: {  	[dreg:$0x4] =	wrdreg $0x9  }
0xb1: {  	_ =	task.clear_ibuf [dreg:s7], $0x5FFFF;
	_ =	strace $0x90000046  }
0xb2: {  	s29 =	simm.s32 $0x9;
	_ =	strace $0x80000048  }
0xb3: {  	_ =	swait.ge [sflag:s29], $0x1  }
0xb4: {  	[sflag:s29] =	ssyncadd.s32 $0xFFFFFFFF  }
0xb5: {  	_ =	strace $0x90000048  }
0xb6: {  	_ =	sfence  }
0xb7: {  	s30 =	sld [smem:$0x0];
	_ =	sdelay $0x2  }
0xb8: {  	s31 =	sshll.u32 s1, $0xD;
	s1 =	sshrl.u32 s1, $0x2  }
0xb9: {  	s3 =	sand.u32 $0x4000, s31;
	s1 =	sadd.s32 s1, s30  }
0xba: {  	s0 =	sor.u32 s3, s0;
	s1 =	sshll.u32 s1, $0x11  }
0xbb: {  	s0 =	sor.u32 s1, s0  }
0xbc: {  	s0 =	sadd.s32 $0x8F2B, s0  }
0xbd: {  	[sflag:s0] =	ssyncadd.remote.s32 $0x1  }
0xbe: {  	_ =	sfence.sel $0xFFFF  }
0xbf: {  	[dreg:$0x0] =	wrdreg $0xFFFFFFFF;
	(pc) =	sbr.abs _section_cstart, $3  }
0xc0: {  	[dreg:$0x1] =	wrdreg $0xFFFFFFFF  }
0xc1: {  	_ =	task.clear_ibuf [dreg:s7], $0x2FFFF;
	_ =	strace $0x9FFFFFFF  }
0xc2: {  	(tm) =	ssettm $0x7FFFFFFF  }
0xc3: {  	_ =	shalt  }
tec
execute0_lowered:
.L_overlay_start_1:
0x0: {  	(tag) =	ssettag $0x1  }
0x1: {  	s1 =	srdreg.scid;
	s0 =	stileid.u32  }
0x2: {  	s1 =	sand.u32 $0x1, s1;
	s2 =	sshll.u32 s0, $0x1  }
0x3: {  	s3 =	sor.u32 s1, s2  }
0x4: {  	s4 =	rddreg [dreg:$0x1];
	s3 =	smul.u32 $0xA8, s3  }
0x5: {  	s2 =	rddreg [dreg:$0x0]  }
0x6: {  	s5 =	sshrl.u32 s3, $0x3;
	s6 =	sadd.s32 $0x38, s3;
	s3 =	simm.s32 $0x0  }
0x7: {  	s26 =	simm.s32 $0x900;
	[smem:$0x7FF] =	sst s3  }
0x8: {  	s0 =	simm.s32 $0x1100;
	_ =	strace $0x80000047;
	[dreg:$0x6] =	wrdreg s26  }
0x9: {  	s9 =	simm.s32 $0x3100;
	[dreg:$0x7] =	wrdreg s0  }
0xa: {  	s10 =	simm.s32 $0x3900;
	[dreg:$0xb] =	wrdreg s9  }
0xb: {  	s11 =	simm.s32 $0x4100;
	[dreg:$0xc] =	wrdreg s10  }
0xc: {  	s12 =	simm.s32 $0x4900;
	[dreg:$0xd] =	wrdreg s11  }
0xd: {  	s13 =	simm.s32 $0x5100;
	[dreg:$0xe] =	wrdreg s12  }
0xe: {  	s14 =	simm.s32 $0x5900;
	[dreg:$0xf] =	wrdreg s13  }
0xf: {  	s15 =	simm.s32 $0x6100;
	[dreg:$0x10] =	wrdreg s14  }
0x10: {  	s16 =	simm.s32 $0x6900;
	[dreg:$0x11] =	wrdreg s15  }
0x11: {  	s17 =	simm.s32 $0x7100;
	[dreg:$0x12] =	wrdreg s16  }
0x12: {  	s18 =	simm.s32 $0x7900;
	[dreg:$0x13] =	wrdreg s17  }
0x13: {  	s19 =	simm.s32 $0x8100;
	[dreg:$0x14] =	wrdreg s18  }
0x14: {  	s20 =	simm.s32 $0x8900;
	[dreg:$0x15] =	wrdreg s19  }
0x15: {  	s21 =	simm.s32 $0x9100;
	s22 =	simm.s32 $0x9900;
	[dreg:$0x16] =	wrdreg s20  }
0x16: {  	s7 =	smul.u32 $0x300, s5;
	s5 =	sadd.s32 s5, s4;
	[dreg:$0x17] =	wrdreg s21  }
0x17: {  	s23 =	sadd.s32 $0x3E00, s5;
	[dreg:$0x18] =	wrdreg s22  }
0x18: {  	s26 =	simm.s32 $0xC100;
	[dreg:$0x3] =	wrdreg s23  }
0x19: {  	s0 =	simm.s32 $0xC900;
	[dreg:$0x1c] =	wrdreg s26  }
0x1a: {  	s28 =	simm.s32 $0x1F100;
	s9 =	simm.s32 $0xE900;
	[dreg:$0x1d] =	wrdreg s0  }
0x1b: {  	s29 =	simm.s32 $0x1;
	s10 =	simm.s32 $0xF100;
	[smem:$0x7ED] =	sst s9  }
0x1c: {  	s30 =	simm.s32 $0x2;
	s11 =	simm.s32 $0xF900;
	[smem:$0x7EE] =	sst s10  }
0x1d: {  	s31 =	simm.s32 $0x3;
	s12 =	simm.s32 $0x10100;
	[smem:$0x7EF] =	sst s11  }
0x1e: {  	s8 =	sadd.s32 $0x4200, s4;
	s13 =	simm.s32 $0x10900;
	[smem:$0x7F0] =	sst s12  }
0x1f: {  	s1 =	ssub.s32 $0x2, s1;
	s14 =	simm.s32 $0x11100;
	[smem:$0x7F1] =	sst s13  }
0x20: {  	s6 =	sshrl.u32 s6, $0x3;
	s15 =	simm.s32 $0x11900;
	[smem:$0x7F2] =	sst s14  }
0x21: {  	s6 =	smul.u32 $0x300, s6;
	s16 =	simm.s32 $0x12100;
	[smem:$0x7F3] =	sst s15  }
0x22: {  	s17 =	sshrl.u32 s1, $0x1;
	s18 =	simm.s32 $0x12900;
	[smem:$0x7F4] =	sst s16  }
0x23: {  	s19 =	simm.s32 $0x13100;
	s5 =	sadd.s32 $0x100, s2;
	[smem:$0x7F5] =	sst s18  }
0x24: {  	s20 =	simm.s32 $0x13900;
	s21 =	simm.s32 $0x14100;
	[smem:$0x7F6] =	sst s19  }
0x25: {  	s22 =	simm.s32 $0x14900;
	s4 =	sadd.s32 s8, s7;
	[smem:$0x7F7] =	sst s20  }
0x26: {  	s7 =	simm.s32 $0x2100;
	s23 =	simm.s32 $0xA100;
	[smem:$0x7F8] =	sst s21  }
0x27: {  	s1 =	ssub.s32 s1, s17;
	[smem:$0x7F9] =	sst s22;
	s9 =	simm.s32 $0x100  }
0x28: {  	s10 =	simm.s32 $0xA900;
	s11 =	simm.s32 $0x15100;
	s26 =	simm.s32 $0x17100  }
0x29: {  	s13 =	simm.s32 $0x18100;
	s14 =	simm.s32 $0x18900;
	[dreg:$0x9] =	wrdreg s7  }
0x2a: {  	s15 =	simm.s32 $0x19100;
	s16 =	simm.s32 $0x19900;
	[dreg:$0x19] =	wrdreg s23  }
0x2b: {  	s17 =	simm.s32 $0x1A100;
	s24 =	sadd.s32 s8, s6;
	[smem:$0x7FD] =	sst s26  }
0x2c: {  	s18 =	simm.s32 $0x1A900;
	s25 =	sadd.s32 $0x2A00, s4;
	[dreg:$0x4] =	wrdreg s24  }
0x2d: {  	s19 =	simm.s32 $0x1B100;
	s6 =	simm.s32 $0x1900;
	[dreg:$0x5] =	wrdreg s25  }
0x2e: {  	s20 =	simm.s32 $0x1B900;
	s8 =	simm.s32 $0x2900;
	[dreg:$0x8] =	wrdreg s6  }
0x2f: {  	s21 =	simm.s32 $0x1C100;
	s7 =	simm.s32 $0xD900;
	[dreg:$0xa] =	wrdreg s8  }
0x30: {  	s22 =	simm.s32 $0x1C900;
	s23 =	simm.s32 $0x15900;
	[dreg:$0x1f] =	wrdreg s7  }
0x31: {  	s26 =	simm.s32 $0x1E900;
	s24 =	simm.s32 $0xB100;
	[smem:$0x7FA] =	sst s23  }
0x32: {  	s25 =	simm.s32 $0xB900;
	s6 =	simm.s32 $0xD100;
	[dreg:$0x1a] =	wrdreg s24  }
0x33: {  	s8 =	simm.s32 $0xE100;
	s7 =	smax.u32 s1, $0x1;
	[dreg:$0x1b] =	wrdreg s25  }
0x34: {  	s23 =	simm.s32 $0x1D100;
	s1 =	simm.s32 $0x4;
	[dreg:$0x1e] =	wrdreg s6  }
0x35: {  	v0 =	vlaneseq.u32;
	[smem:$0x7EC] =	sst s8;
	s6 =	sadd.s32 $0x200, s2;
	s24 =	simm.s32 $0x16100  }
0x36: {  	v1 =	vshrl.u32 v0, $0x3;
	s8 =	simm.s32 $0x5;
	s25 =	simm.s32 $0x16900;
	[smem:$0x7FB] =	sst s24  }
0x37: {  	vm0 =	vmmov $0xffff;
	v0 =	vand.u32 $0x7, v0;
	v1 =	vmul.u32 $0x8, v1;
	[smem:$0x7FC] =	sst s25;
	s24 =	simm.s32 $0x1D900;
	s25 =	simm.s32 $0x1E100  }
.LBB2_1:
0x38: {  	s0 =	rddreg [dreg:$0x3]  }
0x39: {  	[tilespmem:s3], [sflag:$0x5] =	stream.linear.gather [hbm4b:s0+s3], $0xA8, $0x38;
	[tilespmem:$0x1F900] =	vst v63  }
0x3a: {  	_ =	swait.ge [sflag:s8], $0xA8  }
0x3b: {  	[sflag:s8] =	ssyncset.done $0x0  }
0x3c: {  	[sflag:s8] =	ssyncadd.s32 $0xFFFFFF58  }
0x3d: {  	v2 =	vld.msk [tilespmem:$0x0], $0xff;
	_ =	sdelay $0x4  }
0x3e: {  	v3 =	vshrl.u32 v2, $0x3  }
0x3f: {  	v3 =	vmul.u32 $0x30, v3  }
0x40: {  	v2 =	vand.u32 $0x7, v2  }
0x41: {  	v2 =	vor.u32 v2, v3  }
0x42: {  	v2 =	vperm.xlane v2, v0;
	_ =	sdelay $0x1  }
0x43: {  	v2 =	vadd.s32 v1, v2;
	_ =	sdelay $0x4  }
0x44: {  	[tilespmem:s9], [sflag:$0x1] =	stream.indirect_vreg.gather [hbm4b:s2+s3], $0x80, v2, vm0, $0xb8;
	[tilespmem:$0x1F900] =	vst v63  }
0x45: {  	s0 =	rddreg [dreg:$0x6]  }
0x46: {  	[tilespmem:s0], [sflag:$0x1] =	stream.indirect_vreg.gather [hbm4b:s5+s3], $0x80, v2, vm0, $0xb8;
	[tilespmem:$0x1F900] =	vst v63  }
0x47: {  	s12 =	rddreg [dreg:$0x7]  }
0x48: {  	[tilespmem:s12], [sflag:$0x1] =	stream.indirect_vreg.gather [hbm4b:s6+s3], $0x80, v2, vm0, $0xb8;
	[tilespmem:$0x1F900] =	vst v63  }
0x49: {  	v2 =	vld.msk [tilespmem:$0x8], $0xff;
	_ =	sdelay $0x4  }
0x4a: {  	v3 =	vshrl.u32 v2, $0x3  }
0x4b: {  	v3 =	vmul.u32 $0x30, v3  }
0x4c: {  	v2 =	vand.u32 $0x7, v2  }
0x4d: {  	v2 =	vor.u32 v2, v3  }
0x4e: {  	v2 =	vperm.xlane v2, v0;
	_ =	sdelay $0x1  }
0x4f: {  	v2 =	vadd.s32 v1, v2;
	_ =	sdelay $0x3  }
0x50: {  	s0 =	rddreg [dreg:$0x8]  }
0x51: {  	[tilespmem:s0], [sflag:$0x1] =	stream.indirect_vreg.gather [hbm4b:s2+s3], $0x80, v2, vm0, $0xb8;
	[tilespmem:$0x1F900] =	vst v63  }
0x52: {  	s12 =	rddreg [dreg:$0x9]  }
0x53: {  	[tilespmem:s12], [sflag:$0x1] =	stream.indirect_vreg.gather [hbm4b:s5+s3], $0x80, v2, vm0, $0xb8;
	[tilespmem:$0x1F900] =	vst v63  }
0x54: {  	s0 =	rddreg [dreg:$0xa]  }
0x55: {  	[tilespmem:s0], [sflag:$0x1] =	stream.indirect_vreg.gather [hbm4b:s6+s3], $0x80, v2, vm0, $0xb8;
	[tilespmem:$0x1F900] =	vst v63  }
0x56: {  	v2 =	vld.msk [tilespmem:$0x10], $0xff;
	_ =	sdelay $0x4  }
0x57: {  	v3 =	vshrl.u32 v2, $0x3  }
0x58: {  	v3 =	vmul.u32 $0x30, v3  }
0x59: {  	v2 =	vand.u32 $0x7, v2  }
0x5a: {  	v2 =	vor.u32 v2, v3  }
0x5b: {  	v2 =	vperm.xlane v2, v0;
	_ =	sdelay $0x1  }
0x5c: {  	v2 =	vadd.s32 v1, v2;
	_ =	sdelay $0x3  }
0x5d: {  	s0 =	rddreg [dreg:$0xb]  }
0x5e: {  	[tilespmem:s0], [sflag:$0x1] =	stream.indirect_vreg.gather [hbm4b:s2+s3], $0x80, v2, vm0, $0xb8;
	[tilespmem:$0x1F900] =	vst v63  }
0x5f: {  	s12 =	rddreg [dreg:$0xc]  }
0x60: {  	[tilespmem:s12], [sflag:$0x1] =	stream.indirect_vreg.gather [hbm4b:s5+s3], $0x80, v2, vm0, $0xb8;
	[tilespmem:$0x1F900] =	vst v63  }
0x61: {  	s0 =	rddreg [dreg:$0xd]  }
0x62: {  	[tilespmem:s0], [sflag:$0x1] =	stream.indirect_vreg.gather [hbm4b:s6+s3], $0x80, v2, vm0, $0xb8;
	[tilespmem:$0x1F900] =	vst v63  }
0x63: {  	v2 =	vld.msk [tilespmem:$0x18], $0xff;
	_ =	sdelay $0x4  }
0x64: {  	v3 =	vshrl.u32 v2, $0x3  }
0x65: {  	v3 =	vmul.u32 $0x30, v3  }
0x66: {  	v2 =	vand.u32 $0x7, v2  }
0x67: {  	v2 =	vor.u32 v2, v3  }
0x68: {  	v2 =	vperm.xlane v2, v0;
	_ =	sdelay $0x1  }
0x69: {  	v2 =	vadd.s32 v1, v2;
	_ =	sdelay $0x3  }
0x6a: {  	s0 =	rddreg [dreg:$0xe]  }
0x6b: {  	[tilespmem:s0], [sflag:$0x1] =	stream.indirect_vreg.gather [hbm4b:s2+s3], $0x80, v2, vm0, $0xb8;
	[tilespmem:$0x1F900] =	vst v63  }
0x6c: {  	s12 =	rddreg [dreg:$0xf]  }
0x6d: {  	[tilespmem:s12], [sflag:$0x1] =	stream.indirect_vreg.gather [hbm4b:s5+s3], $0x80, v2, vm0, $0xb8;
	[tilespmem:$0x1F900] =	vst v63  }
0x6e: {  	s0 =	rddreg [dreg:$0x10]  }
0x6f: {  	[tilespmem:s0], [sflag:$0x1] =	stream.indirect_vreg.gather [hbm4b:s6+s3], $0x80, v2, vm0, $0xb8;
	[tilespmem:$0x1F900] =	vst v63  }
0x70: {  	v2 =	vld.msk [tilespmem:$0x20], $0xff;
	_ =	sdelay $0x4  }
0x71: {  	v3 =	vshrl.u32 v2, $0x3  }
0x72: {  	v3 =	vmul.u32 $0x30, v3  }
0x73: {  	v2 =	vand.u32 $0x7, v2  }
0x74: {  	v2 =	vor.u32 v2, v3  }
0x75: {  	v2 =	vperm.xlane v2, v0;
	_ =	sdelay $0x1  }
0x76: {  	v2 =	vadd.s32 v1, v2;
	_ =	sdelay $0x3  }
0x77: {  	s0 =	rddreg [dreg:$0x11]  }
0x78: {  	[tilespmem:s0], [sflag:$0x1] =	stream.indirect_vreg.gather [hbm4b:s2+s3], $0x80, v2, vm0, $0xb8;
	[tilespmem:$0x1F900] =	vst v63  }
0x79: {  	s12 =	rddreg [dreg:$0x12]  }
0x7a: {  	[tilespmem:s12], [sflag:$0x1] =	stream.indirect_vreg.gather [hbm4b:s5+s3], $0x80, v2, vm0, $0xb8;
	[tilespmem:$0x1F900] =	vst v63  }
0x7b: {  	s0 =	rddreg [dreg:$0x13]  }
0x7c: {  	[tilespmem:s0], [sflag:$0x1] =	stream.indirect_vreg.gather [hbm4b:s6+s3], $0x80, v2, vm0, $0xb8;
	[tilespmem:$0x1F900] =	vst v63  }
0x7d: {  	v2 =	vld.msk [tilespmem:$0x28], $0xff;
	_ =	sdelay $0x4  }
0x7e: {  	v3 =	vshrl.u32 v2, $0x3  }
0x7f: {  	v3 =	vmul.u32 $0x30, v3  }
0x80: {  	v2 =	vand.u32 $0x7, v2  }
0x81: {  	v2 =	vor.u32 v2, v3  }
0x82: {  	v2 =	vperm.xlane v2, v0;
	_ =	sdelay $0x1  }
0x83: {  	v2 =	vadd.s32 v1, v2;
	_ =	sdelay $0x3  }
0x84: {  	s0 =	rddreg [dreg:$0x14]  }
0x85: {  	[tilespmem:s0], [sflag:$0x1] =	stream.indirect_vreg.gather [hbm4b:s2+s3], $0x80, v2, vm0, $0xb8;
	[tilespmem:$0x1F900] =	vst v63  }
0x86: {  	s12 =	rddreg [dreg:$0x15]  }
0x87: {  	[tilespmem:s12], [sflag:$0x1] =	stream.indirect_vreg.gather [hbm4b:s5+s3], $0x80, v2, vm0, $0xb8;
	[tilespmem:$0x1F900] =	vst v63  }
0x88: {  	s0 =	rddreg [dreg:$0x16]  }
0x89: {  	[tilespmem:s0], [sflag:$0x1] =	stream.indirect_vreg.gather [hbm4b:s6+s3], $0x80, v2, vm0, $0xb8;
	[tilespmem:$0x1F900] =	vst v63  }
0x8a: {  	v2 =	vld.msk [tilespmem:$0x30], $0xff;
	_ =	sdelay $0x4  }
0x8b: {  	v3 =	vshrl.u32 v2, $0x3  }
0x8c: {  	v3 =	vmul.u32 $0x30, v3  }
0x8d: {  	v2 =	vand.u32 $0x7, v2  }
0x8e: {  	v2 =	vor.u32 v2, v3  }
0x8f: {  	v2 =	vperm.xlane v2, v0;
	_ =	sdelay $0x1  }
0x90: {  	v2 =	vadd.s32 v1, v2;
	_ =	sdelay $0x3  }
0x91: {  	s0 =	rddreg [dreg:$0x17]  }
0x92: {  	[tilespmem:s0], [sflag:$0x1] =	stream.indirect_vreg.gather [hbm4b:s2+s3], $0x80, v2, vm0, $0xb8;
	[tilespmem:$0x1F900] =	vst v63  }
0x93: {  	s12 =	rddreg [dreg:$0x18]  }
0x94: {  	[tilespmem:s12], [sflag:$0x1] =	stream.indirect_vreg.gather [hbm4b:s5+s3], $0x80, v2, vm0, $0xb8;
	[tilespmem:$0x1F900] =	vst v63  }
0x95: {  	s0 =	rddreg [dreg:$0x19]  }
0x96: {  	[tilespmem:s0], [sflag:$0x1] =	stream.indirect_vreg.gather [hbm4b:s6+s3], $0x80, v2, vm0, $0xb8;
	[tilespmem:$0x1F900] =	vst v63  }
0x97: {  	v2 =	vld.msk [tilespmem:$0x38], $0xff;
	_ =	sdelay $0x4  }
0x98: {  	v3 =	vshrl.u32 v2, $0x3  }
0x99: {  	v3 =	vmul.u32 $0x30, v3  }
0x9a: {  	v2 =	vand.u32 $0x7, v2  }
0x9b: {  	v2 =	vor.u32 v2, v3  }
0x9c: {  	v2 =	vperm.xlane v2, v0;
	_ =	sdelay $0x1  }
0x9d: {  	v2 =	vadd.s32 v1, v2;
	_ =	sdelay $0x4  }
0x9e: {  	[tilespmem:s10], [sflag:$0x2] =	stream.indirect_vreg.gather [hbm4b:s2+s3], $0x80, v2, vm0, $0xb8;
	[tilespmem:$0x1F900] =	vst v63  }
0x9f: {  	s0 =	rddreg [dreg:$0x1a]  }
0xa0: {  	[tilespmem:s0], [sflag:$0x2] =	stream.indirect_vreg.gather [hbm4b:s5+s3], $0x80, v2, vm0, $0xb8;
	[tilespmem:$0x1F900] =	vst v63  }
0xa1: {  	s12 =	rddreg [dreg:$0x1b]  }
0xa2: {  	[tilespmem:s12], [sflag:$0x2] =	stream.indirect_vreg.gather [hbm4b:s6+s3], $0x80, v2, vm0, $0xb8;
	[tilespmem:$0x1F900] =	vst v63  }
0xa3: {  	v2 =	vld.msk [tilespmem:$0x40], $0xff;
	_ =	sdelay $0x4  }
0xa4: {  	v3 =	vshrl.u32 v2, $0x3  }
0xa5: {  	v3 =	vmul.u32 $0x30, v3  }
0xa6: {  	v2 =	vand.u32 $0x7, v2  }
0xa7: {  	v2 =	vor.u32 v2, v3  }
0xa8: {  	v2 =	vperm.xlane v2, v0;
	_ =	sdelay $0x1  }
0xa9: {  	v2 =	vadd.s32 v1, v2;
	_ =	sdelay $0x3  }
0xaa: {  	s0 =	rddreg [dreg:$0x1c]  }
0xab: {  	[tilespmem:s0], [sflag:$0x2] =	stream.indirect_vreg.gather [hbm4b:s2+s3], $0x80, v2, vm0, $0xb8;
	[tilespmem:$0x1F900] =	vst v63  }
0xac: {  	s12 =	rddreg [dreg:$0x1d]  }
0xad: {  	[tilespmem:s12], [sflag:$0x2] =	stream.indirect_vreg.gather [hbm4b:s5+s3], $0x80, v2, vm0, $0xb8;
	[tilespmem:$0x1F900] =	vst v63  }
0xae: {  	s0 =	rddreg [dreg:$0x1e]  }
0xaf: {  	[tilespmem:s0], [sflag:$0x2] =	stream.indirect_vreg.gather [hbm4b:s6+s3], $0x80, v2, vm0, $0xb8;
	[tilespmem:$0x1F900] =	vst v63  }
0xb0: {  	v2 =	vld.msk [tilespmem:$0x48], $0xff;
	_ =	sdelay $0x4  }
0xb1: {  	v3 =	vshrl.u32 v2, $0x3  }
0xb2: {  	v3 =	vmul.u32 $0x30, v3  }
0xb3: {  	v2 =	vand.u32 $0x7, v2  }
0xb4: {  	v2 =	vor.u32 v2, v3  }
0xb5: {  	v2 =	vperm.xlane v2, v0;
	_ =	sdelay $0x1  }
0xb6: {  	v2 =	vadd.s32 v1, v2;
	_ =	sdelay $0x2  }
0xb7: {  	s12 =	sld [smem:$0x7EC]  }
0xb8: {  	s0 =	rddreg [dreg:$0x1f]  }
0xb9: {  	[tilespmem:s0], [sflag:$0x2] =	stream.indirect_vreg.gather [hbm4b:s2+s3], $0x80, v2, vm0, $0xb8;
	[tilespmem:$0x1F900] =	vst v63  }
0xba: {  	s0 =	sld [smem:$0x7ED]  }
0xbb: {  	[tilespmem:s12], [sflag:$0x2] =	stream.indirect_vreg.gather [hbm4b:s5+s3], $0x80, v2, vm0, $0xb8;
	[tilespmem:$0x1F900] =	vst v63  }
0xbc: {  	_ = 	snop  }
0xbd: {  	[tilespmem:s0], [sflag:$0x2] =	stream.indirect_vreg.gather [hbm4b:s6+s3], $0x80, v2, vm0, $0xb8;
	[tilespmem:$0x1F900] =	vst v63  }
0xbe: {  	v2 =	vld.msk [tilespmem:$0x50], $0xff;
	_ =	sdelay $0x4  }
0xbf: {  	v3 =	vshrl.u32 v2, $0x3  }
0xc0: {  	v3 =	vmul.u32 $0x30, v3  }
0xc1: {  	v2 =	vand.u32 $0x7, v2  }
0xc2: {  	v2 =	vor.u32 v2, v3  }
0xc3: {  	v2 =	vperm.xlane v2, v0;
	_ =	sdelay $0x1  }
0xc4: {  	v2 =	vadd.s32 v1, v2;
	_ =	sdelay $0x1  }
0xc5: {  	s0 =	sld [smem:$0x7EE];
	_ =	sdelay $0x1  }
0xc6: {  	s12 =	sld [smem:$0x7EF]  }
0xc7: {  	[tilespmem:s0], [sflag:$0x2] =	stream.indirect_vreg.gather [hbm4b:s2+s3], $0x80, v2, vm0, $0xb8;
	[tilespmem:$0x1F900] =	vst v63  }
0xc8: {  	s0 =	sld [smem:$0x7F0]  }
0xc9: {  	[tilespmem:s12], [sflag:$0x2] =	stream.indirect_vreg.gather [hbm4b:s5+s3], $0x80, v2, vm0, $0xb8;
	[tilespmem:$0x1F900] =	vst v63  }
0xca: {  	_ = 	snop  }
0xcb: {  	[tilespmem:s0], [sflag:$0x2] =	stream.indirect_vreg.gather [hbm4b:s6+s3], $0x80, v2, vm0, $0xb8;
	[tilespmem:$0x1F900] =	vst v63  }
0xcc: {  	v2 =	vld.msk [tilespmem:$0x58], $0xff;
	_ =	sdelay $0x4  }
0xcd: {  	v3 =	vshrl.u32 v2, $0x3  }
0xce: {  	v3 =	vmul.u32 $0x30, v3  }
0xcf: {  	v2 =	vand.u32 $0x7, v2  }
0xd0: {  	v2 =	vor.u32 v2, v3  }
0xd1: {  	v2 =	vperm.xlane v2, v0;
	_ =	sdelay $0x1  }
0xd2: {  	v2 =	vadd.s32 v1, v2;
	_ =	sdelay $0x1  }
0xd3: {  	s0 =	sld [smem:$0x7F1];
	_ =	sdelay $0x1  }
0xd4: {  	s12 =	sld [smem:$0x7F2]  }
0xd5: {  	[tilespmem:s0], [sflag:$0x2] =	stream.indirect_vreg.gather [hbm4b:s2+s3], $0x80, v2, vm0, $0xb8;
	[tilespmem:$0x1F900] =	vst v63  }
0xd6: {  	s0 =	sld [smem:$0x7F3]  }
0xd7: {  	[tilespmem:s12], [sflag:$0x2] =	stream.indirect_vreg.gather [hbm4b:s5+s3], $0x80, v2, vm0, $0xb8;
	[tilespmem:$0x1F900] =	vst v63  }
0xd8: {  	_ = 	snop  }
0xd9: {  	[tilespmem:s0], [sflag:$0x2] =	stream.indirect_vreg.gather [hbm4b:s6+s3], $0x80, v2, vm0, $0xb8;
	[tilespmem:$0x1F900] =	vst v63  }
0xda: {  	v2 =	vld.msk [tilespmem:$0x60], $0xff;
	_ =	sdelay $0x4  }
0xdb: {  	v3 =	vshrl.u32 v2, $0x3  }
0xdc: {  	v3 =	vmul.u32 $0x30, v3  }
0xdd: {  	v2 =	vand.u32 $0x7, v2  }
0xde: {  	v2 =	vor.u32 v2, v3  }
0xdf: {  	v2 =	vperm.xlane v2, v0;
	_ =	sdelay $0x1  }
0xe0: {  	v2 =	vadd.s32 v1, v2;
	_ =	sdelay $0x1  }
0xe1: {  	s0 =	sld [smem:$0x7F4];
	_ =	sdelay $0x1  }
0xe2: {  	s12 =	sld [smem:$0x7F5]  }
0xe3: {  	[tilespmem:s0], [sflag:$0x2] =	stream.indirect_vreg.gather [hbm4b:s2+s3], $0x80, v2, vm0, $0xb8;
	[tilespmem:$0x1F900] =	vst v63  }
0xe4: {  	s0 =	sld [smem:$0x7F6]  }
0xe5: {  	[tilespmem:s12], [sflag:$0x2] =	stream.indirect_vreg.gather [hbm4b:s5+s3], $0x80, v2, vm0, $0xb8;
	[tilespmem:$0x1F900] =	vst v63  }
0xe6: {  	_ = 	snop  }
0xe7: {  	[tilespmem:s0], [sflag:$0x2] =	stream.indirect_vreg.gather [hbm4b:s6+s3], $0x80, v2, vm0, $0xb8;
	[tilespmem:$0x1F900] =	vst v63  }
0xe8: {  	v2 =	vld.msk [tilespmem:$0x68], $0xff;
	_ =	sdelay $0x4  }
0xe9: {  	v3 =	vshrl.u32 v2, $0x3  }
0xea: {  	v3 =	vmul.u32 $0x30, v3  }
0xeb: {  	v2 =	vand.u32 $0x7, v2  }
0xec: {  	v2 =	vor.u32 v2, v3  }
0xed: {  	v2 =	vperm.xlane v2, v0;
	_ =	sdelay $0x1  }
0xee: {  	v2 =	vadd.s32 v1, v2;
	_ =	sdelay $0x1  }
0xef: {  	s0 =	sld [smem:$0x7F7];
	_ =	sdelay $0x1  }
0xf0: {  	s12 =	sld [smem:$0x7F8]  }
0xf1: {  	[tilespmem:s0], [sflag:$0x2] =	stream.indirect_vreg.gather [hbm4b:s2+s3], $0x80, v2, vm0, $0xb8;
	[tilespmem:$0x1F900] =	vst v63  }
0xf2: {  	s0 =	sld [smem:$0x7F9]  }
0xf3: {  	[tilespmem:s12], [sflag:$0x2] =	stream.indirect_vreg.gather [hbm4b:s5+s3], $0x80, v2, vm0, $0xb8;
	[tilespmem:$0x1F900] =	vst v63  }
0xf4: {  	_ = 	snop  }
0xf5: {  	[tilespmem:s0], [sflag:$0x2] =	stream.indirect_vreg.gather [hbm4b:s6+s3], $0x80, v2, vm0, $0xb8;
	[tilespmem:$0x1F900] =	vst v63  }
0xf6: {  	v2 =	vld.msk [tilespmem:$0x70], $0xff;
	_ =	sdelay $0x4  }
0xf7: {  	v3 =	vshrl.u32 v2, $0x3  }
0xf8: {  	v3 =	vmul.u32 $0x30, v3  }
0xf9: {  	v2 =	vand.u32 $0x7, v2  }
0xfa: {  	v2 =	vor.u32 v2, v3  }
0xfb: {  	v2 =	vperm.xlane v2, v0;
	_ =	sdelay $0x1  }
0xfc: {  	v2 =	vadd.s32 v1, v2;
	_ =	sdelay $0x3  }
0xfd: {  	s0 =	sld [smem:$0x7FA]  }
0xfe: {  	[tilespmem:s11], [sflag:$0x3] =	stream.indirect_vreg.gather [hbm4b:s2+s3], $0x80, v2, vm0, $0xb8;
	[tilespmem:$0x1F900] =	vst v63  }
0xff: {  	s12 =	sld [smem:$0x7FB]  }
0x100: {  	[tilespmem:s0], [sflag:$0x3] =	stream.indirect_vreg.gather [hbm4b:s5+s3], $0x80, v2, vm0, $0xb8;
	[tilespmem:$0x1F900] =	vst v63  }
0x101: {  	_ = 	snop  }
0x102: {  	[tilespmem:s12], [sflag:$0x3] =	stream.indirect_vreg.gather [hbm4b:s6+s3], $0x80, v2, vm0, $0xb8;
	[tilespmem:$0x1F900] =	vst v63  }
0x103: {  	v2 =	vld.msk [tilespmem:$0x78], $0xff;
	_ =	sdelay $0x4  }
0x104: {  	v3 =	vshrl.u32 v2, $0x3  }
0x105: {  	v3 =	vmul.u32 $0x30, v3  }
0x106: {  	v2 =	vand.u32 $0x7, v2  }
0x107: {  	v2 =	vor.u32 v2, v3  }
0x108: {  	v2 =	vperm.xlane v2, v0;
	_ =	sdelay $0x1  }
0x109: {  	v2 =	vadd.s32 v1, v2;
	_ =	sdelay $0x1  }
0x10a: {  	s0 =	sld [smem:$0x7FC];
	_ =	sdelay $0x1  }
0x10b: {  	s12 =	sld [smem:$0x7FD]  }
0x10c: {  	[tilespmem:s0], [sflag:$0x3] =	stream.indirect_vreg.gather [hbm4b:s2+s3], $0x80, v2, vm0, $0xb8;
	[tilespmem:$0x1F900] =	vst v63  }
0x10d: {  	_ = 	snop  }
0x10e: {  	[tilespmem:s12], [sflag:$0x3] =	stream.indirect_vreg.gather [hbm4b:s5+s3], $0x80, v2, vm0, $0xb8;
	[tilespmem:$0x1F900] =	vst v63  }
0x10f: {  	s12 =	simm.s32 $0x17900  }
0x110: {  	[tilespmem:s12], [sflag:$0x3] =	stream.indirect_vreg.gather [hbm4b:s6+s3], $0x80, v2, vm0, $0xb8;
	[tilespmem:$0x1F900] =	vst v63  }
0x111: {  	v2 =	vld.msk [tilespmem:$0x80], $0xff;
	_ =	sdelay $0x4  }
0x112: {  	v3 =	vshrl.u32 v2, $0x3  }
0x113: {  	v3 =	vmul.u32 $0x30, v3  }
0x114: {  	v2 =	vand.u32 $0x7, v2  }
0x115: {  	v2 =	vor.u32 v2, v3  }
0x116: {  	v2 =	vperm.xlane v2, v0;
	_ =	sdelay $0x1  }
0x117: {  	v2 =	vadd.s32 v1, v2;
	_ =	sdelay $0x4  }
0x118: {  	[tilespmem:s13], [sflag:$0x3] =	stream.indirect_vreg.gather [hbm4b:s2+s3], $0x80, v2, vm0, $0xb8;
	[tilespmem:$0x1F900] =	vst v63  }
0x119: {  	_ = 	snop  }
0x11a: {  	[tilespmem:s14], [sflag:$0x3] =	stream.indirect_vreg.gather [hbm4b:s5+s3], $0x80, v2, vm0, $0xb8;
	[tilespmem:$0x1F900] =	vst v63  }
0x11b: {  	_ = 	snop  }
0x11c: {  	[tilespmem:s15], [sflag:$0x3] =	stream.indirect_vreg.gather [hbm4b:s6+s3], $0x80, v2, vm0, $0xb8;
	[tilespmem:$0x1F900] =	vst v63  }
0x11d: {  	v2 =	vld.msk [tilespmem:$0x88], $0xff;
	_ =	sdelay $0x4  }
0x11e: {  	v3 =	vshrl.u32 v2, $0x3  }
0x11f: {  	v3 =	vmul.u32 $0x30, v3  }
0x120: {  	v2 =	vand.u32 $0x7, v2  }
0x121: {  	v2 =	vor.u32 v2, v3  }
0x122: {  	v2 =	vperm.xlane v2, v0;
	_ =	sdelay $0x1  }
0x123: {  	v2 =	vadd.s32 v1, v2;
	_ =	sdelay $0x4  }
0x124: {  	[tilespmem:s16], [sflag:$0x3] =	stream.indirect_vreg.gather [hbm4b:s2+s3], $0x80, v2, vm0, $0xb8;
	[tilespmem:$0x1F900] =	vst v63  }
0x125: {  	_ = 	snop  }
0x126: {  	[tilespmem:s17], [sflag:$0x3] =	stream.indirect_vreg.gather [hbm4b:s5+s3], $0x80, v2, vm0, $0xb8;
	[tilespmem:$0x1F900] =	vst v63  }
0x127: {  	_ = 	snop  }
0x128: {  	[tilespmem:s18], [sflag:$0x3] =	stream.indirect_vreg.gather [hbm4b:s6+s3], $0x80, v2, vm0, $0xb8;
	[tilespmem:$0x1F900] =	vst v63  }
0x129: {  	v2 =	vld.msk [tilespmem:$0x90], $0xff;
	_ =	sdelay $0x4  }
0x12a: {  	v3 =	vshrl.u32 v2, $0x3  }
0x12b: {  	v3 =	vmul.u32 $0x30, v3  }
0x12c: {  	v2 =	vand.u32 $0x7, v2  }
0x12d: {  	v2 =	vor.u32 v2, v3  }
0x12e: {  	v2 =	vperm.xlane v2, v0;
	_ =	sdelay $0x1  }
0x12f: {  	v2 =	vadd.s32 v1, v2;
	_ =	sdelay $0x4  }
0x130: {  	[tilespmem:s19], [sflag:$0x3] =	stream.indirect_vreg.gather [hbm4b:s2+s3], $0x80, v2, vm0, $0xb8;
	[tilespmem:$0x1F900] =	vst v63  }
0x131: {  	_ = 	snop  }
0x132: {  	[tilespmem:s20], [sflag:$0x3] =	stream.indirect_vreg.gather [hbm4b:s5+s3], $0x80, v2, vm0, $0xb8;
	[tilespmem:$0x1F900] =	vst v63  }
0x133: {  	_ = 	snop  }
0x134: {  	[tilespmem:s21], [sflag:$0x3] =	stream.indirect_vreg.gather [hbm4b:s6+s3], $0x80, v2, vm0, $0xb8;
	[tilespmem:$0x1F900] =	vst v63  }
0x135: {  	v2 =	vld.msk [tilespmem:$0x98], $0xff;
	_ =	sdelay $0x4  }
0x136: {  	v3 =	vshrl.u32 v2, $0x3  }
0x137: {  	v3 =	vmul.u32 $0x30, v3  }
0x138: {  	v2 =	vand.u32 $0x7, v2  }
0x139: {  	v2 =	vor.u32 v2, v3  }
0x13a: {  	v2 =	vperm.xlane v2, v0;
	_ =	sdelay $0x1  }
0x13b: {  	v2 =	vadd.s32 v1, v2;
	_ =	sdelay $0x4  }
0x13c: {  	[tilespmem:s22], [sflag:$0x3] =	stream.indirect_vreg.gather [hbm4b:s2+s3], $0x80, v2, vm0, $0xb8;
	[tilespmem:$0x1F900] =	vst v63  }
0x13d: {  	_ = 	snop  }
0x13e: {  	[tilespmem:s23], [sflag:$0x3] =	stream.indirect_vreg.gather [hbm4b:s5+s3], $0x80, v2, vm0, $0xb8;
	[tilespmem:$0x1F900] =	vst v63  }
0x13f: {  	_ = 	snop  }
0x140: {  	[tilespmem:s24], [sflag:$0x3] =	stream.indirect_vreg.gather [hbm4b:s6+s3], $0x80, v2, vm0, $0xb8;
	[tilespmem:$0x1F900] =	vst v63  }
0x141: {  	v2 =	vld.msk [tilespmem:$0xA0], $0xff;
	_ =	sdelay $0x4  }
0x142: {  	v3 =	vshrl.u32 v2, $0x3  }
0x143: {  	v3 =	vmul.u32 $0x30, v3  }
0x144: {  	v2 =	vand.u32 $0x7, v2  }
0x145: {  	v2 =	vor.u32 v2, v3  }
0x146: {  	v2 =	vperm.xlane v2, v0;
	_ =	sdelay $0x1  }
0x147: {  	v2 =	vadd.s32 v1, v2;
	_ =	sdelay $0x4  }
0x148: {  	[tilespmem:s25], [sflag:$0x3] =	stream.indirect_vreg.gather [hbm4b:s2+s3], $0x80, v2, vm0, $0xb8;
	[tilespmem:$0x1F900] =	vst v63  }
0x149: {  	_ = 	snop  }
0x14a: {  	[tilespmem:s26], [sflag:$0x3] =	stream.indirect_vreg.gather [hbm4b:s5+s3], $0x80, v2, vm0, $0xb8;
	[tilespmem:$0x1F900] =	vst v63  }
0x14b: {  	_ = 	snop  }
0x14c: {  	[tilespmem:s28], [sflag:$0x3] =	stream.indirect_vreg.gather [hbm4b:s6+s3], $0x80, v2, vm0, $0xb8;
	[tilespmem:$0x1F900] =	vst v63  }
0x14d: {  	_ =	swait.ge [sflag:s29], $0x1800  }
0x14e: {  	[sflag:s29] =	ssyncset.done $0x0  }
0x14f: {  	[sflag:s29] =	ssyncadd.s32 $0xFFFFE800  }
0x150: {  	_ =	swait.ge [sflag:s29], $0x1800  }
0x151: {  	[sflag:s29] =	ssyncset.done $0x0  }
0x152: {  	[sflag:s29] =	ssyncadd.s32 $0xFFFFE800  }
0x153: {  	_ =	swait.ge [sflag:s29], $0x1800  }
0x154: {  	[sflag:s29] =	ssyncset.done $0x0  }
0x155: {  	[sflag:s29] =	ssyncadd.s32 $0xFFFFE800  }
0x156: {  	_ =	swait.ge [sflag:s29], $0x1800  }
0x157: {  	[sflag:s29] =	ssyncset.done $0x0  }
0x158: {  	[sflag:s29] =	ssyncadd.s32 $0xFFFFE800  }
0x159: {  	_ =	swait.ge [sflag:s29], $0x1800  }
0x15a: {  	[sflag:s29] =	ssyncset.done $0x0  }
0x15b: {  	[sflag:s29] =	ssyncadd.s32 $0xFFFFE800  }
0x15c: {  	_ =	swait.ge [sflag:s29], $0x1800  }
0x15d: {  	[sflag:s29] =	ssyncset.done $0x0  }
0x15e: {  	[sflag:s29] =	ssyncadd.s32 $0xFFFFE800  }
0x15f: {  	_ =	swait.ge [sflag:s29], $0x1800  }
0x160: {  	[sflag:s29] =	ssyncset.done $0x0  }
0x161: {  	[sflag:s29] =	ssyncadd.s32 $0xFFFFE800  }
0x162: {  	[hbm4b:s4+s3] =	stream.linear.scatter [tilespmem:s9], [sflag:$0x4], $0xA800, $0x38;
	[tilespmem:$0x1F900] =	vst v63  }
0x163: {  	_ =	swait.ge [sflag:s30], $0x1800  }
0x164: {  	[sflag:s30] =	ssyncset.done $0x0  }
0x165: {  	[sflag:s30] =	ssyncadd.s32 $0xFFFFE800  }
0x166: {  	_ =	swait.ge [sflag:s30], $0x1800  }
0x167: {  	[sflag:s30] =	ssyncset.done $0x0  }
0x168: {  	[sflag:s30] =	ssyncadd.s32 $0xFFFFE800  }
0x169: {  	_ =	swait.ge [sflag:s30], $0x1800  }
0x16a: {  	[sflag:s30] =	ssyncset.done $0x0  }
0x16b: {  	[sflag:s30] =	ssyncadd.s32 $0xFFFFE800  }
0x16c: {  	_ =	swait.ge [sflag:s30], $0x1800  }
0x16d: {  	[sflag:s30] =	ssyncset.done $0x0  }
0x16e: {  	[sflag:s30] =	ssyncadd.s32 $0xFFFFE800  }
0x16f: {  	_ =	swait.ge [sflag:s30], $0x1800  }
0x170: {  	[sflag:s30] =	ssyncset.done $0x0  }
0x171: {  	[sflag:s30] =	ssyncadd.s32 $0xFFFFE800  }
0x172: {  	_ =	swait.ge [sflag:s30], $0x1800  }
0x173: {  	[sflag:s30] =	ssyncset.done $0x0  }
0x174: {  	[sflag:s30] =	ssyncadd.s32 $0xFFFFE800  }
0x175: {  	_ =	swait.ge [sflag:s30], $0x1800  }
0x176: {  	[sflag:s30] =	ssyncset.done $0x0  }
0x177: {  	s12 =	rddreg [dreg:$0x4];
	[sflag:s30] =	ssyncadd.s32 $0xFFFFE800  }
0x178: {  	[hbm4b:s12+s3] =	stream.linear.scatter [tilespmem:s10], [sflag:$0x4], $0xA800, $0x38;
	[tilespmem:$0x1F900] =	vst v63  }
0x179: {  	_ =	swait.ge [sflag:s31], $0x1800  }
0x17a: {  	[sflag:s31] =	ssyncset.done $0x0  }
0x17b: {  	[sflag:s31] =	ssyncadd.s32 $0xFFFFE800  }
0x17c: {  	_ =	swait.ge [sflag:s31], $0x1800  }
0x17d: {  	[sflag:s31] =	ssyncset.done $0x0  }
0x17e: {  	[sflag:s31] =	ssyncadd.s32 $0xFFFFE800  }
0x17f: {  	_ =	swait.ge [sflag:s31], $0x1800  }
0x180: {  	[sflag:s31] =	ssyncset.done $0x0  }
0x181: {  	[sflag:s31] =	ssyncadd.s32 $0xFFFFE800  }
0x182: {  	_ =	swait.ge [sflag:s31], $0x1800  }
0x183: {  	[sflag:s31] =	ssyncset.done $0x0  }
0x184: {  	[sflag:s31] =	ssyncadd.s32 $0xFFFFE800  }
0x185: {  	_ =	swait.ge [sflag:s31], $0x1800  }
0x186: {  	[sflag:s31] =	ssyncset.done $0x0  }
0x187: {  	[sflag:s31] =	ssyncadd.s32 $0xFFFFE800  }
0x188: {  	_ =	swait.ge [sflag:s31], $0x1800  }
0x189: {  	[sflag:s31] =	ssyncset.done $0x0  }
0x18a: {  	[sflag:s31] =	ssyncadd.s32 $0xFFFFE800  }
0x18b: {  	_ =	swait.ge [sflag:s31], $0x1800  }
0x18c: {  	[sflag:s31] =	ssyncset.done $0x0  }
0x18d: {  	s12 =	rddreg [dreg:$0x5];
	[sflag:s31] =	ssyncadd.s32 $0xFFFFE800  }
0x18e: {  	[hbm4b:s12+s3] =	stream.linear.scatter [tilespmem:s11], [sflag:$0x4], $0xA800, $0x38;
	[tilespmem:$0x1F900] =	vst v63  }
0x18f: {  	_ =	swait.ge [sflag:s1], $0xA800  }
0x190: {  	[sflag:s1] =	ssyncset.done $0x0  }
0x191: {  	[sflag:s1] =	ssyncadd.s32 $0xFFFF5800  }
0x192: {  	p0 =	sne.s32 s7, $0x1;
	_ =	swait.ge [sflag:s1], $0xA800  }
.Ltmp0:
0x193: {  	[sflag:s1] =	ssyncset.done $0x0;
	(pc) =	sbr.rel @p0 .LBB2_1-.Ltmp0, $4  }
0x194: {  	[sflag:s1] =	ssyncadd.s32 $0xFFFF5800  }
0x195: {  	_ =	swait.ge [sflag:s1], $0xA800  }
0x196: {  	[sflag:s1] =	ssyncset.done $0x0  }
0x197: {  	s7 =	sadd.s32 $0xFFFFFFFF, s7;
	[sflag:s1] =	ssyncadd.s32 $0xFFFF5800  }
0x198: {  	_ =	sfence.sel $0x180000  }
0x199: {  	[bflag:$0x0] =	sbarrier.arrive $0xFFFF  }
0x19a: {  	_ =	strace $0x90000047  }
0x19b: {  	s0 =	stileid.u32;
	[bflag:$0x2] =	sbarrier.arrive $0xFFFF  }
0x19c: {  	p0 =	sne.s32 s0, $0x0;
	s0 =	rddreg [dreg:$0x2]  }
0x19d: {  	s0 =	sadd.s32 @!p0 $0x100000, s0  }
0x19e: {  	[sflag:s0] =	ssyncadd.tile.s32 @!p0 $0x1;
	_ =	shalt  }
.Lfunc_end2:
_tile_overlayer_lowered:
.L_overlay_start_2:
0x19f: {  	(tag) =	ssettag $0x2  }
0x1a0: {  	s0 =	rddreg [dreg:$0x0];
	s2 =	stileid.u32  }
0x1a1: {  	s1 =	rddreg [dreg:$0x1];
	p0 =	sne.s32 s2, $0x0  }
0x1a2: {  	s3 =	rddreg [dreg:$0x2];
	[bflag:$0x3] =	sbarrier.arrive $0xFFFF;
	s2 =	simm.s32 @!p0 $0x1C05  }
0x1a3: {  	[timem:s3], [sflag:s2] =	dma.local @!p0 [hbm:s0], s1  }
0x1a4: {  	s0 =	simm.s32 @!p0 $0x5  }
0x1a5: {  	_ =	swait.ge @!p0 [sflag:s0], s1  }
0x1a6: {  	s1 =	ssub.s32 @!p0 $0x0, s1;
	[sflag:s0] =	ssyncset.done @!p0 $0x0  }
0x1a7: {  	[sflag:s0] =	ssyncadd.s32 @!p0 s1  }
0x1a8: {  	[bflag:$0x3] =	sbarrier.arrive $0xFFFF  }
0x1a9: {  	_ =	shalt  }

</sc_bundles>
